<compile_context>
chip_gen: v7x
topology: tpu7x:2x2x1
jax: 0.10.2.dev20260603
libtpu: 0.0.44.dev20260713+nightly
codegen_flags: <defaults>
</compile_context>

<pallas_src>
import functools

import jax
import jax.numpy as jnp
from jax import lax
from jax.experimental import pallas as pl
from jax.experimental.pallas import tpu as pltpu
from jax.experimental.pallas import tpu_sc as plsc

NC = 2
NS = 16
NW = NC * NS
CHUNK = 80


def _sc_mesh():
    return plsc.VectorSubcoreMesh(core_axis_name="c", subcore_axis_name="s")


def _sub_slices(n):
    rpa = ((n // NS) // 8) * 8
    tail = n - NS * rpa
    assert tail % 8 == 0 and tail >= 0
    return rpa, tail


def _copy_striped(n, sid, copy_fn):
    rpa, tail = _sub_slices(n)
    copy_fn(pl.multiple_of(sid * rpa, 8), rpa)
    if tail:
        @pl.when(sid == 0)
        def _():
            copy_fn(NS * rpa, tail)


def _lane_shift_gather(x, lanes, delta):
    idx = jnp.clip(lanes + delta, 0, 15)
    dn = lax.GatherDimensionNumbers(
        offset_dims=(), collapsed_slice_dims=(0,), start_index_map=(0,))
    return lax.gather(x, idx[:, None], dn, (1,),
                      mode=lax.GatherScatterMode.PROMISE_IN_BOUNDS)


def _make_deg_kernel(n, ept):
    assert n % 16 == 0 and ept % 16 == 0

    @functools.partial(
        pl.kernel,
        out_type=jax.ShapeDtypeStruct((NW * n,), jnp.float32),
        mesh=_sc_mesh(),
        scratch_types=[
            pltpu.VMEM((ept,), jnp.int32),
            pltpu.VMEM((n + 16,), jnp.float32),
        ],
        compiler_params=pltpu.CompilerParams(needs_layout_passes=False),
    )
    def deg_kernel(u1, degf, uloc, degl):
        cid = lax.axis_index("c")
        sid = lax.axis_index("s")
        gidx = cid * NS + sid
        zeros16 = jnp.zeros((16,), jnp.float32)
        lanes = lax.iota(jnp.int32, 16)

        def zero(i, carry):
            degl[pl.ds(i * 16, 16)] = zeros16
            return carry

        lax.fori_loop(0, (n + 16) // 16, zero, None)
        pltpu.sync_copy(u1.at[pl.ds(pl.multiple_of(gidx * ept, 8), ept)], uloc)

        def body(k, carry):
            idx = uloc[pl.ds(pl.multiple_of(k * 16, 8), 16)]
            sk, _ = plsc.sort_key_val(idx, idx)
            prev = _lane_shift_gather(sk, lanes, -1)
            nxt = _lane_shift_gather(sk, lanes, 1)
            start = (lanes == 0) | (prev != sk)
            end = (lanes == 15) | (nxt != sk)
            start_lane = plsc.cummax(jnp.where(start, lanes, 0))
            cnt = (lanes - start_lane + 1).astype(jnp.float32)
            old = plsc.load_gather(degl, [sk], mask=end)
            plsc.store_scatter(degl, [sk], old + cnt, mask=end)
            return carry

        lax.fori_loop(0, ept // 16, body, None)
        pltpu.sync_copy(degl.at[pl.ds(0, n)],
                        degf.at[pl.ds(pl.multiple_of(gidx * n, 8), n)])

    return deg_kernel


CG = 16
RING = 3
SPC = CHUNK // CG


def _make_prop_kernel(n, d, ept, nchunk):
    assert CHUNK % CG == 0 and nchunk >= RING

    @functools.partial(
        pl.kernel,
        out_type=jax.ShapeDtypeStruct((NC, n, d), jnp.float32),
        mesh=_sc_mesh(),
        scratch_types=[
            pltpu.VMEM((ept,), jnp.int32),
            pltpu.VMEM((RING, CHUNK), jnp.int32),
            pltpu.VMEM((RING * CHUNK, d), jnp.float32),
            pltpu.VMEM_SHARED((n + 1, d), jnp.float32),
            pltpu.SemaphoreType.DMA,
            pltpu.SemaphoreType.DMA,
            pltpu.SemaphoreType.DMA,
        ],
    )
    def prop_kernel(y, u1, v3, znd, part, uloc, vidx, rows, acc, gsem, ssem, vsem):
        cid = lax.axis_index("c")
        sid = lax.axis_index("s")
        gidx = cid * NS + sid
        _copy_striped(n, sid, lambda o, r: pltpu.sync_copy(
            znd.at[pl.ds(o, r)], acc.at[pl.ds(o, r)]))
        pltpu.sync_copy(u1.at[pl.ds(pl.multiple_of(gidx * ept, 8), ept)], uloc)

        def chunk_rows(j):
            return rows.at[pl.ds(pl.multiple_of((j % RING) * CHUNK, 8), CHUNK)]

        def start_gathers(j):
            for k in range(SPC):
                idx = uloc.at[pl.ds(pl.multiple_of(j * CHUNK + k * CG, 8), CG)]
                dst = rows.at[pl.ds(
                    pl.multiple_of((j % RING) * CHUNK + k * CG, 8), CG)]
                pltpu.async_copy(y.at[idx], dst, gsem)

        def wait_gathers(j):
            for k in range(SPC):
                pltpu.make_async_copy(
                    y.at[pl.ds(0, CG)], rows.at[pl.ds(0, CG)], gsem).wait()

        def start_vload(j):
            pltpu.async_copy(v3.at[gidx, j], vidx.at[j % RING], vsem)

        def wait_vload(j):
            pltpu.make_async_copy(
                v3.at[gidx, 0], vidx.at[j % RING], vsem).wait()

        def start_scatter(j):
            pltpu.async_copy(chunk_rows(j), acc.at[vidx.at[j % RING]],
                             ssem, add=True)

        def drain_scatter():
            pltpu.make_async_copy(chunk_rows(0), acc.at[vidx.at[0]],
                                  ssem).wait()

        plsc.subcore_barrier()
        for jj in range(RING - 1):
            start_vload(jj)
            start_gathers(jj)

        def body(j, carry):
            wait_gathers(j)
            wait_vload(j)
            start_scatter(j)

            @pl.when(j + RING - 1 < nchunk)
            def _():
                @pl.when(j >= 1)
                def _():
                    drain_scatter()
                start_vload(j + RING - 1)
                start_gathers(j + RING - 1)

            return carry

        lax.fori_loop(0, nchunk, body, None)
        for _ in range(min(RING, nchunk)):
            drain_scatter()
        plsc.subcore_barrier()
        _copy_striped(n, sid, lambda o, r: pltpu.sync_copy(
            acc.at[pl.ds(o, r)], part.at[cid, pl.ds(o, r)]))

    return prop_kernel


def _dinv_from_degp(degp_blk):
    deg = jnp.sum(degp_blk[0], axis=0) + 1.0
    return lax.rsqrt(deg)


def _tc_first_body(x_ref, degp_ref, w_ref, b_ref, y_ref):
    dinv = _dinv_from_degp(degp_ref[...])[:, None]
    xw = lax.dot_general(x_ref[...], w_ref[...], (((1,), (1,)), ((), ())),
                         preferred_element_type=jnp.float32)
    y_ref[...] = (xw + b_ref[...]) * dinv


def _tc_mid_body(p_ref, yprev_ref, degp_ref, w_ref, b_ref, y_ref):
    dinv = _dinv_from_degp(degp_ref[...])[:, None]
    p = p_ref[...]
    x = jax.nn.sigmoid((p[0] + p[1] + yprev_ref[...]) * dinv)
    xw = lax.dot_general(x, w_ref[...], (((1,), (1,)), ((), ())),
                         preferred_element_type=jnp.float32)
    y_ref[...] = (xw + b_ref[...]) * dinv


def _tc_final_body(p_ref, ylast_ref, degp_ref, out_ref):
    dinv = _dinv_from_degp(degp_ref[...])[:, None]
    p = p_ref[...]
    out_ref[...] = (p[0] + p[1] + ylast_ref[...]) * dinv


def kernel(vertices, edges, W0, b0, W1, b1, W2, b2):
    n, d = vertices.shape
    e = edges.shape[0]
    u = edges[:, 0].astype(jnp.int32)
    v = edges[:, 1].astype(jnp.int32)

    nchunk = -(-e // (NW * CHUNK))
    epad = NW * CHUNK * nchunk
    if epad != e:
        u_gather = jnp.concatenate([u, jnp.zeros((epad - e,), jnp.int32)])
        u_scatter = jnp.concatenate([u, jnp.full((epad - e,), n, jnp.int32)])
        v = jnp.concatenate([v, jnp.full((epad - e,), n, jnp.int32)])
    else:
        u_gather = u_scatter = u
    ept = nchunk * CHUNK
    v3 = v.reshape(NW, nchunk, CHUNK)

    znd = jnp.zeros((n, d), jnp.float32)

    bn = 1000 if n % 1000 == 0 else n
    cnt = _make_deg_kernel(n, ept)(u_scatter)
    degv = cnt.reshape(NW, n // bn, bn).transpose(1, 0, 2)
    prop = _make_prop_kernel(n, d, ept, nchunk)

    grid = (n // bn,)
    nd_spec = pl.BlockSpec((bn, d), lambda i: (i, 0))
    part_spec = pl.BlockSpec((NC, bn, d), lambda i: (0, i, 0))
    degp_spec = pl.BlockSpec((1, NW, bn), lambda i: (i, 0, 0))
    w_spec = pl.BlockSpec((d, d), lambda i: (0, 0))
    b_spec = pl.BlockSpec((1, d), lambda i: (0, 0))
    out_nd = jax.ShapeDtypeStruct((n, d), jnp.float32)

    tc_first = pl.pallas_call(
        _tc_first_body, grid=grid,
        in_specs=[nd_spec, degp_spec, w_spec, b_spec],
        out_specs=nd_spec, out_shape=out_nd)
    tc_mid = pl.pallas_call(
        _tc_mid_body, grid=grid,
        in_specs=[part_spec, nd_spec, degp_spec, w_spec, b_spec],
        out_specs=nd_spec, out_shape=out_nd)
    tc_final = pl.pallas_call(
        _tc_final_body, grid=grid,
        in_specs=[part_spec, nd_spec, degp_spec],
        out_specs=nd_spec, out_shape=out_nd)

    y = tc_first(vertices, degv, W0, b0.reshape(1, d))
    p = prop(y, u_gather, v3, znd)
    y = tc_mid(p, y, degv, W1, b1.reshape(1, d))
    p = prop(y, u_gather, v3, znd)
    y = tc_mid(p, y, degv, W2, b2.reshape(1, d))
    p = prop(y, u_gather, v3, znd)
    return tc_final(p, y, degv)

# --- scband reference (transcript-rebuilt; emitter-appended) ---
"""Pipeline reference for scband-multi-gcnconv-22058952032941 (READ-ONLY COPY).

The authoritative reference and input builder live on the scoring server;
editing this copy changes nothing except your own understanding.
"""

import jax, jax.numpy as jnp
import numpy as np

N = 10000
E = 320000
D = 128
L = 3


def setup_inputs(seed: int = 0) -> dict:
    key = jax.random.key(seed)
    ks = jax.random.split(key, 2 + 2 * L)
    inp = {}
    inp["vertices"] = jax.random.normal(ks[0], (N, D), dtype=jnp.float32)
    edges = jax.random.randint(ks[1], (E, 3), 0, N, dtype=jnp.int32).astype(jnp.int64)
    inp["edges"] = edges
    scale = 1.0 / np.sqrt(D)
    for i in range(L):
        inp[f"W{i}"] = jax.random.uniform(ks[2 + 2 * i], (D, D), dtype=jnp.float32, minval=-scale, maxval=scale)
        inp[f"b{i}"] = jax.random.uniform(ks[3 + 2 * i], (D,), dtype=jnp.float32, minval=-scale, maxval=scale)
    return inp


def _gcn_conv(x, W, b, row, col, n):
    # x = self.lin(x)
    x = x @ W.T + b
    # deg = degree(row, N); self-loops guarantee deg >= 1
    deg = jnp.zeros((n,), dtype=x.dtype).at[row].add(1.0)
    deg_inv_sqrt = deg ** -0.5
    norm = deg_inv_sqrt[row] * deg_inv_sqrt[col]
    # message: norm.view(-1,1) * x_j, where x_j = x[row] (source), aggregated at col (target) with aggr='add'
    msg = norm[:, None] * x[row]
    return jax.ops.segment_sum(msg, col, num_segments=n)


def reference(vertices, edges, W0, b0, W1, b1, W2, b2):
    n = vertices.shape[0]
    u = edges[:, 0]
    v = edges[:, 1]
    # add_self_loops (same every layer since edge_index is unchanged by each conv)
    loop = jnp.arange(n, dtype=u.dtype)
    row = jnp.concatenate([u, loop])
    col = jnp.concatenate([v, loop])
    params = [(W0, b0), (W1, b1), (W2, b2)]
    x = vertices
    for i, (W, b) in enumerate(params):
        x = _gcn_conv(x, W, b, row, col, n)
        if i < len(params) - 1:
            x = jax.nn.sigmoid(x)
    return x

if __name__ == "__main__":
    import jax
    _d = setup_inputs()
    print(jax.jit(kernel)(*tuple(_d.values())))

</pallas_src>

<mosaic_0001>
#map = affine_map<(d0, d1) -> (0, 0)>
#map1 = affine_map<(d0, d1) -> (0)>
#map2 = affine_map<(d0, d1) -> (0, 0, 0)>
module attributes {stable_mosaic.version = 14 : i64} {
  func.func @prop_kernel(%arg0: i32, %arg1: i32, %arg2: memref<10000x128xf32, #tpu.memory_space<hbm>>, %arg3: memref<320000xi32, #tpu.memory_space<hbm>>, %arg4: memref<32x125x80xi32, #tpu.memory_space<hbm>>, %arg5: memref<10000x128xf32, #tpu.memory_space<hbm>>, %arg6: memref<2x10000x128xf32, #tpu.memory_space<hbm>>, %arg7: memref<10000xi32, #tpu.memory_space<vmem>>, %arg8: memref<3x80xi32, #tpu.memory_space<vmem>>, %arg9: memref<240x128xf32, #tpu.memory_space<vmem>>, %arg10: memref<10001x128xf32, #tpu.memory_space<vmem_shared>>, %arg11: memref<!tpu.dma_semaphore, #tpu.memory_space<semaphore_mem>>, %arg12: memref<!tpu.dma_semaphore, #tpu.memory_space<semaphore_mem>>, %arg13: memref<!tpu.dma_semaphore, #tpu.memory_space<semaphore_mem>>) attributes {dimension_semantics = [#tpu.dimension_semantics<core_parallel>, #tpu.dimension_semantics<subcore_parallel>], iteration_bounds = array<i64: 2, 16>, scalar_prefetch = 0 : i64, scratch_operands = 7 : i64, tpu.core_type = #tpu.core_type<sc_vector_subcore>, window_params = [{transform_indices = #map}, {transform_indices = #map1}, {transform_indices = #map2}, {transform_indices = #map}, {transform_indices = #map2}]} {
    %mul3A = arith.constant 16 : i32
    %mul3A_0 = arith.muli %arg0, %mul3A : i32
    %add3A = arith.addi %mul3A_0, %arg1 : i32
    %mul3A_1 = arith.constant 624 : i32
    %mul3A_2 = arith.muli %arg1, %mul3A_1 : i32
    %multiple_of3A = tpu.assume_multiple %mul3A_2, 8 : i32
    "tpu.region"() ({
      %run_scoped3A = tpu.sem_alloc : memref<!tpu.dma_semaphore, #tpu.memory_space<semaphore_mem>>
      %dma_start3A_180 = arith.constant 0 : i32
      %dma_start3A_181 = tpu.memref_slice %arg10[%multiple_of3A, %dma_start3A_180] : memref<10001x128xf32, #tpu.memory_space<vmem_shared>> -> memref<624x128xf32, #tpu.memory_space<vmem_shared>>
      %dma_start3A_182 = arith.constant 0 : i32
      %dma_start3A_183 = tpu.memref_slice %arg5[%multiple_of3A, %dma_start3A_182] : memref<10000x128xf32, #tpu.memory_space<hbm>> -> memref<624x128xf32, #tpu.memory_space<hbm>>
      tpu.enqueue_dma source(%dma_start3A_183 : memref<624x128xf32, #tpu.memory_space<hbm>>) target(%dma_start3A_181 : memref<624x128xf32, #tpu.memory_space<vmem_shared>>) target_semaphore(%run_scoped3A : memref<!tpu.dma_semaphore, #tpu.memory_space<semaphore_mem>>)
      %dma_wait3A_184 = arith.constant 0 : i32
      %dma_wait3A_185 = tpu.memref_slice %arg10[%multiple_of3A, %dma_wait3A_184] : memref<10001x128xf32, #tpu.memory_space<vmem_shared>> -> memref<624x128xf32, #tpu.memory_space<vmem_shared>>
      %dma_wait3A_186 = arith.constant 0 : i32
      %dma_wait3A_187 = tpu.memref_slice %arg5[%multiple_of3A, %dma_wait3A_186] : memref<10000x128xf32, #tpu.memory_space<hbm>> -> memref<624x128xf32, #tpu.memory_space<hbm>>
      tpu.wait_dma2 semaphore(%run_scoped3A : memref<!tpu.dma_semaphore, #tpu.memory_space<semaphore_mem>>) src(%dma_wait3A_187 : memref<624x128xf32, #tpu.memory_space<hbm>>) dst(%dma_wait3A_185 : memref<624x128xf32, #tpu.memory_space<vmem_shared>>)
      tpu.yield
    }) : () -> ()
    %eq3A = arith.constant 0 : i32
    %eq3A_3 = arith.cmpi eq, %arg1, %eq3A : i32
    %convert_element_type3A = arith.extui %eq3A_3 : i1 to i32
    %cond3A = arith.constant 0 : i32
    %cond3A_4 = arith.cmpi ne, %convert_element_type3A, %cond3A : i32
    scf.if %cond3A_4 {
      "tpu.region"() ({
        %run_scoped3A = tpu.sem_alloc : memref<!tpu.dma_semaphore, #tpu.memory_space<semaphore_mem>>
        %dma_start3A_180 = arith.constant 9984 : i32
        %dma_start3A_181 = arith.constant 0 : i32
        %dma_start3A_182 = tpu.memref_slice %arg10[%dma_start3A_180, %dma_start3A_181] : memref<10001x128xf32, #tpu.memory_space<vmem_shared>> -> memref<16x128xf32, #tpu.memory_space<vmem_shared>>
        %dma_start3A_183 = arith.constant 9984 : i32
        %dma_start3A_184 = arith.constant 0 : i32
        %dma_start3A_185 = tpu.memref_slice %arg5[%dma_start3A_183, %dma_start3A_184] : memref<10000x128xf32, #tpu.memory_space<hbm>> -> memref<16x128xf32, #tpu.memory_space<hbm>>
        tpu.enqueue_dma source(%dma_start3A_185 : memref<16x128xf32, #tpu.memory_space<hbm>>) target(%dma_start3A_182 : memref<16x128xf32, #tpu.memory_space<vmem_shared>>) target_semaphore(%run_scoped3A : memref<!tpu.dma_semaphore, #tpu.memory_space<semaphore_mem>>)
        %dma_wait3A_186 = arith.constant 9984 : i32
        %dma_wait3A_187 = arith.constant 0 : i32
        %dma_wait3A_188 = tpu.memref_slice %arg10[%dma_wait3A_186, %dma_wait3A_187] : memref<10001x128xf32, #tpu.memory_space<vmem_shared>> -> memref<16x128xf32, #tpu.memory_space<vmem_shared>>
        %dma_wait3A_189 = arith.constant 9984 : i32
        %dma_wait3A_190 = arith.constant 0 : i32
        %dma_wait3A_191 = tpu.memref_slice %arg5[%dma_wait3A_189, %dma_wait3A_190] : memref<10000x128xf32, #tpu.memory_space<hbm>> -> memref<16x128xf32, #tpu.memory_space<hbm>>
        tpu.wait_dma2 semaphore(%run_scoped3A : memref<!tpu.dma_semaphore, #tpu.memory_space<semaphore_mem>>) src(%dma_wait3A_191 : memref<16x128xf32, #tpu.memory_space<hbm>>) dst(%dma_wait3A_188 : memref<16x128xf32, #tpu.memory_space<vmem_shared>>)
        tpu.yield
      }) : () -> ()
    } else {
    }
    %mul3A_5 = arith.constant 10000 : i32
    %mul3A_6 = arith.muli %add3A, %mul3A_5 : i32
    %multiple_of3A_7 = tpu.assume_multiple %mul3A_6, 8 : i32
    "tpu.region"() ({
      %run_scoped3A = tpu.sem_alloc : memref<!tpu.dma_semaphore, #tpu.memory_space<semaphore_mem>>
      %dma_start3A_180 = tpu.memref_slice %arg3[%multiple_of3A_7] : memref<320000xi32, #tpu.memory_space<hbm>> -> memref<10000xi32, #tpu.memory_space<hbm>>
      %dma_start3A_181 = tpu.memref_slice %arg3[%multiple_of3A_7] : memref<320000xi32, #tpu.memory_space<hbm>> -> memref<10000xi32, #tpu.memory_space<hbm>>
      tpu.enqueue_dma source(%dma_start3A_181 : memref<10000xi32, #tpu.memory_space<hbm>>) target(%arg7 : memref<10000xi32, #tpu.memory_space<vmem>>) target_semaphore(%run_scoped3A : memref<!tpu.dma_semaphore, #tpu.memory_space<semaphore_mem>>)
      %dma_wait3A_182 = tpu.memref_slice %arg3[%multiple_of3A_7] : memref<320000xi32, #tpu.memory_space<hbm>> -> memref<10000xi32, #tpu.memory_space<hbm>>
      %dma_wait3A_183 = tpu.memref_slice %arg3[%multiple_of3A_7] : memref<320000xi32, #tpu.memory_space<hbm>> -> memref<10000xi32, #tpu.memory_space<hbm>>
      tpu.wait_dma2 semaphore(%run_scoped3A : memref<!tpu.dma_semaphore, #tpu.memory_space<semaphore_mem>>) src(%dma_wait3A_183 : memref<10000xi32, #tpu.memory_space<hbm>>) dst(%arg7 : memref<10000xi32, #tpu.memory_space<vmem>>)
      tpu.yield
    }) : () -> ()
    %barrier3A = arith.constant 0 : index
    tpu.barrier barrier_id(%barrier3A)
    %dma_start3A = arith.constant 0 : i32
    %dma_start3A_8 = arith.constant 0 : i32
    %dma_start3A_9 = arith.constant 0 : i32
    %dma_start3A_10 = tpu.memref_slice %arg8[%dma_start3A_8, %dma_start3A_9] : memref<3x80xi32, #tpu.memory_space<vmem>> -> memref<1x80xi32, #tpu.memory_space<vmem>>
    %dma_start3A_11 = tpu.memref_squeeze %dma_start3A_10 : memref<1x80xi32, #tpu.memory_space<vmem>> -> memref<80xi32, #tpu.memory_space<vmem>>
    %dma_start3A_12 = arith.constant 0 : i32
    %dma_start3A_13 = tpu.memref_slice %arg4[%add3A, %dma_start3A, %dma_start3A_12] : memref<32x125x80xi32, #tpu.memory_space<hbm>> -> memref<1x1x80xi32, #tpu.memory_space<hbm>>
    %dma_start3A_14 = tpu.memref_squeeze %dma_start3A_13 : memref<1x1x80xi32, #tpu.memory_space<hbm>> -> memref<80xi32, #tpu.memory_space<hbm>>
    %dma_start3A_15 = arith.constant 0 : i32
    %dma_start3A_16 = tpu.memref_slice %arg8[%dma_start3A_8, %dma_start3A_15] : memref<3x80xi32, #tpu.memory_space<vmem>> -> memref<1x80xi32, #tpu.memory_space<vmem>>
    %dma_start3A_17 = tpu.memref_squeeze %dma_start3A_16 : memref<1x80xi32, #tpu.memory_space<vmem>> -> memref<80xi32, #tpu.memory_space<vmem>>
    %dma_start3A_18 = arith.constant 0 : i32
    %dma_start3A_19 = tpu.memref_slice %arg4[%add3A, %dma_start3A, %dma_start3A_18] : memref<32x125x80xi32, #tpu.memory_space<hbm>> -> memref<1x1x80xi32, #tpu.memory_space<hbm>>
    %dma_start3A_20 = tpu.memref_squeeze %dma_start3A_19 : memref<1x1x80xi32, #tpu.memory_space<hbm>> -> memref<80xi32, #tpu.memory_space<hbm>>
    tpu.enqueue_dma source(%dma_start3A_20 : memref<80xi32, #tpu.memory_space<hbm>>) target(%dma_start3A_17 : memref<80xi32, #tpu.memory_space<vmem>>) target_semaphore(%arg13 : memref<!tpu.dma_semaphore, #tpu.memory_space<semaphore_mem>>)
    %multiple_of3A_21 = arith.constant 0 : i32
    %multiple_of3A_22 = tpu.assume_multiple %multiple_of3A_21, 8 : i32
    %multiple_of3A_23 = arith.constant 0 : i32
    %multiple_of3A_24 = tpu.assume_multiple %multiple_of3A_23, 8 : i32
    %dma_start3A_25 = arith.constant 0 : i32
    %dma_start3A_26 = tpu.memref_slice %arg9[%multiple_of3A_24, %dma_start3A_25] : memref<240x128xf32, #tpu.memory_space<vmem>> -> memref<16x128xf32, #tpu.memory_space<vmem>>
    %dma_start3A_27 = tpu.memref_slice %arg7[%multiple_of3A_22] : memref<10000xi32, #tpu.memory_space<vmem>> -> memref<16xi32, #tpu.memory_space<vmem>>
    %dma_start3A_28 = arith.constant 0 : i32
    %dma_start3A_29 = arith.constant 0 : i32
    %dma_start3A_30 = tpu.memref_slice %arg2[%dma_start3A_28, %dma_start3A_29] : memref<10000x128xf32, #tpu.memory_space<hbm>> -> memref<10000x128xf32, #tpu.memory_space<hbm>>
    tpu.enqueue_indirect_dma source(%dma_start3A_30 : memref<10000x128xf32, #tpu.memory_space<hbm>>) target(%dma_start3A_26 : memref<16x128xf32, #tpu.memory_space<vmem>>) offsets(%dma_start3A_27 : memref<16xi32, #tpu.memory_space<vmem>>) semaphore(%arg11 : memref<!tpu.dma_semaphore, #tpu.memory_space<semaphore_mem>>)
    %multiple_of3A_31 = arith.constant 16 : i32
    %multiple_of3A_32 = tpu.assume_multiple %multiple_of3A_31, 8 : i32
    %multiple_of3A_33 = arith.constant 16 : i32
    %multiple_of3A_34 = tpu.assume_multiple %multiple_of3A_33, 8 : i32
    %dma_start3A_35 = arith.constant 0 : i32
    %dma_start3A_36 = tpu.memref_slice %arg9[%multiple_of3A_34, %dma_start3A_35] : memref<240x128xf32, #tpu.memory_space<vmem>> -> memref<16x128xf32, #tpu.memory_space<vmem>>
    %dma_start3A_37 = tpu.memref_slice %arg7[%multiple_of3A_32] : memref<10000xi32, #tpu.memory_space<vmem>> -> memref<16xi32, #tpu.memory_space<vmem>>
    %dma_start3A_38 = arith.constant 0 : i32
    %dma_start3A_39 = arith.constant 0 : i32
    %dma_start3A_40 = tpu.memref_slice %arg2[%dma_start3A_38, %dma_start3A_39] : memref<10000x128xf32, #tpu.memory_space<hbm>> -> memref<10000x128xf32, #tpu.memory_space<hbm>>
    tpu.enqueue_indirect_dma source(%dma_start3A_40 : memref<10000x128xf32, #tpu.memory_space<hbm>>) target(%dma_start3A_36 : memref<16x128xf32, #tpu.memory_space<vmem>>) offsets(%dma_start3A_37 : memref<16xi32, #tpu.memory_space<vmem>>) semaphore(%arg11 : memref<!tpu.dma_semaphore, #tpu.memory_space<semaphore_mem>>)
    %multiple_of3A_41 = arith.constant 32 : i32
    %multiple_of3A_42 = tpu.assume_multiple %multiple_of3A_41, 8 : i32
    %multiple_of3A_43 = arith.constant 32 : i32
    %multiple_of3A_44 = tpu.assume_multiple %multiple_of3A_43, 8 : i32
    %dma_start3A_45 = arith.constant 0 : i32
    %dma_start3A_46 = tpu.memref_slice %arg9[%multiple_of3A_44, %dma_start3A_45] : memref<240x128xf32, #tpu.memory_space<vmem>> -> memref<16x128xf32, #tpu.memory_space<vmem>>
    %dma_start3A_47 = tpu.memref_slice %arg7[%multiple_of3A_42] : memref<10000xi32, #tpu.memory_space<vmem>> -> memref<16xi32, #tpu.memory_space<vmem>>
    %dma_start3A_48 = arith.constant 0 : i32
    %dma_start3A_49 = arith.constant 0 : i32
    %dma_start3A_50 = tpu.memref_slice %arg2[%dma_start3A_48, %dma_start3A_49] : memref<10000x128xf32, #tpu.memory_space<hbm>> -> memref<10000x128xf32, #tpu.memory_space<hbm>>
    tpu.enqueue_indirect_dma source(%dma_start3A_50 : memref<10000x128xf32, #tpu.memory_space<hbm>>) target(%dma_start3A_46 : memref<16x128xf32, #tpu.memory_space<vmem>>) offsets(%dma_start3A_47 : memref<16xi32, #tpu.memory_space<vmem>>) semaphore(%arg11 : memref<!tpu.dma_semaphore, #tpu.memory_space<semaphore_mem>>)
    %multiple_of3A_51 = arith.constant 48 : i32
    %multiple_of3A_52 = tpu.assume_multiple %multiple_of3A_51, 8 : i32
    %multiple_of3A_53 = arith.constant 48 : i32
    %multiple_of3A_54 = tpu.assume_multiple %multiple_of3A_53, 8 : i32
    %dma_start3A_55 = arith.constant 0 : i32
    %dma_start3A_56 = tpu.memref_slice %arg9[%multiple_of3A_54, %dma_start3A_55] : memref<240x128xf32, #tpu.memory_space<vmem>> -> memref<16x128xf32, #tpu.memory_space<vmem>>
    %dma_start3A_57 = tpu.memref_slice %arg7[%multiple_of3A_52] : memref<10000xi32, #tpu.memory_space<vmem>> -> memref<16xi32, #tpu.memory_space<vmem>>
    %dma_start3A_58 = arith.constant 0 : i32
    %dma_start3A_59 = arith.constant 0 : i32
    %dma_start3A_60 = tpu.memref_slice %arg2[%dma_start3A_58, %dma_start3A_59] : memref<10000x128xf32, #tpu.memory_space<hbm>> -> memref<10000x128xf32, #tpu.memory_space<hbm>>
    tpu.enqueue_indirect_dma source(%dma_start3A_60 : memref<10000x128xf32, #tpu.memory_space<hbm>>) target(%dma_start3A_56 : memref<16x128xf32, #tpu.memory_space<vmem>>) offsets(%dma_start3A_57 : memref<16xi32, #tpu.memory_space<vmem>>) semaphore(%arg11 : memref<!tpu.dma_semaphore, #tpu.memory_space<semaphore_mem>>)
    %multiple_of3A_61 = arith.constant 64 : i32
    %multiple_of3A_62 = tpu.assume_multiple %multiple_of3A_61, 8 : i32
    %multiple_of3A_63 = arith.constant 64 : i32
    %multiple_of3A_64 = tpu.assume_multiple %multiple_of3A_63, 8 : i32
    %dma_start3A_65 = arith.constant 0 : i32
    %dma_start3A_66 = tpu.memref_slice %arg9[%multiple_of3A_64, %dma_start3A_65] : memref<240x128xf32, #tpu.memory_space<vmem>> -> memref<16x128xf32, #tpu.memory_space<vmem>>
    %dma_start3A_67 = tpu.memref_slice %arg7[%multiple_of3A_62] : memref<10000xi32, #tpu.memory_space<vmem>> -> memref<16xi32, #tpu.memory_space<vmem>>
    %dma_start3A_68 = arith.constant 0 : i32
    %dma_start3A_69 = arith.constant 0 : i32
    %dma_start3A_70 = tpu.memref_slice %arg2[%dma_start3A_68, %dma_start3A_69] : memref<10000x128xf32, #tpu.memory_space<hbm>> -> memref<10000x128xf32, #tpu.memory_space<hbm>>
    tpu.enqueue_indirect_dma source(%dma_start3A_70 : memref<10000x128xf32, #tpu.memory_space<hbm>>) target(%dma_start3A_66 : memref<16x128xf32, #tpu.memory_space<vmem>>) offsets(%dma_start3A_67 : memref<16xi32, #tpu.memory_space<vmem>>) semaphore(%arg11 : memref<!tpu.dma_semaphore, #tpu.memory_space<semaphore_mem>>)
    %dma_start3A_71 = arith.constant 1 : i32
    %dma_start3A_72 = arith.constant 1 : i32
    %dma_start3A_73 = arith.constant 0 : i32
    %dma_start3A_74 = tpu.memref_slice %arg8[%dma_start3A_72, %dma_start3A_73] : memref<3x80xi32, #tpu.memory_space<vmem>> -> memref<1x80xi32, #tpu.memory_space<vmem>>
    %dma_start3A_75 = tpu.memref_squeeze %dma_start3A_74 : memref<1x80xi32, #tpu.memory_space<vmem>> -> memref<80xi32, #tpu.memory_space<vmem>>
    %dma_start3A_76 = arith.constant 0 : i32
    %dma_start3A_77 = tpu.memref_slice %arg4[%add3A, %dma_start3A_71, %dma_start3A_76] : memref<32x125x80xi32, #tpu.memory_space<hbm>> -> memref<1x1x80xi32, #tpu.memory_space<hbm>>
    %dma_start3A_78 = tpu.memref_squeeze %dma_start3A_77 : memref<1x1x80xi32, #tpu.memory_space<hbm>> -> memref<80xi32, #tpu.memory_space<hbm>>
    %dma_start3A_79 = arith.constant 0 : i32
    %dma_start3A_80 = tpu.memref_slice %arg8[%dma_start3A_72, %dma_start3A_79] : memref<3x80xi32, #tpu.memory_space<vmem>> -> memref<1x80xi32, #tpu.memory_space<vmem>>
    %dma_start3A_81 = tpu.memref_squeeze %dma_start3A_80 : memref<1x80xi32, #tpu.memory_space<vmem>> -> memref<80xi32, #tpu.memory_space<vmem>>
    %dma_start3A_82 = arith.constant 0 : i32
    %dma_start3A_83 = tpu.memref_slice %arg4[%add3A, %dma_start3A_71, %dma_start3A_82] : memref<32x125x80xi32, #tpu.memory_space<hbm>> -> memref<1x1x80xi32, #tpu.memory_space<hbm>>
    %dma_start3A_84 = tpu.memref_squeeze %dma_start3A_83 : memref<1x1x80xi32, #tpu.memory_space<hbm>> -> memref<80xi32, #tpu.memory_space<hbm>>
    tpu.enqueue_dma source(%dma_start3A_84 : memref<80xi32, #tpu.memory_space<hbm>>) target(%dma_start3A_81 : memref<80xi32, #tpu.memory_space<vmem>>) target_semaphore(%arg13 : memref<!tpu.dma_semaphore, #tpu.memory_space<semaphore_mem>>)
    %multiple_of3A_85 = arith.constant 80 : i32
    %multiple_of3A_86 = tpu.assume_multiple %multiple_of3A_85, 8 : i32
    %multiple_of3A_87 = arith.constant 80 : i32
    %multiple_of3A_88 = tpu.assume_multiple %multiple_of3A_87, 8 : i32
    %dma_start3A_89 = arith.constant 0 : i32
    %dma_start3A_90 = tpu.memref_slice %arg9[%multiple_of3A_88, %dma_start3A_89] : memref<240x128xf32, #tpu.memory_space<vmem>> -> memref<16x128xf32, #tpu.memory_space<vmem>>
    %dma_start3A_91 = tpu.memref_slice %arg7[%multiple_of3A_86] : memref<10000xi32, #tpu.memory_space<vmem>> -> memref<16xi32, #tpu.memory_space<vmem>>
    %dma_start3A_92 = arith.constant 0 : i32
    %dma_start3A_93 = arith.constant 0 : i32
    %dma_start3A_94 = tpu.memref_slice %arg2[%dma_start3A_92, %dma_start3A_93] : memref<10000x128xf32, #tpu.memory_space<hbm>> -> memref<10000x128xf32, #tpu.memory_space<hbm>>
    tpu.enqueue_indirect_dma source(%dma_start3A_94 : memref<10000x128xf32, #tpu.memory_space<hbm>>) target(%dma_start3A_90 : memref<16x128xf32, #tpu.memory_space<vmem>>) offsets(%dma_start3A_91 : memref<16xi32, #tpu.memory_space<vmem>>) semaphore(%arg11 : memref<!tpu.dma_semaphore, #tpu.memory_space<semaphore_mem>>)
    %multiple_of3A_95 = arith.constant 96 : i32
    %multiple_of3A_96 = tpu.assume_multiple %multiple_of3A_95, 8 : i32
    %multiple_of3A_97 = arith.constant 96 : i32
    %multiple_of3A_98 = tpu.assume_multiple %multiple_of3A_97, 8 : i32
    %dma_start3A_99 = arith.constant 0 : i32
    %dma_start3A_100 = tpu.memref_slice %arg9[%multiple_of3A_98, %dma_start3A_99] : memref<240x128xf32, #tpu.memory_space<vmem>> -> memref<16x128xf32, #tpu.memory_space<vmem>>
    %dma_start3A_101 = tpu.memref_slice %arg7[%multiple_of3A_96] : memref<10000xi32, #tpu.memory_space<vmem>> -> memref<16xi32, #tpu.memory_space<vmem>>
    %dma_start3A_102 = arith.constant 0 : i32
    %dma_start3A_103 = arith.constant 0 : i32
    %dma_start3A_104 = tpu.memref_slice %arg2[%dma_start3A_102, %dma_start3A_103] : memref<10000x128xf32, #tpu.memory_space<hbm>> -> memref<10000x128xf32, #tpu.memory_space<hbm>>
    tpu.enqueue_indirect_dma source(%dma_start3A_104 : memref<10000x128xf32, #tpu.memory_space<hbm>>) target(%dma_start3A_100 : memref<16x128xf32, #tpu.memory_space<vmem>>) offsets(%dma_start3A_101 : memref<16xi32, #tpu.memory_space<vmem>>) semaphore(%arg11 : memref<!tpu.dma_semaphore, #tpu.memory_space<semaphore_mem>>)
    %multiple_of3A_105 = arith.constant 112 : i32
    %multiple_of3A_106 = tpu.assume_multiple %multiple_of3A_105, 8 : i32
    %multiple_of3A_107 = arith.constant 112 : i32
    %multiple_of3A_108 = tpu.assume_multiple %multiple_of3A_107, 8 : i32
    %dma_start3A_109 = arith.constant 0 : i32
    %dma_start3A_110 = tpu.memref_slice %arg9[%multiple_of3A_108, %dma_start3A_109] : memref<240x128xf32, #tpu.memory_space<vmem>> -> memref<16x128xf32, #tpu.memory_space<vmem>>
    %dma_start3A_111 = tpu.memref_slice %arg7[%multiple_of3A_106] : memref<10000xi32, #tpu.memory_space<vmem>> -> memref<16xi32, #tpu.memory_space<vmem>>
    %dma_start3A_112 = arith.constant 0 : i32
    %dma_start3A_113 = arith.constant 0 : i32
    %dma_start3A_114 = tpu.memref_slice %arg2[%dma_start3A_112, %dma_start3A_113] : memref<10000x128xf32, #tpu.memory_space<hbm>> -> memref<10000x128xf32, #tpu.memory_space<hbm>>
    tpu.enqueue_indirect_dma source(%dma_start3A_114 : memref<10000x128xf32, #tpu.memory_space<hbm>>) target(%dma_start3A_110 : memref<16x128xf32, #tpu.memory_space<vmem>>) offsets(%dma_start3A_111 : memref<16xi32, #tpu.memory_space<vmem>>) semaphore(%arg11 : memref<!tpu.dma_semaphore, #tpu.memory_space<semaphore_mem>>)
    %multiple_of3A_115 = arith.constant 128 : i32
    %multiple_of3A_116 = tpu.assume_multiple %multiple_of3A_115, 8 : i32
    %multiple_of3A_117 = arith.constant 128 : i32
    %multiple_of3A_118 = tpu.assume_multiple %multiple_of3A_117, 8 : i32
    %dma_start3A_119 = arith.constant 0 : i32
    %dma_start3A_120 = tpu.memref_slice %arg9[%multiple_of3A_118, %dma_start3A_119] : memref<240x128xf32, #tpu.memory_space<vmem>> -> memref<16x128xf32, #tpu.memory_space<vmem>>
    %dma_start3A_121 = tpu.memref_slice %arg7[%multiple_of3A_116] : memref<10000xi32, #tpu.memory_space<vmem>> -> memref<16xi32, #tpu.memory_space<vmem>>
    %dma_start3A_122 = arith.constant 0 : i32
    %dma_start3A_123 = arith.constant 0 : i32
    %dma_start3A_124 = tpu.memref_slice %arg2[%dma_start3A_122, %dma_start3A_123] : memref<10000x128xf32, #tpu.memory_space<hbm>> -> memref<10000x128xf32, #tpu.memory_space<hbm>>
    tpu.enqueue_indirect_dma source(%dma_start3A_124 : memref<10000x128xf32, #tpu.memory_space<hbm>>) target(%dma_start3A_120 : memref<16x128xf32, #tpu.memory_space<vmem>>) offsets(%dma_start3A_121 : memref<16xi32, #tpu.memory_space<vmem>>) semaphore(%arg11 : memref<!tpu.dma_semaphore, #tpu.memory_space<semaphore_mem>>)
    %multiple_of3A_125 = arith.constant 144 : i32
    %multiple_of3A_126 = tpu.assume_multiple %multiple_of3A_125, 8 : i32
    %multiple_of3A_127 = arith.constant 144 : i32
    %multiple_of3A_128 = tpu.assume_multiple %multiple_of3A_127, 8 : i32
    %dma_start3A_129 = arith.constant 0 : i32
    %dma_start3A_130 = tpu.memref_slice %arg9[%multiple_of3A_128, %dma_start3A_129] : memref<240x128xf32, #tpu.memory_space<vmem>> -> memref<16x128xf32, #tpu.memory_space<vmem>>
    %dma_start3A_131 = tpu.memref_slice %arg7[%multiple_of3A_126] : memref<10000xi32, #tpu.memory_space<vmem>> -> memref<16xi32, #tpu.memory_space<vmem>>
    %dma_start3A_132 = arith.constant 0 : i32
    %dma_start3A_133 = arith.constant 0 : i32
    %dma_start3A_134 = tpu.memref_slice %arg2[%dma_start3A_132, %dma_start3A_133] : memref<10000x128xf32, #tpu.memory_space<hbm>> -> memref<10000x128xf32, #tpu.memory_space<hbm>>
    tpu.enqueue_indirect_dma source(%dma_start3A_134 : memref<10000x128xf32, #tpu.memory_space<hbm>>) target(%dma_start3A_130 : memref<16x128xf32, #tpu.memory_space<vmem>>) offsets(%dma_start3A_131 : memref<16xi32, #tpu.memory_space<vmem>>) semaphore(%arg11 : memref<!tpu.dma_semaphore, #tpu.memory_space<semaphore_mem>>)
    %scan3A = arith.constant 0 : i32
    %scan3A_135 = arith.constant 125 : i32
    %scan3A_136 = arith.addi %scan3A, %scan3A_135 : i32
    %scan3A_137 = arith.constant 1 : i32
    scf.for %scan3A_180 = %scan3A to %scan3A_136 step %scan3A_137  : i32 {
      %dma_wait3A_181 = arith.constant 0 : i32
      %dma_wait3A_182 = arith.constant 0 : i32
      %dma_wait3A_183 = tpu.memref_slice %arg9[%dma_wait3A_181, %dma_wait3A_182] : memref<240x128xf32, #tpu.memory_space<vmem>> -> memref<16x128xf32, #tpu.memory_space<vmem>>
      %dma_wait3A_184 = arith.constant 0 : i32
      %dma_wait3A_185 = arith.constant 0 : i32
      %dma_wait3A_186 = tpu.memref_slice %arg2[%dma_wait3A_184, %dma_wait3A_185] : memref<10000x128xf32, #tpu.memory_space<hbm>> -> memref<16x128xf32, #tpu.memory_space<hbm>>
      %dma_wait3A_187 = arith.constant 0 : i32
      %dma_wait3A_188 = arith.constant 0 : i32
      %dma_wait3A_189 = tpu.memref_slice %arg9[%dma_wait3A_187, %dma_wait3A_188] : memref<240x128xf32, #tpu.memory_space<vmem>> -> memref<16x128xf32, #tpu.memory_space<vmem>>
      %dma_wait3A_190 = arith.constant 0 : i32
      %dma_wait3A_191 = arith.constant 0 : i32
      %dma_wait3A_192 = tpu.memref_slice %arg2[%dma_wait3A_190, %dma_wait3A_191] : memref<10000x128xf32, #tpu.memory_space<hbm>> -> memref<16x128xf32, #tpu.memory_space<hbm>>
      tpu.wait_dma2 semaphore(%arg11 : memref<!tpu.dma_semaphore, #tpu.memory_space<semaphore_mem>>) src(%dma_wait3A_192 : memref<16x128xf32, #tpu.memory_space<hbm>>) dst(%dma_wait3A_189 : memref<16x128xf32, #tpu.memory_space<vmem>>)
      %dma_wait3A_193 = arith.constant 0 : i32
      %dma_wait3A_194 = arith.constant 0 : i32
      %dma_wait3A_195 = tpu.memref_slice %arg9[%dma_wait3A_193, %dma_wait3A_194] : memref<240x128xf32, #tpu.memory_space<vmem>> -> memref<16x128xf32, #tpu.memory_space<vmem>>
      %dma_wait3A_196 = arith.constant 0 : i32
      %dma_wait3A_197 = arith.constant 0 : i32
      %dma_wait3A_198 = tpu.memref_slice %arg2[%dma_wait3A_196, %dma_wait3A_197] : memref<10000x128xf32, #tpu.memory_space<hbm>> -> memref<16x128xf32, #tpu.memory_space<hbm>>
      %dma_wait3A_199 = arith.constant 0 : i32
      %dma_wait3A_200 = arith.constant 0 : i32
      %dma_wait3A_201 = tpu.memref_slice %arg9[%dma_wait3A_199, %dma_wait3A_200] : memref<240x128xf32, #tpu.memory_space<vmem>> -> memref<16x128xf32, #tpu.memory_space<vmem>>
      %dma_wait3A_202 = arith.constant 0 : i32
      %dma_wait3A_203 = arith.constant 0 : i32
      %dma_wait3A_204 = tpu.memref_slice %arg2[%dma_wait3A_202, %dma_wait3A_203] : memref<10000x128xf32, #tpu.memory_space<hbm>> -> memref<16x128xf32, #tpu.memory_space<hbm>>
      tpu.wait_dma2 semaphore(%arg11 : memref<!tpu.dma_semaphore, #tpu.memory_space<semaphore_mem>>) src(%dma_wait3A_204 : memref<16x128xf32, #tpu.memory_space<hbm>>) dst(%dma_wait3A_201 : memref<16x128xf32, #tpu.memory_space<vmem>>)
      %dma_wait3A_205 = arith.constant 0 : i32
      %dma_wait3A_206 = arith.constant 0 : i32
      %dma_wait3A_207 = tpu.memref_slice %arg9[%dma_wait3A_205, %dma_wait3A_206] : memref<240x128xf32, #tpu.memory_space<vmem>> -> memref<16x128xf32, #tpu.memory_space<vmem>>
      %dma_wait3A_208 = arith.constant 0 : i32
      %dma_wait3A_209 = arith.constant 0 : i32
      %dma_wait3A_210 = tpu.memref_slice %arg2[%dma_wait3A_208, %dma_wait3A_209] : memref<10000x128xf32, #tpu.memory_space<hbm>> -> memref<16x128xf32, #tpu.memory_space<hbm>>
      %dma_wait3A_211 = arith.constant 0 : i32
      %dma_wait3A_212 = arith.constant 0 : i32
      %dma_wait3A_213 = tpu.memref_slice %arg9[%dma_wait3A_211, %dma_wait3A_212] : memref<240x128xf32, #tpu.memory_space<vmem>> -> memref<16x128xf32, #tpu.memory_space<vmem>>
      %dma_wait3A_214 = arith.constant 0 : i32
      %dma_wait3A_215 = arith.constant 0 : i32
      %dma_wait3A_216 = tpu.memref_slice %arg2[%dma_wait3A_214, %dma_wait3A_215] : memref<10000x128xf32, #tpu.memory_space<hbm>> -> memref<16x128xf32, #tpu.memory_space<hbm>>
      tpu.wait_dma2 semaphore(%arg11 : memref<!tpu.dma_semaphore, #tpu.memory_space<semaphore_mem>>) src(%dma_wait3A_216 : memref<16x128xf32, #tpu.memory_space<hbm>>) dst(%dma_wait3A_213 : memref<16x128xf32, #tpu.memory_space<vmem>>)
      %dma_wait3A_217 = arith.constant 0 : i32
      %dma_wait3A_218 = arith.constant 0 : i32
      %dma_wait3A_219 = tpu.memref_slice %arg9[%dma_wait3A_217, %dma_wait3A_218] : memref<240x128xf32, #tpu.memory_space<vmem>> -> memref<16x128xf32, #tpu.memory_space<vmem>>
      %dma_wait3A_220 = arith.constant 0 : i32
      %dma_wait3A_221 = arith.constant 0 : i32
      %dma_wait3A_222 = tpu.memref_slice %arg2[%dma_wait3A_220, %dma_wait3A_221] : memref<10000x128xf32, #tpu.memory_space<hbm>> -> memref<16x128xf32, #tpu.memory_space<hbm>>
      %dma_wait3A_223 = arith.constant 0 : i32
      %dma_wait3A_224 = arith.constant 0 : i32
      %dma_wait3A_225 = tpu.memref_slice %arg9[%dma_wait3A_223, %dma_wait3A_224] : memref<240x128xf32, #tpu.memory_space<vmem>> -> memref<16x128xf32, #tpu.memory_space<vmem>>
      %dma_wait3A_226 = arith.constant 0 : i32
      %dma_wait3A_227 = arith.constant 0 : i32
      %dma_wait3A_228 = tpu.memref_slice %arg2[%dma_wait3A_226, %dma_wait3A_227] : memref<10000x128xf32, #tpu.memory_space<hbm>> -> memref<16x128xf32, #tpu.memory_space<hbm>>
      tpu.wait_dma2 semaphore(%arg11 : memref<!tpu.dma_semaphore, #tpu.memory_space<semaphore_mem>>) src(%dma_wait3A_228 : memref<16x128xf32, #tpu.memory_space<hbm>>) dst(%dma_wait3A_225 : memref<16x128xf32, #tpu.memory_space<vmem>>)
      %dma_wait3A_229 = arith.constant 0 : i32
      %dma_wait3A_230 = arith.constant 0 : i32
      %dma_wait3A_231 = tpu.memref_slice %arg9[%dma_wait3A_229, %dma_wait3A_230] : memref<240x128xf32, #tpu.memory_space<vmem>> -> memref<16x128xf32, #tpu.memory_space<vmem>>
      %dma_wait3A_232 = arith.constant 0 : i32
      %dma_wait3A_233 = arith.constant 0 : i32
      %dma_wait3A_234 = tpu.memref_slice %arg2[%dma_wait3A_232, %dma_wait3A_233] : memref<10000x128xf32, #tpu.memory_space<hbm>> -> memref<16x128xf32, #tpu.memory_space<hbm>>
      %dma_wait3A_235 = arith.constant 0 : i32
      %dma_wait3A_236 = arith.constant 0 : i32
      %dma_wait3A_237 = tpu.memref_slice %arg9[%dma_wait3A_235, %dma_wait3A_236] : memref<240x128xf32, #tpu.memory_space<vmem>> -> memref<16x128xf32, #tpu.memory_space<vmem>>
      %dma_wait3A_238 = arith.constant 0 : i32
      %dma_wait3A_239 = arith.constant 0 : i32
      %dma_wait3A_240 = tpu.memref_slice %arg2[%dma_wait3A_238, %dma_wait3A_239] : memref<10000x128xf32, #tpu.memory_space<hbm>> -> memref<16x128xf32, #tpu.memory_space<hbm>>
      tpu.wait_dma2 semaphore(%arg11 : memref<!tpu.dma_semaphore, #tpu.memory_space<semaphore_mem>>) src(%dma_wait3A_240 : memref<16x128xf32, #tpu.memory_space<hbm>>) dst(%dma_wait3A_237 : memref<16x128xf32, #tpu.memory_space<vmem>>)
      %jit3A = arith.constant 3 : i32
      %eq3A_241 = arith.constant 0 : i32
      %eq3A_242 = arith.cmpi eq, %jit3A, %eq3A_241 : i32
      %jit3A_243 = arith.constant 1 : i32
      %select_n3A = arith.select %eq3A_242, %jit3A_243, %jit3A : i32
      %rem3A = arith.remsi %scan3A_180, %select_n3A : i32
      %ne3A = arith.constant 0 : i32
      %ne3A_244 = arith.cmpi ne, %rem3A, %ne3A : i32
      %lt3A = arith.constant 0 : i32
      %lt3A_245 = arith.cmpi slt, %rem3A, %lt3A : i32
      %lt3A_246 = arith.constant 0 : i32
      %lt3A_247 = arith.cmpi slt, %select_n3A, %lt3A_246 : i32
      %ne3A_248 = arith.xori %lt3A_245, %lt3A_247 : i1
      %and3A = arith.andi %ne3A_248, %ne3A_244 : i1
      %add3A_249 = arith.addi %rem3A, %select_n3A : i32
      %select_n3A_250 = arith.select %and3A, %add3A_249, %rem3A : i32
      %dma_wait3A_251 = arith.constant 0 : i32
      %dma_wait3A_252 = arith.constant 0 : i32
      %dma_wait3A_253 = tpu.memref_slice %arg8[%select_n3A_250, %dma_wait3A_252] : memref<3x80xi32, #tpu.memory_space<vmem>> -> memref<1x80xi32, #tpu.memory_space<vmem>>
      %dma_wait3A_254 = tpu.memref_squeeze %dma_wait3A_253 : memref<1x80xi32, #tpu.memory_space<vmem>> -> memref<80xi32, #tpu.memory_space<vmem>>
      %dma_wait3A_255 = arith.constant 0 : i32
      %dma_wait3A_256 = tpu.memref_slice %arg4[%add3A, %dma_wait3A_251, %dma_wait3A_255] : memref<32x125x80xi32, #tpu.memory_space<hbm>> -> memref<1x1x80xi32, #tpu.memory_space<hbm>>
      %dma_wait3A_257 = tpu.memref_squeeze %dma_wait3A_256 : memref<1x1x80xi32, #tpu.memory_space<hbm>> -> memref<80xi32, #tpu.memory_space<hbm>>
      %dma_wait3A_258 = arith.constant 0 : i32
      %dma_wait3A_259 = tpu.memref_slice %arg8[%select_n3A_250, %dma_wait3A_258] : memref<3x80xi32, #tpu.memory_space<vmem>> -> memref<1x80xi32, #tpu.memory_space<vmem>>
      %dma_wait3A_260 = tpu.memref_squeeze %dma_wait3A_259 : memref<1x80xi32, #tpu.memory_space<vmem>> -> memref<80xi32, #tpu.memory_space<vmem>>
      %dma_wait3A_261 = arith.constant 0 : i32
      %dma_wait3A_262 = tpu.memref_slice %arg4[%add3A, %dma_wait3A_251, %dma_wait3A_261] : memref<32x125x80xi32, #tpu.memory_space<hbm>> -> memref<1x1x80xi32, #tpu.memory_space<hbm>>
      %dma_wait3A_263 = tpu.memref_squeeze %dma_wait3A_262 : memref<1x1x80xi32, #tpu.memory_space<hbm>> -> memref<80xi32, #tpu.memory_space<hbm>>
      tpu.wait_dma2 semaphore(%arg13 : memref<!tpu.dma_semaphore, #tpu.memory_space<semaphore_mem>>) src(%dma_wait3A_263 : memref<80xi32, #tpu.memory_space<hbm>>) dst(%dma_wait3A_260 : memref<80xi32, #tpu.memory_space<vmem>>)
      %jit3A_264 = arith.constant 3 : i32
      %eq3A_265 = arith.constant 0 : i32
      %eq3A_266 = arith.cmpi eq, %jit3A_264, %eq3A_265 : i32
      %jit3A_267 = arith.constant 1 : i32
      %select_n3A_268 = arith.select %eq3A_266, %jit3A_267, %jit3A_264 : i32
      %rem3A_269 = arith.remsi %scan3A_180, %select_n3A_268 : i32
      %ne3A_270 = arith.constant 0 : i32
      %ne3A_271 = arith.cmpi ne, %rem3A_269, %ne3A_270 : i32
      %lt3A_272 = arith.constant 0 : i32
      %lt3A_273 = arith.cmpi slt, %rem3A_269, %lt3A_272 : i32
      %lt3A_274 = arith.constant 0 : i32
      %lt3A_275 = arith.cmpi slt, %select_n3A_268, %lt3A_274 : i32
      %ne3A_276 = arith.xori %lt3A_273, %lt3A_275 : i1
      %and3A_277 = arith.andi %ne3A_276, %ne3A_271 : i1
      %add3A_278 = arith.addi %rem3A_269, %select_n3A_268 : i32
      %select_n3A_279 = arith.select %and3A_277, %add3A_278, %rem3A_269 : i32
      %mul3A_280 = arith.constant 80 : i32
      %mul3A_281 = arith.muli %select_n3A_279, %mul3A_280 : i32
      %multiple_of3A_282 = tpu.assume_multiple %mul3A_281, 8 : i32
      %jit3A_283 = arith.constant 3 : i32
      %eq3A_284 = arith.constant 0 : i32
      %eq3A_285 = arith.cmpi eq, %jit3A_283, %eq3A_284 : i32
      %jit3A_286 = arith.constant 1 : i32
      %select_n3A_287 = arith.select %eq3A_285, %jit3A_286, %jit3A_283 : i32
      %rem3A_288 = arith.remsi %scan3A_180, %select_n3A_287 : i32
      %ne3A_289 = arith.constant 0 : i32
      %ne3A_290 = arith.cmpi ne, %rem3A_288, %ne3A_289 : i32
      %lt3A_291 = arith.constant 0 : i32
      %lt3A_292 = arith.cmpi slt, %rem3A_288, %lt3A_291 : i32
      %lt3A_293 = arith.constant 0 : i32
      %lt3A_294 = arith.cmpi slt, %select_n3A_287, %lt3A_293 : i32
      %ne3A_295 = arith.xori %lt3A_292, %lt3A_294 : i1
      %and3A_296 = arith.andi %ne3A_295, %ne3A_290 : i1
      %add3A_297 = arith.addi %rem3A_288, %select_n3A_287 : i32
      %select_n3A_298 = arith.select %and3A_296, %add3A_297, %rem3A_288 : i32
      %dma_start3A_299 = arith.constant 0 : i32
      %dma_start3A_300 = tpu.memref_slice %arg9[%multiple_of3A_282, %dma_start3A_299] : memref<240x128xf32, #tpu.memory_space<vmem>> -> memref<80x128xf32, #tpu.memory_space<vmem>>
      %dma_start3A_301 = arith.constant 0 : i32
      %dma_start3A_302 = tpu.memref_slice %arg8[%select_n3A_298, %dma_start3A_301] : memref<3x80xi32, #tpu.memory_space<vmem>> -> memref<1x80xi32, #tpu.memory_space<vmem>>
      %dma_start3A_303 = tpu.memref_squeeze %dma_start3A_302 : memref<1x80xi32, #tpu.memory_space<vmem>> -> memref<80xi32, #tpu.memory_space<vmem>>
      %dma_start3A_304 = arith.constant 0 : i32
      %dma_start3A_305 = arith.constant 0 : i32
      %dma_start3A_306 = tpu.memref_slice %arg10[%dma_start3A_304, %dma_start3A_305] : memref<10001x128xf32, #tpu.memory_space<vmem_shared>> -> memref<10001x128xf32, #tpu.memory_space<vmem_shared>>
      tpu.enqueue_indirect_dma source(%dma_start3A_300 : memref<80x128xf32, #tpu.memory_space<vmem>>) target(%dma_start3A_306 : memref<10001x128xf32, #tpu.memory_space<vmem_shared>>) offsets(%dma_start3A_303 : memref<80xi32, #tpu.memory_space<vmem>>) semaphore(%arg12 : memref<!tpu.dma_semaphore, #tpu.memory_space<semaphore_mem>>) {add = true}
      %add3A_307 = arith.constant 3 : i32
      %add3A_308 = arith.addi %scan3A_180, %add3A_307 : i32
      %sub3A = arith.constant 1 : i32
      %sub3A_309 = arith.subi %add3A_308, %sub3A : i32
      %lt3A_310 = arith.constant 125 : i32
      %lt3A_311 = arith.cmpi slt, %sub3A_309, %lt3A_310 : i32
      %convert_element_type3A_312 = arith.extui %lt3A_311 : i1 to i32
      %cond3A_313 = arith.constant 0 : i32
      %cond3A_314 = arith.cmpi ne, %convert_element_type3A_312, %cond3A_313 : i32
      scf.if %cond3A_314 {
        %ge3A = arith.constant 1 : i32
        %ge3A_315 = arith.cmpi sge, %scan3A_180, %ge3A : i32
        %convert_element_type3A_316 = arith.extui %ge3A_315 : i1 to i32
        %cond3A_317 = arith.constant 0 : i32
        %cond3A_318 = arith.cmpi ne, %convert_element_type3A_316, %cond3A_317 : i32
        scf.if %cond3A_318 {
          %multiple_of3A_515 = arith.constant 0 : i32
          %multiple_of3A_516 = tpu.assume_multiple %multiple_of3A_515, 8 : i32
          %dma_wait3A_517 = arith.constant 0 : i32
          %dma_wait3A_518 = arith.constant 0 : i32
          %dma_wait3A_519 = tpu.memref_slice %arg9[%multiple_of3A_516, %dma_wait3A_518] : memref<240x128xf32, #tpu.memory_space<vmem>> -> memref<80x128xf32, #tpu.memory_space<vmem>>
          %dma_wait3A_520 = arith.constant 0 : i32
          %dma_wait3A_521 = tpu.memref_slice %arg8[%dma_wait3A_517, %dma_wait3A_520] : memref<3x80xi32, #tpu.memory_space<vmem>> -> memref<1x80xi32, #tpu.memory_space<vmem>>
          %dma_wait3A_522 = tpu.memref_squeeze %dma_wait3A_521 : memref<1x80xi32, #tpu.memory_space<vmem>> -> memref<80xi32, #tpu.memory_space<vmem>>
          %dma_wait3A_523 = arith.constant 0 : i32
          %dma_wait3A_524 = arith.constant 0 : i32
          %dma_wait3A_525 = tpu.memref_slice %arg10[%dma_wait3A_523, %dma_wait3A_524] : memref<10001x128xf32, #tpu.memory_space<vmem_shared>> -> memref<10001x128xf32, #tpu.memory_space<vmem_shared>>
          tpu.wait_indirect_dma semaphore(%arg12 : memref<!tpu.dma_semaphore, #tpu.memory_space<semaphore_mem>>) src(%dma_wait3A_519 : memref<80x128xf32, #tpu.memory_space<vmem>>) dst(%dma_wait3A_525 : memref<10001x128xf32, #tpu.memory_space<vmem_shared>>)
        } else {
        }
        %add3A_319 = arith.constant 3 : i32
        %add3A_320 = arith.addi %scan3A_180, %add3A_319 : i32
        %sub3A_321 = arith.constant 1 : i32
        %sub3A_322 = arith.subi %add3A_320, %sub3A_321 : i32
        %jit3A_323 = arith.constant 3 : i32
        %eq3A_324 = arith.constant 0 : i32
        %eq3A_325 = arith.cmpi eq, %jit3A_323, %eq3A_324 : i32
        %jit3A_326 = arith.constant 1 : i32
        %select_n3A_327 = arith.select %eq3A_325, %jit3A_326, %jit3A_323 : i32
        %rem3A_328 = arith.remsi %sub3A_322, %select_n3A_327 : i32
        %ne3A_329 = arith.constant 0 : i32
        %ne3A_330 = arith.cmpi ne, %rem3A_328, %ne3A_329 : i32
        %lt3A_331 = arith.constant 0 : i32
        %lt3A_332 = arith.cmpi slt, %rem3A_328, %lt3A_331 : i32
        %lt3A_333 = arith.constant 0 : i32
        %lt3A_334 = arith.cmpi slt, %select_n3A_327, %lt3A_333 : i32
        %ne3A_335 = arith.xori %lt3A_332, %lt3A_334 : i1
        %and3A_336 = arith.andi %ne3A_335, %ne3A_330 : i1
        %add3A_337 = arith.addi %rem3A_328, %select_n3A_327 : i32
        %select_n3A_338 = arith.select %and3A_336, %add3A_337, %rem3A_328 : i32
        %dma_start3A_339 = arith.constant 0 : i32
        %dma_start3A_340 = tpu.memref_slice %arg8[%select_n3A_338, %dma_start3A_339] : memref<3x80xi32, #tpu.memory_space<vmem>> -> memref<1x80xi32, #tpu.memory_space<vmem>>
        %dma_start3A_341 = tpu.memref_squeeze %dma_start3A_340 : memref<1x80xi32, #tpu.memory_space<vmem>> -> memref<80xi32, #tpu.memory_space<vmem>>
        %dma_start3A_342 = arith.constant 0 : i32
        %dma_start3A_343 = tpu.memref_slice %arg4[%add3A, %sub3A_322, %dma_start3A_342] : memref<32x125x80xi32, #tpu.memory_space<hbm>> -> memref<1x1x80xi32, #tpu.memory_space<hbm>>
        %dma_start3A_344 = tpu.memref_squeeze %dma_start3A_343 : memref<1x1x80xi32, #tpu.memory_space<hbm>> -> memref<80xi32, #tpu.memory_space<hbm>>
        %dma_start3A_345 = arith.constant 0 : i32
        %dma_start3A_346 = tpu.memref_slice %arg8[%select_n3A_338, %dma_start3A_345] : memref<3x80xi32, #tpu.memory_space<vmem>> -> memref<1x80xi32, #tpu.memory_space<vmem>>
        %dma_start3A_347 = tpu.memref_squeeze %dma_start3A_346 : memref<1x80xi32, #tpu.memory_space<vmem>> -> memref<80xi32, #tpu.memory_space<vmem>>
        %dma_start3A_348 = arith.constant 0 : i32
        %dma_start3A_349 = tpu.memref_slice %arg4[%add3A, %sub3A_322, %dma_start3A_348] : memref<32x125x80xi32, #tpu.memory_space<hbm>> -> memref<1x1x80xi32, #tpu.memory_space<hbm>>
        %dma_start3A_350 = tpu.memref_squeeze %dma_start3A_349 : memref<1x1x80xi32, #tpu.memory_space<hbm>> -> memref<80xi32, #tpu.memory_space<hbm>>
        tpu.enqueue_dma source(%dma_start3A_350 : memref<80xi32, #tpu.memory_space<hbm>>) target(%dma_start3A_347 : memref<80xi32, #tpu.memory_space<vmem>>) target_semaphore(%arg13 : memref<!tpu.dma_semaphore, #tpu.memory_space<semaphore_mem>>)
        %add3A_351 = arith.constant 3 : i32
        %add3A_352 = arith.addi %scan3A_180, %add3A_351 : i32
        %sub3A_353 = arith.constant 1 : i32
        %sub3A_354 = arith.subi %add3A_352, %sub3A_353 : i32
        %mul3A_355 = arith.constant 80 : i32
        %mul3A_356 = arith.muli %sub3A_354, %mul3A_355 : i32
        %add3A_357 = arith.constant 0 : i32
        %add3A_358 = arith.addi %mul3A_356, %add3A_357 : i32
        %multiple_of3A_359 = tpu.assume_multiple %add3A_358, 8 : i32
        %jit3A_360 = arith.constant 3 : i32
        %eq3A_361 = arith.constant 0 : i32
        %eq3A_362 = arith.cmpi eq, %jit3A_360, %eq3A_361 : i32
        %jit3A_363 = arith.constant 1 : i32
        %select_n3A_364 = arith.select %eq3A_362, %jit3A_363, %jit3A_360 : i32
        %rem3A_365 = arith.remsi %sub3A_354, %select_n3A_364 : i32
        %ne3A_366 = arith.constant 0 : i32
        %ne3A_367 = arith.cmpi ne, %rem3A_365, %ne3A_366 : i32
        %lt3A_368 = arith.constant 0 : i32
        %lt3A_369 = arith.cmpi slt, %rem3A_365, %lt3A_368 : i32
        %lt3A_370 = arith.constant 0 : i32
        %lt3A_371 = arith.cmpi slt, %select_n3A_364, %lt3A_370 : i32
        %ne3A_372 = arith.xori %lt3A_369, %lt3A_371 : i1
        %and3A_373 = arith.andi %ne3A_372, %ne3A_367 : i1
        %add3A_374 = arith.addi %rem3A_365, %select_n3A_364 : i32
        %select_n3A_375 = arith.select %and3A_373, %add3A_374, %rem3A_365 : i32
        %mul3A_376 = arith.constant 80 : i32
        %mul3A_377 = arith.muli %select_n3A_375, %mul3A_376 : i32
        %add3A_378 = arith.constant 0 : i32
        %add3A_379 = arith.addi %mul3A_377, %add3A_378 : i32
        %multiple_of3A_380 = tpu.assume_multiple %add3A_379, 8 : i32
        %dma_start3A_381 = arith.constant 0 : i32
        %dma_start3A_382 = tpu.memref_slice %arg9[%multiple_of3A_380, %dma_start3A_381] : memref<240x128xf32, #tpu.memory_space<vmem>> -> memref<16x128xf32, #tpu.memory_space<vmem>>
        %dma_start3A_383 = tpu.memref_slice %arg7[%multiple_of3A_359] : memref<10000xi32, #tpu.memory_space<vmem>> -> memref<16xi32, #tpu.memory_space<vmem>>
        %dma_start3A_384 = arith.constant 0 : i32
        %dma_start3A_385 = arith.constant 0 : i32
        %dma_start3A_386 = tpu.memref_slice %arg2[%dma_start3A_384, %dma_start3A_385] : memref<10000x128xf32, #tpu.memory_space<hbm>> -> memref<10000x128xf32, #tpu.memory_space<hbm>>
        tpu.enqueue_indirect_dma source(%dma_start3A_386 : memref<10000x128xf32, #tpu.memory_space<hbm>>) target(%dma_start3A_382 : memref<16x128xf32, #tpu.memory_space<vmem>>) offsets(%dma_start3A_383 : memref<16xi32, #tpu.memory_space<vmem>>) semaphore(%arg11 : memref<!tpu.dma_semaphore, #tpu.memory_space<semaphore_mem>>)
        %mul3A_387 = arith.constant 80 : i32
        %mul3A_388 = arith.muli %sub3A_354, %mul3A_387 : i32
        %add3A_389 = arith.constant 16 : i32
        %add3A_390 = arith.addi %mul3A_388, %add3A_389 : i32
        %multiple_of3A_391 = tpu.assume_multiple %add3A_390, 8 : i32
        %jit3A_392 = arith.constant 3 : i32
        %eq3A_393 = arith.constant 0 : i32
        %eq3A_394 = arith.cmpi eq, %jit3A_392, %eq3A_393 : i32
        %jit3A_395 = arith.constant 1 : i32
        %select_n3A_396 = arith.select %eq3A_394, %jit3A_395, %jit3A_392 : i32
        %rem3A_397 = arith.remsi %sub3A_354, %select_n3A_396 : i32
        %ne3A_398 = arith.constant 0 : i32
        %ne3A_399 = arith.cmpi ne, %rem3A_397, %ne3A_398 : i32
        %lt3A_400 = arith.constant 0 : i32
        %lt3A_401 = arith.cmpi slt, %rem3A_397, %lt3A_400 : i32
        %lt3A_402 = arith.constant 0 : i32
        %lt3A_403 = arith.cmpi slt, %select_n3A_396, %lt3A_402 : i32
        %ne3A_404 = arith.xori %lt3A_401, %lt3A_403 : i1
        %and3A_405 = arith.andi %ne3A_404, %ne3A_399 : i1
        %add3A_406 = arith.addi %rem3A_397, %select_n3A_396 : i32
        %select_n3A_407 = arith.select %and3A_405, %add3A_406, %rem3A_397 : i32
        %mul3A_408 = arith.constant 80 : i32
        %mul3A_409 = arith.muli %select_n3A_407, %mul3A_408 : i32
        %add3A_410 = arith.constant 16 : i32
        %add3A_411 = arith.addi %mul3A_409, %add3A_410 : i32
        %multiple_of3A_412 = tpu.assume_multiple %add3A_411, 8 : i32
        %dma_start3A_413 = arith.constant 0 : i32
        %dma_start3A_414 = tpu.memref_slice %arg9[%multiple_of3A_412, %dma_start3A_413] : memref<240x128xf32, #tpu.memory_space<vmem>> -> memref<16x128xf32, #tpu.memory_space<vmem>>
        %dma_start3A_415 = tpu.memref_slice %arg7[%multiple_of3A_391] : memref<10000xi32, #tpu.memory_space<vmem>> -> memref<16xi32, #tpu.memory_space<vmem>>
        %dma_start3A_416 = arith.constant 0 : i32
        %dma_start3A_417 = arith.constant 0 : i32
        %dma_start3A_418 = tpu.memref_slice %arg2[%dma_start3A_416, %dma_start3A_417] : memref<10000x128xf32, #tpu.memory_space<hbm>> -> memref<10000x128xf32, #tpu.memory_space<hbm>>
        tpu.enqueue_indirect_dma source(%dma_start3A_418 : memref<10000x128xf32, #tpu.memory_space<hbm>>) target(%dma_start3A_414 : memref<16x128xf32, #tpu.memory_space<vmem>>) offsets(%dma_start3A_415 : memref<16xi32, #tpu.memory_space<vmem>>) semaphore(%arg11 : memref<!tpu.dma_semaphore, #tpu.memory_space<semaphore_mem>>)
        %mul3A_419 = arith.constant 80 : i32
        %mul3A_420 = arith.muli %sub3A_354, %mul3A_419 : i32
        %add3A_421 = arith.constant 32 : i32
        %add3A_422 = arith.addi %mul3A_420, %add3A_421 : i32
        %multiple_of3A_423 = tpu.assume_multiple %add3A_422, 8 : i32
        %jit3A_424 = arith.constant 3 : i32
        %eq3A_425 = arith.constant 0 : i32
        %eq3A_426 = arith.cmpi eq, %jit3A_424, %eq3A_425 : i32
        %jit3A_427 = arith.constant 1 : i32
        %select_n3A_428 = arith.select %eq3A_426, %jit3A_427, %jit3A_424 : i32
        %rem3A_429 = arith.remsi %sub3A_354, %select_n3A_428 : i32
        %ne3A_430 = arith.constant 0 : i32
        %ne3A_431 = arith.cmpi ne, %rem3A_429, %ne3A_430 : i32
        %lt3A_432 = arith.constant 0 : i32
        %lt3A_433 = arith.cmpi slt, %rem3A_429, %lt3A_432 : i32
        %lt3A_434 = arith.constant 0 : i32
        %lt3A_435 = arith.cmpi slt, %select_n3A_428, %lt3A_434 : i32
        %ne3A_436 = arith.xori %lt3A_433, %lt3A_435 : i1
        %and3A_437 = arith.andi %ne3A_436, %ne3A_431 : i1
        %add3A_438 = arith.addi %rem3A_429, %select_n3A_428 : i32
        %select_n3A_439 = arith.select %and3A_437, %add3A_438, %rem3A_429 : i32
        %mul3A_440 = arith.constant 80 : i32
        %mul3A_441 = arith.muli %select_n3A_439, %mul3A_440 : i32
        %add3A_442 = arith.constant 32 : i32
        %add3A_443 = arith.addi %mul3A_441, %add3A_442 : i32
        %multiple_of3A_444 = tpu.assume_multiple %add3A_443, 8 : i32
        %dma_start3A_445 = arith.constant 0 : i32
        %dma_start3A_446 = tpu.memref_slice %arg9[%multiple_of3A_444, %dma_start3A_445] : memref<240x128xf32, #tpu.memory_space<vmem>> -> memref<16x128xf32, #tpu.memory_space<vmem>>
        %dma_start3A_447 = tpu.memref_slice %arg7[%multiple_of3A_423] : memref<10000xi32, #tpu.memory_space<vmem>> -> memref<16xi32, #tpu.memory_space<vmem>>
        %dma_start3A_448 = arith.constant 0 : i32
        %dma_start3A_449 = arith.constant 0 : i32
        %dma_start3A_450 = tpu.memref_slice %arg2[%dma_start3A_448, %dma_start3A_449] : memref<10000x128xf32, #tpu.memory_space<hbm>> -> memref<10000x128xf32, #tpu.memory_space<hbm>>
        tpu.enqueue_indirect_dma source(%dma_start3A_450 : memref<10000x128xf32, #tpu.memory_space<hbm>>) target(%dma_start3A_446 : memref<16x128xf32, #tpu.memory_space<vmem>>) offsets(%dma_start3A_447 : memref<16xi32, #tpu.memory_space<vmem>>) semaphore(%arg11 : memref<!tpu.dma_semaphore, #tpu.memory_space<semaphore_mem>>)
        %mul3A_451 = arith.constant 80 : i32
        %mul3A_452 = arith.muli %sub3A_354, %mul3A_451 : i32
        %add3A_453 = arith.constant 48 : i32
        %add3A_454 = arith.addi %mul3A_452, %add3A_453 : i32
        %multiple_of3A_455 = tpu.assume_multiple %add3A_454, 8 : i32
        %jit3A_456 = arith.constant 3 : i32
        %eq3A_457 = arith.constant 0 : i32
        %eq3A_458 = arith.cmpi eq, %jit3A_456, %eq3A_457 : i32
        %jit3A_459 = arith.constant 1 : i32
        %select_n3A_460 = arith.select %eq3A_458, %jit3A_459, %jit3A_456 : i32
        %rem3A_461 = arith.remsi %sub3A_354, %select_n3A_460 : i32
        %ne3A_462 = arith.constant 0 : i32
        %ne3A_463 = arith.cmpi ne, %rem3A_461, %ne3A_462 : i32
        %lt3A_464 = arith.constant 0 : i32
        %lt3A_465 = arith.cmpi slt, %rem3A_461, %lt3A_464 : i32
        %lt3A_466 = arith.constant 0 : i32
        %lt3A_467 = arith.cmpi slt, %select_n3A_460, %lt3A_466 : i32
        %ne3A_468 = arith.xori %lt3A_465, %lt3A_467 : i1
        %and3A_469 = arith.andi %ne3A_468, %ne3A_463 : i1
        %add3A_470 = arith.addi %rem3A_461, %select_n3A_460 : i32
        %select_n3A_471 = arith.select %and3A_469, %add3A_470, %rem3A_461 : i32
        %mul3A_472 = arith.constant 80 : i32
        %mul3A_473 = arith.muli %select_n3A_471, %mul3A_472 : i32
        %add3A_474 = arith.constant 48 : i32
        %add3A_475 = arith.addi %mul3A_473, %add3A_474 : i32
        %multiple_of3A_476 = tpu.assume_multiple %add3A_475, 8 : i32
        %dma_start3A_477 = arith.constant 0 : i32
        %dma_start3A_478 = tpu.memref_slice %arg9[%multiple_of3A_476, %dma_start3A_477] : memref<240x128xf32, #tpu.memory_space<vmem>> -> memref<16x128xf32, #tpu.memory_space<vmem>>
        %dma_start3A_479 = tpu.memref_slice %arg7[%multiple_of3A_455] : memref<10000xi32, #tpu.memory_space<vmem>> -> memref<16xi32, #tpu.memory_space<vmem>>
        %dma_start3A_480 = arith.constant 0 : i32
        %dma_start3A_481 = arith.constant 0 : i32
        %dma_start3A_482 = tpu.memref_slice %arg2[%dma_start3A_480, %dma_start3A_481] : memref<10000x128xf32, #tpu.memory_space<hbm>> -> memref<10000x128xf32, #tpu.memory_space<hbm>>
        tpu.enqueue_indirect_dma source(%dma_start3A_482 : memref<10000x128xf32, #tpu.memory_space<hbm>>) target(%dma_start3A_478 : memref<16x128xf32, #tpu.memory_space<vmem>>) offsets(%dma_start3A_479 : memref<16xi32, #tpu.memory_space<vmem>>) semaphore(%arg11 : memref<!tpu.dma_semaphore, #tpu.memory_space<semaphore_mem>>)
        %mul3A_483 = arith.constant 80 : i32
        %mul3A_484 = arith.muli %sub3A_354, %mul3A_483 : i32
        %add3A_485 = arith.constant 64 : i32
        %add3A_486 = arith.addi %mul3A_484, %add3A_485 : i32
        %multiple_of3A_487 = tpu.assume_multiple %add3A_486, 8 : i32
        %jit3A_488 = arith.constant 3 : i32
        %eq3A_489 = arith.constant 0 : i32
        %eq3A_490 = arith.cmpi eq, %jit3A_488, %eq3A_489 : i32
        %jit3A_491 = arith.constant 1 : i32
        %select_n3A_492 = arith.select %eq3A_490, %jit3A_491, %jit3A_488 : i32
        %rem3A_493 = arith.remsi %sub3A_354, %select_n3A_492 : i32
        %ne3A_494 = arith.constant 0 : i32
        %ne3A_495 = arith.cmpi ne, %rem3A_493, %ne3A_494 : i32
        %lt3A_496 = arith.constant 0 : i32
        %lt3A_497 = arith.cmpi slt, %rem3A_493, %lt3A_496 : i32
        %lt3A_498 = arith.constant 0 : i32
        %lt3A_499 = arith.cmpi slt, %select_n3A_492, %lt3A_498 : i32
        %ne3A_500 = arith.xori %lt3A_497, %lt3A_499 : i1
        %and3A_501 = arith.andi %ne3A_500, %ne3A_495 : i1
        %add3A_502 = arith.addi %rem3A_493, %select_n3A_492 : i32
        %select_n3A_503 = arith.select %and3A_501, %add3A_502, %rem3A_493 : i32
        %mul3A_504 = arith.constant 80 : i32
        %mul3A_505 = arith.muli %select_n3A_503, %mul3A_504 : i32
        %add3A_506 = arith.constant 64 : i32
        %add3A_507 = arith.addi %mul3A_505, %add3A_506 : i32
        %multiple_of3A_508 = tpu.assume_multiple %add3A_507, 8 : i32
        %dma_start3A_509 = arith.constant 0 : i32
        %dma_start3A_510 = tpu.memref_slice %arg9[%multiple_of3A_508, %dma_start3A_509] : memref<240x128xf32, #tpu.memory_space<vmem>> -> memref<16x128xf32, #tpu.memory_space<vmem>>
        %dma_start3A_511 = tpu.memref_slice %arg7[%multiple_of3A_487] : memref<10000xi32, #tpu.memory_space<vmem>> -> memref<16xi32, #tpu.memory_space<vmem>>
        %dma_start3A_512 = arith.constant 0 : i32
        %dma_start3A_513 = arith.constant 0 : i32
        %dma_start3A_514 = tpu.memref_slice %arg2[%dma_start3A_512, %dma_start3A_513] : memref<10000x128xf32, #tpu.memory_space<hbm>> -> memref<10000x128xf32, #tpu.memory_space<hbm>>
        tpu.enqueue_indirect_dma source(%dma_start3A_514 : memref<10000x128xf32, #tpu.memory_space<hbm>>) target(%dma_start3A_510 : memref<16x128xf32, #tpu.memory_space<vmem>>) offsets(%dma_start3A_511 : memref<16xi32, #tpu.memory_space<vmem>>) semaphore(%arg11 : memref<!tpu.dma_semaphore, #tpu.memory_space<semaphore_mem>>)
      } else {
      }
    }
    %scan3A_138 = arith.constant 125 : i32
    %multiple_of3A_139 = arith.constant 0 : i32
    %multiple_of3A_140 = tpu.assume_multiple %multiple_of3A_139, 8 : i32
    %dma_wait3A = arith.constant 0 : i32
    %dma_wait3A_141 = arith.constant 0 : i32
    %dma_wait3A_142 = tpu.memref_slice %arg9[%multiple_of3A_140, %dma_wait3A_141] : memref<240x128xf32, #tpu.memory_space<vmem>> -> memref<80x128xf32, #tpu.memory_space<vmem>>
    %dma_wait3A_143 = arith.constant 0 : i32
    %dma_wait3A_144 = tpu.memref_slice %arg8[%dma_wait3A, %dma_wait3A_143] : memref<3x80xi32, #tpu.memory_space<vmem>> -> memref<1x80xi32, #tpu.memory_space<vmem>>
    %dma_wait3A_145 = tpu.memref_squeeze %dma_wait3A_144 : memref<1x80xi32, #tpu.memory_space<vmem>> -> memref<80xi32, #tpu.memory_space<vmem>>
    %dma_wait3A_146 = arith.constant 0 : i32
    %dma_wait3A_147 = arith.constant 0 : i32
    %dma_wait3A_148 = tpu.memref_slice %arg10[%dma_wait3A_146, %dma_wait3A_147] : memref<10001x128xf32, #tpu.memory_space<vmem_shared>> -> memref<10001x128xf32, #tpu.memory_space<vmem_shared>>
    tpu.wait_indirect_dma semaphore(%arg12 : memref<!tpu.dma_semaphore, #tpu.memory_space<semaphore_mem>>) src(%dma_wait3A_142 : memref<80x128xf32, #tpu.memory_space<vmem>>) dst(%dma_wait3A_148 : memref<10001x128xf32, #tpu.memory_space<vmem_shared>>)
    %multiple_of3A_149 = arith.constant 0 : i32
    %multiple_of3A_150 = tpu.assume_multiple %multiple_of3A_149, 8 : i32
    %dma_wait3A_151 = arith.constant 0 : i32
    %dma_wait3A_152 = arith.constant 0 : i32
    %dma_wait3A_153 = tpu.memref_slice %arg9[%multiple_of3A_150, %dma_wait3A_152] : memref<240x128xf32, #tpu.memory_space<vmem>> -> memref<80x128xf32, #tpu.memory_space<vmem>>
    %dma_wait3A_154 = arith.constant 0 : i32
    %dma_wait3A_155 = tpu.memref_slice %arg8[%dma_wait3A_151, %dma_wait3A_154] : memref<3x80xi32, #tpu.memory_space<vmem>> -> memref<1x80xi32, #tpu.memory_space<vmem>>
    %dma_wait3A_156 = tpu.memref_squeeze %dma_wait3A_155 : memref<1x80xi32, #tpu.memory_space<vmem>> -> memref<80xi32, #tpu.memory_space<vmem>>
    %dma_wait3A_157 = arith.constant 0 : i32
    %dma_wait3A_158 = arith.constant 0 : i32
    %dma_wait3A_159 = tpu.memref_slice %arg10[%dma_wait3A_157, %dma_wait3A_158] : memref<10001x128xf32, #tpu.memory_space<vmem_shared>> -> memref<10001x128xf32, #tpu.memory_space<vmem_shared>>
    tpu.wait_indirect_dma semaphore(%arg12 : memref<!tpu.dma_semaphore, #tpu.memory_space<semaphore_mem>>) src(%dma_wait3A_153 : memref<80x128xf32, #tpu.memory_space<vmem>>) dst(%dma_wait3A_159 : memref<10001x128xf32, #tpu.memory_space<vmem_shared>>)
    %multiple_of3A_160 = arith.constant 0 : i32
    %multiple_of3A_161 = tpu.assume_multiple %multiple_of3A_160, 8 : i32
    %dma_wait3A_162 = arith.constant 0 : i32
    %dma_wait3A_163 = arith.constant 0 : i32
    %dma_wait3A_164 = tpu.memref_slice %arg9[%multiple_of3A_161, %dma_wait3A_163] : memref<240x128xf32, #tpu.memory_space<vmem>> -> memref<80x128xf32, #tpu.memory_space<vmem>>
    %dma_wait3A_165 = arith.constant 0 : i32
    %dma_wait3A_166 = tpu.memref_slice %arg8[%dma_wait3A_162, %dma_wait3A_165] : memref<3x80xi32, #tpu.memory_space<vmem>> -> memref<1x80xi32, #tpu.memory_space<vmem>>
    %dma_wait3A_167 = tpu.memref_squeeze %dma_wait3A_166 : memref<1x80xi32, #tpu.memory_space<vmem>> -> memref<80xi32, #tpu.memory_space<vmem>>
    %dma_wait3A_168 = arith.constant 0 : i32
    %dma_wait3A_169 = arith.constant 0 : i32
    %dma_wait3A_170 = tpu.memref_slice %arg10[%dma_wait3A_168, %dma_wait3A_169] : memref<10001x128xf32, #tpu.memory_space<vmem_shared>> -> memref<10001x128xf32, #tpu.memory_space<vmem_shared>>
    tpu.wait_indirect_dma semaphore(%arg12 : memref<!tpu.dma_semaphore, #tpu.memory_space<semaphore_mem>>) src(%dma_wait3A_164 : memref<80x128xf32, #tpu.memory_space<vmem>>) dst(%dma_wait3A_170 : memref<10001x128xf32, #tpu.memory_space<vmem_shared>>)
    %barrier3A_171 = arith.constant 0 : index
    tpu.barrier barrier_id(%barrier3A_171)
    %mul3A_172 = arith.constant 624 : i32
    %mul3A_173 = arith.muli %arg1, %mul3A_172 : i32
    %multiple_of3A_174 = tpu.assume_multiple %mul3A_173, 8 : i32
    "tpu.region"() ({
      %run_scoped3A = tpu.sem_alloc : memref<!tpu.dma_semaphore, #tpu.memory_space<semaphore_mem>>
      %dma_start3A_180 = arith.constant 0 : i32
      %dma_start3A_181 = tpu.memref_slice %arg6[%arg0, %multiple_of3A_174, %dma_start3A_180] : memref<2x10000x128xf32, #tpu.memory_space<hbm>> -> memref<1x624x128xf32, #tpu.memory_space<hbm>>
      %dma_start3A_182 = tpu.memref_squeeze %dma_start3A_181 : memref<1x624x128xf32, #tpu.memory_space<hbm>> -> memref<624x128xf32, #tpu.memory_space<hbm>>
      %dma_start3A_183 = arith.constant 0 : i32
      %dma_start3A_184 = tpu.memref_slice %arg10[%multiple_of3A_174, %dma_start3A_183] : memref<10001x128xf32, #tpu.memory_space<vmem_shared>> -> memref<624x128xf32, #tpu.memory_space<vmem_shared>>
      tpu.enqueue_dma source(%dma_start3A_184 : memref<624x128xf32, #tpu.memory_space<vmem_shared>>) target(%dma_start3A_182 : memref<624x128xf32, #tpu.memory_space<hbm>>) target_semaphore(%run_scoped3A : memref<!tpu.dma_semaphore, #tpu.memory_space<semaphore_mem>>)
      %dma_wait3A_185 = arith.constant 0 : i32
      %dma_wait3A_186 = tpu.memref_slice %arg6[%arg0, %multiple_of3A_174, %dma_wait3A_185] : memref<2x10000x128xf32, #tpu.memory_space<hbm>> -> memref<1x624x128xf32, #tpu.memory_space<hbm>>
      %dma_wait3A_187 = tpu.memref_squeeze %dma_wait3A_186 : memref<1x624x128xf32, #tpu.memory_space<hbm>> -> memref<624x128xf32, #tpu.memory_space<hbm>>
      %dma_wait3A_188 = arith.constant 0 : i32
      %dma_wait3A_189 = tpu.memref_slice %arg10[%multiple_of3A_174, %dma_wait3A_188] : memref<10001x128xf32, #tpu.memory_space<vmem_shared>> -> memref<624x128xf32, #tpu.memory_space<vmem_shared>>
      tpu.wait_dma2 semaphore(%run_scoped3A : memref<!tpu.dma_semaphore, #tpu.memory_space<semaphore_mem>>) src(%dma_wait3A_189 : memref<624x128xf32, #tpu.memory_space<vmem_shared>>) dst(%dma_wait3A_187 : memref<624x128xf32, #tpu.memory_space<hbm>>)
      tpu.yield
    }) : () -> ()
    %eq3A_175 = arith.constant 0 : i32
    %eq3A_176 = arith.cmpi eq, %arg1, %eq3A_175 : i32
    %convert_element_type3A_177 = arith.extui %eq3A_176 : i1 to i32
    %cond3A_178 = arith.constant 0 : i32
    %cond3A_179 = arith.cmpi ne, %convert_element_type3A_177, %cond3A_178 : i32
    scf.if %cond3A_179 {
      "tpu.region"() ({
        %run_scoped3A = tpu.sem_alloc : memref<!tpu.dma_semaphore, #tpu.memory_space<semaphore_mem>>
        %dma_start3A_180 = arith.constant 9984 : i32
        %dma_start3A_181 = arith.constant 0 : i32
        %dma_start3A_182 = tpu.memref_slice %arg6[%arg0, %dma_start3A_180, %dma_start3A_181] : memref<2x10000x128xf32, #tpu.memory_space<hbm>> -> memref<1x16x128xf32, #tpu.memory_space<hbm>>
        %dma_start3A_183 = tpu.memref_squeeze %dma_start3A_182 : memref<1x16x128xf32, #tpu.memory_space<hbm>> -> memref<16x128xf32, #tpu.memory_space<hbm>>
        %dma_start3A_184 = arith.constant 9984 : i32
        %dma_start3A_185 = arith.constant 0 : i32
        %dma_start3A_186 = tpu.memref_slice %arg10[%dma_start3A_184, %dma_start3A_185] : memref<10001x128xf32, #tpu.memory_space<vmem_shared>> -> memref<16x128xf32, #tpu.memory_space<vmem_shared>>
        tpu.enqueue_dma source(%dma_start3A_186 : memref<16x128xf32, #tpu.memory_space<vmem_shared>>) target(%dma_start3A_183 : memref<16x128xf32, #tpu.memory_space<hbm>>) target_semaphore(%run_scoped3A : memref<!tpu.dma_semaphore, #tpu.memory_space<semaphore_mem>>)
        %dma_wait3A_187 = arith.constant 9984 : i32
        %dma_wait3A_188 = arith.constant 0 : i32
        %dma_wait3A_189 = tpu.memref_slice %arg6[%arg0, %dma_wait3A_187, %dma_wait3A_188] : memref<2x10000x128xf32, #tpu.memory_space<hbm>> -> memref<1x16x128xf32, #tpu.memory_space<hbm>>
        %dma_wait3A_190 = tpu.memref_squeeze %dma_wait3A_189 : memref<1x16x128xf32, #tpu.memory_space<hbm>> -> memref<16x128xf32, #tpu.memory_space<hbm>>
        %dma_wait3A_191 = arith.constant 9984 : i32
        %dma_wait3A_192 = arith.constant 0 : i32
        %dma_wait3A_193 = tpu.memref_slice %arg10[%dma_wait3A_191, %dma_wait3A_192] : memref<10001x128xf32, #tpu.memory_space<vmem_shared>> -> memref<16x128xf32, #tpu.memory_space<vmem_shared>>
        tpu.wait_dma2 semaphore(%run_scoped3A : memref<!tpu.dma_semaphore, #tpu.memory_space<semaphore_mem>>) src(%dma_wait3A_193 : memref<16x128xf32, #tpu.memory_space<vmem_shared>>) dst(%dma_wait3A_190 : memref<16x128xf32, #tpu.memory_space<hbm>>)
        tpu.yield
      }) : () -> ()
    } else {
    }
    return
  }
}

#map = affine_map<(d0, d1) -> (0)>
module attributes {stable_mosaic.version = 14 : i64} {
  func.func @deg_kernel(%arg0: i32, %arg1: i32, %arg2: memref<320000xi32, #tpu.memory_space<hbm>>, %arg3: memref<320000xf32, #tpu.memory_space<hbm>>, %arg4: memref<10000xi32, #tpu.memory_space<vmem>>, %arg5: memref<10016xf32, #tpu.memory_space<vmem>>) attributes {dimension_semantics = [#tpu.dimension_semantics<core_parallel>, #tpu.dimension_semantics<subcore_parallel>], iteration_bounds = array<i64: 2, 16>, scalar_prefetch = 0 : i64, scratch_operands = 2 : i64, tpu.core_type = #tpu.core_type<sc_vector_subcore>, window_params = [{transform_indices = #map}, {transform_indices = #map}]} {
    %mul3A = arith.constant 16 : i32
    %mul3A_0 = arith.muli %arg0, %mul3A : i32
    %add3A = arith.addi %mul3A_0, %arg1 : i32
    %broadcast_in_dim3A = arith.constant 0.000000e+00 : f32
    %broadcast_in_dim3A_1 = vector.broadcast %broadcast_in_dim3A : f32 to vector<16xf32>
    %iota3A = tpu.iota {dimensions = array<i32: 0>} : vector<16xi32>
    %scan3A = arith.constant 0 : i32
    %scan3A_2 = arith.constant 626 : i32
    %scan3A_3 = arith.addi %scan3A, %scan3A_2 : i32
    %scan3A_4 = arith.constant 1 : i32
    scf.for %scan3A_16 = %scan3A to %scan3A_3 step %scan3A_4  : i32 {
      %mul3A_17 = arith.constant 16 : i32
      %mul3A_18 = arith.muli %scan3A_16, %mul3A_17 : i32
      %swap3A = arith.index_cast %mul3A_18 : i32 to index
      %swap3A_19 = tpu.vector_load %arg5[%swap3A] {strides = array<i32>} : memref<10016xf32, #tpu.memory_space<vmem>>, vector<16xf32>,
      tpu.vector_store %arg5[%swap3A], %broadcast_in_dim3A_1 {strides = array<i32>} : memref<10016xf32, #tpu.memory_space<vmem>>, vector<16xf32>,
    }
    %scan3A_5 = arith.constant 626 : i32
    %mul3A_6 = arith.constant 10000 : i32
    %mul3A_7 = arith.muli %add3A, %mul3A_6 : i32
    %multiple_of3A = tpu.assume_multiple %mul3A_7, 8 : i32
    "tpu.region"() ({
      %run_scoped3A = tpu.sem_alloc : memref<!tpu.dma_semaphore, #tpu.memory_space<semaphore_mem>>
      %dma_start3A = tpu.memref_slice %arg2[%multiple_of3A] : memref<320000xi32, #tpu.memory_space<hbm>> -> memref<10000xi32, #tpu.memory_space<hbm>>
      %dma_start3A_16 = tpu.memref_slice %arg2[%multiple_of3A] : memref<320000xi32, #tpu.memory_space<hbm>> -> memref<10000xi32, #tpu.memory_space<hbm>>
      tpu.enqueue_dma source(%dma_start3A_16 : memref<10000xi32, #tpu.memory_space<hbm>>) target(%arg4 : memref<10000xi32, #tpu.memory_space<vmem>>) target_semaphore(%run_scoped3A : memref<!tpu.dma_semaphore, #tpu.memory_space<semaphore_mem>>)
      %dma_wait3A = tpu.memref_slice %arg2[%multiple_of3A] : memref<320000xi32, #tpu.memory_space<hbm>> -> memref<10000xi32, #tpu.memory_space<hbm>>
      %dma_wait3A_17 = tpu.memref_slice %arg2[%multiple_of3A] : memref<320000xi32, #tpu.memory_space<hbm>> -> memref<10000xi32, #tpu.memory_space<hbm>>
      tpu.wait_dma2 semaphore(%run_scoped3A : memref<!tpu.dma_semaphore, #tpu.memory_space<semaphore_mem>>) src(%dma_wait3A_17 : memref<10000xi32, #tpu.memory_space<hbm>>) dst(%arg4 : memref<10000xi32, #tpu.memory_space<vmem>>)
      tpu.yield
    }) : () -> ()
    %scan3A_8 = arith.constant 0 : i32
    %scan3A_9 = arith.constant 625 : i32
    %scan3A_10 = arith.addi %scan3A_8, %scan3A_9 : i32
    %scan3A_11 = arith.constant 1 : i32
    scf.for %scan3A_16 = %scan3A_8 to %scan3A_10 step %scan3A_11  : i32 {
      %mul3A_17 = arith.constant 16 : i32
      %mul3A_18 = arith.muli %scan3A_16, %mul3A_17 : i32
      %multiple_of3A_19 = tpu.assume_multiple %mul3A_18, 8 : i32
      %get3A = arith.index_cast %multiple_of3A_19 : i32 to index
      %get3A_20 = tpu.vector_load %arg4[%get3A] {strides = array<i32>} : memref<10000xi32, #tpu.memory_space<vmem>>, vector<16xi32>,
      %masked_sort3A = arith.constant dense<true> : vector<16xi1>
      %masked_sort3A_21 = arith.constant -2147483648 : i32
      %masked_sort3A_22 = vector.broadcast %masked_sort3A_21 : i32 to vector<16xi32>
      %masked_sort3A_23 = arith.xori %get3A_20, %masked_sort3A_22 : vector<16xi32>
      %masked_sort3A_24, %masked_sort3A_25, %masked_sort3A_26 = tpu.sort %masked_sort3A_23, %get3A_20 masked %masked_sort3A : (vector<16xi32>, vector<16xi32>, vector<16xi1>) -> (vector<16xi1>, vector<16xi32>, vector<16xi32>)
      %masked_sort3A_27 = arith.xori %masked_sort3A_25, %masked_sort3A_22 : vector<16xi32>
      %add3A_28 = arith.constant -1 : i32
      %add3A_29 = vector.broadcast %add3A_28 : i32 to vector<16xi32>
      %add3A_30 = arith.addi %iota3A, %add3A_29 : vector<16xi32>
      %jit3A = arith.constant 0 : i32
      %jit3A_31 = arith.constant 15 : i32
      %max3A = vector.broadcast %jit3A : i32 to vector<16xi32>
      %max3A_32 = arith.maxsi %max3A, %add3A_30 : vector<16xi32>
      %min3A = vector.broadcast %jit3A_31 : i32 to vector<16xi32>
      %min3A_33 = arith.minsi %min3A, %max3A_32 : vector<16xi32>
      %broadcast_in_dim3A_34 = vector.shape_cast %min3A_33 : vector<16xi32> to vector<16x1xi32>
      %gather3A = vector.shape_cast %broadcast_in_dim3A_34 : vector<16x1xi32> to vector<16xi32>
      %gather3A_35 = tpu.dynamic_gather %masked_sort3A_27[%gather3A] in [0] : vector<16xi32>, vector<16xi32> -> vector<16xi32>
      %add3A_36 = arith.constant 1 : i32
      %add3A_37 = vector.broadcast %add3A_36 : i32 to vector<16xi32>
      %add3A_38 = arith.addi %iota3A, %add3A_37 : vector<16xi32>
      %jit3A_39 = arith.constant 0 : i32
      %jit3A_40 = arith.constant 15 : i32
      %max3A_41 = vector.broadcast %jit3A_39 : i32 to vector<16xi32>
      %max3A_42 = arith.maxsi %max3A_41, %add3A_38 : vector<16xi32>
      %min3A_43 = vector.broadcast %jit3A_40 : i32 to vector<16xi32>
      %min3A_44 = arith.minsi %min3A_43, %max3A_42 : vector<16xi32>
      %broadcast_in_dim3A_45 = vector.shape_cast %min3A_44 : vector<16xi32> to vector<16x1xi32>
      %gather3A_46 = vector.shape_cast %broadcast_in_dim3A_45 : vector<16x1xi32> to vector<16xi32>
      %gather3A_47 = tpu.dynamic_gather %masked_sort3A_27[%gather3A_46] in [0] : vector<16xi32>, vector<16xi32> -> vector<16xi32>
      %eq3A = arith.constant 0 : i32
      %eq3A_48 = vector.broadcast %eq3A : i32 to vector<16xi32>
      %eq3A_49 = arith.cmpi eq, %iota3A, %eq3A_48 : vector<16xi32>
      %ne3A = arith.cmpi ne, %gather3A_35, %masked_sort3A_27 : vector<16xi32>
      %or3A = arith.ori %eq3A_49, %ne3A : vector<16xi1>
      %eq3A_50 = arith.constant 15 : i32
      %eq3A_51 = vector.broadcast %eq3A_50 : i32 to vector<16xi32>
      %eq3A_52 = arith.cmpi eq, %iota3A, %eq3A_51 : vector<16xi32>
      %ne3A_53 = arith.cmpi ne, %gather3A_47, %masked_sort3A_27 : vector<16xi32>
      %or3A_54 = arith.ori %eq3A_52, %ne3A_53 : vector<16xi1>
      %jit3A_55 = arith.constant 0 : i32
      %broadcast_in_dim3A_56 = vector.broadcast %jit3A_55 : i32 to vector<16xi32>
      %select_n3A = arith.select %or3A, %iota3A, %broadcast_in_dim3A_56 : vector<16xi1>, vector<16xi32>
      %broadcast_in_dim3A_57 = arith.constant true
      %broadcast_in_dim3A_58 = vector.broadcast %broadcast_in_dim3A_57 : i1 to vector<16xi1>
      %masked_cummax3A = arith.constant -2147483648 : i32
      %masked_cummax3A_59 = vector.broadcast %masked_cummax3A : i32 to vector<16xi32>
      %masked_cummax3A_60 = arith.xori %select_n3A, %masked_cummax3A_59 : vector<16xi32>
      %masked_cummax3A_61 = tpu.scan <max>, %masked_cummax3A_60 masked %broadcast_in_dim3A_58 : vector<16xi32>, vector<16xi1> -> vector<16xi32>
      %masked_cummax3A_62 = arith.xori %masked_cummax3A_61, %masked_cummax3A_59 : vector<16xi32>
      %sub3A = arith.subi %iota3A, %masked_cummax3A_62 : vector<16xi32>
      %add3A_63 = arith.constant 1 : i32
      %add3A_64 = vector.broadcast %add3A_63 : i32 to vector<16xi32>
      %add3A_65 = arith.addi %sub3A, %add3A_64 : vector<16xi32>
      %convert_element_type3A = arith.sitofp %add3A_65 : vector<16xi32> to vector<16xf32>
      %gather3A_66 = tpu.vector_load_idx %arg5[%masked_sort3A_27] masked %or3A_54 : memref<10016xf32, #tpu.memory_space<vmem>>[vector<16xi32>], vector<16xf32>, vector<16xi1>
      %add3A_67 = arith.addf %gather3A_66, %convert_element_type3A : vector<16xf32>
      tpu.vector_store_idx %arg5[%masked_sort3A_27], %add3A_67 masked %or3A_54 : memref<10016xf32, #tpu.memory_space<vmem>>[vector<16xi32>], vector<16xf32>, vector<16xi1>
    }
    %scan3A_12 = arith.constant 625 : i32
    %mul3A_13 = arith.constant 10000 : i32
    %mul3A_14 = arith.muli %add3A, %mul3A_13 : i32
    %multiple_of3A_15 = tpu.assume_multiple %mul3A_14, 8 : i32
    "tpu.region"() ({
      %run_scoped3A = tpu.sem_alloc : memref<!tpu.dma_semaphore, #tpu.memory_space<semaphore_mem>>
      %dma_start3A = arith.constant 0 : i32
      %dma_start3A_16 = tpu.memref_slice %arg5[%dma_start3A] : memref<10016xf32, #tpu.memory_space<vmem>> -> memref<10000xf32, #tpu.memory_space<vmem>>
      %dma_start3A_17 = tpu.memref_slice %arg3[%multiple_of3A_15] : memref<320000xf32, #tpu.memory_space<hbm>> -> memref<10000xf32, #tpu.memory_space<hbm>>
      %dma_start3A_18 = tpu.memref_slice %arg3[%multiple_of3A_15] : memref<320000xf32, #tpu.memory_space<hbm>> -> memref<10000xf32, #tpu.memory_space<hbm>>
      %dma_start3A_19 = arith.constant 0 : i32
      %dma_start3A_20 = tpu.memref_slice %arg5[%dma_start3A_19] : memref<10016xf32, #tpu.memory_space<vmem>> -> memref<10000xf32, #tpu.memory_space<vmem>>
      tpu.enqueue_dma source(%dma_start3A_20 : memref<10000xf32, #tpu.memory_space<vmem>>) target(%dma_start3A_18 : memref<10000xf32, #tpu.memory_space<hbm>>) target_semaphore(%run_scoped3A : memref<!tpu.dma_semaphore, #tpu.memory_space<semaphore_mem>>)
      %dma_wait3A = arith.constant 0 : i32
      %dma_wait3A_21 = tpu.memref_slice %arg5[%dma_wait3A] : memref<10016xf32, #tpu.memory_space<vmem>> -> memref<10000xf32, #tpu.memory_space<vmem>>
      %dma_wait3A_22 = tpu.memref_slice %arg3[%multiple_of3A_15] : memref<320000xf32, #tpu.memory_space<hbm>> -> memref<10000xf32, #tpu.memory_space<hbm>>
      %dma_wait3A_23 = tpu.memref_slice %arg3[%multiple_of3A_15] : memref<320000xf32, #tpu.memory_space<hbm>> -> memref<10000xf32, #tpu.memory_space<hbm>>
      %dma_wait3A_24 = arith.constant 0 : i32
      %dma_wait3A_25 = tpu.memref_slice %arg5[%dma_wait3A_24] : memref<10016xf32, #tpu.memory_space<vmem>> -> memref<10000xf32, #tpu.memory_space<vmem>>
      tpu.wait_dma2 semaphore(%run_scoped3A : memref<!tpu.dma_semaphore, #tpu.memory_space<semaphore_mem>>) src(%dma_wait3A_25 : memref<10000xf32, #tpu.memory_space<vmem>>) dst(%dma_wait3A_23 : memref<10000xf32, #tpu.memory_space<hbm>>)
      tpu.yield
    }) : () -> ()
    return
  }
}

#map = affine_map<(d0, d1) -> (0, 0)>
#map1 = affine_map<(d0, d1) -> (0)>
#map2 = affine_map<(d0, d1) -> (0, 0, 0)>
module attributes {stable_mosaic.version = 14 : i64} {
  func.func @prop_kernel(%arg0: i32, %arg1: i32, %arg2: memref<10000x128xf32, #tpu.memory_space<hbm>>, %arg3: memref<320000xi32, #tpu.memory_space<hbm>>, %arg4: memref<32x125x80xi32, #tpu.memory_space<hbm>>, %arg5: memref<10000x128xf32, #tpu.memory_space<hbm>>, %arg6: memref<2x10000x128xf32, #tpu.memory_space<hbm>>, %arg7: memref<10000xi32, #tpu.memory_space<vmem>>, %arg8: memref<3x80xi32, #tpu.memory_space<vmem>>, %arg9: memref<240x128xf32, #tpu.memory_space<vmem>>, %arg10: memref<10001x128xf32, #tpu.memory_space<vmem_shared>>, %arg11: memref<!tpu.dma_semaphore, #tpu.memory_space<semaphore_mem>>, %arg12: memref<!tpu.dma_semaphore, #tpu.memory_space<semaphore_mem>>, %arg13: memref<!tpu.dma_semaphore, #tpu.memory_space<semaphore_mem>>) attributes {dimension_semantics = [#tpu.dimension_semantics<core_parallel>, #tpu.dimension_semantics<subcore_parallel>], iteration_bounds = array<i64: 2, 16>, scalar_prefetch = 0 : i64, scratch_operands = 7 : i64, tpu.core_type = #tpu.core_type<sc_vector_subcore>, window_params = [{transform_indices = #map}, {transform_indices = #map1}, {transform_indices = #map2}, {transform_indices = #map}, {transform_indices = #map2}]} {
    %mul3A = arith.constant 16 : i32
    %mul3A_0 = arith.muli %arg0, %mul3A : i32
    %add3A = arith.addi %mul3A_0, %arg1 : i32
    %mul3A_1 = arith.constant 624 : i32
    %mul3A_2 = arith.muli %arg1, %mul3A_1 : i32
    %multiple_of3A = tpu.assume_multiple %mul3A_2, 8 : i32
    "tpu.region"() ({
      %run_scoped3A = tpu.sem_alloc : memref<!tpu.dma_semaphore, #tpu.memory_space<semaphore_mem>>
      %dma_start3A_180 = arith.constant 0 : i32
      %dma_start3A_181 = tpu.memref_slice %arg10[%multiple_of3A, %dma_start3A_180] : memref<10001x128xf32, #tpu.memory_space<vmem_shared>> -> memref<624x128xf32, #tpu.memory_space<vmem_shared>>
      %dma_start3A_182 = arith.constant 0 : i32
      %dma_start3A_183 = tpu.memref_slice %arg5[%multiple_of3A, %dma_start3A_182] : memref<10000x128xf32, #tpu.memory_space<hbm>> -> memref<624x128xf32, #tpu.memory_space<hbm>>
      tpu.enqueue_dma source(%dma_start3A_183 : memref<624x128xf32, #tpu.memory_space<hbm>>) target(%dma_start3A_181 : memref<624x128xf32, #tpu.memory_space<vmem_shared>>) target_semaphore(%run_scoped3A : memref<!tpu.dma_semaphore, #tpu.memory_space<semaphore_mem>>)
      %dma_wait3A_184 = arith.constant 0 : i32
      %dma_wait3A_185 = tpu.memref_slice %arg10[%multiple_of3A, %dma_wait3A_184] : memref<10001x128xf32, #tpu.memory_space<vmem_shared>> -> memref<624x128xf32, #tpu.memory_space<vmem_shared>>
      %dma_wait3A_186 = arith.constant 0 : i32
      %dma_wait3A_187 = tpu.memref_slice %arg5[%multiple_of3A, %dma_wait3A_186] : memref<10000x128xf32, #tpu.memory_space<hbm>> -> memref<624x128xf32, #tpu.memory_space<hbm>>
      tpu.wait_dma2 semaphore(%run_scoped3A : memref<!tpu.dma_semaphore, #tpu.memory_space<semaphore_mem>>) src(%dma_wait3A_187 : memref<624x128xf32, #tpu.memory_space<hbm>>) dst(%dma_wait3A_185 : memref<624x128xf32, #tpu.memory_space<vmem_shared>>)
      tpu.yield
    }) : () -> ()
    %eq3A = arith.constant 0 : i32
    %eq3A_3 = arith.cmpi eq, %arg1, %eq3A : i32
    %convert_element_type3A = arith.extui %eq3A_3 : i1 to i32
    %cond3A = arith.constant 0 : i32
    %cond3A_4 = arith.cmpi ne, %convert_element_type3A, %cond3A : i32
    scf.if %cond3A_4 {
      "tpu.region"() ({
        %run_scoped3A = tpu.sem_alloc : memref<!tpu.dma_semaphore, #tpu.memory_space<semaphore_mem>>
        %dma_start3A_180 = arith.constant 9984 : i32
        %dma_start3A_181 = arith.constant 0 : i32
        %dma_start3A_182 = tpu.memref_slice %arg10[%dma_start3A_180, %dma_start3A_181] : memref<10001x128xf32, #tpu.memory_space<vmem_shared>> -> memref<16x128xf32, #tpu.memory_space<vmem_shared>>
        %dma_start3A_183 = arith.constant 9984 : i32
        %dma_start3A_184 = arith.constant 0 : i32
        %dma_start3A_185 = tpu.memref_slice %arg5[%dma_start3A_183, %dma_start3A_184] : memref<10000x128xf32, #tpu.memory_space<hbm>> -> memref<16x128xf32, #tpu.memory_space<hbm>>
        tpu.enqueue_dma source(%dma_start3A_185 : memref<16x128xf32, #tpu.memory_space<hbm>>) target(%dma_start3A_182 : memref<16x128xf32, #tpu.memory_space<vmem_shared>>) target_semaphore(%run_scoped3A : memref<!tpu.dma_semaphore, #tpu.memory_space<semaphore_mem>>)
        %dma_wait3A_186 = arith.constant 9984 : i32
        %dma_wait3A_187 = arith.constant 0 : i32
        %dma_wait3A_188 = tpu.memref_slice %arg10[%dma_wait3A_186, %dma_wait3A_187] : memref<10001x128xf32, #tpu.memory_space<vmem_shared>> -> memref<16x128xf32, #tpu.memory_space<vmem_shared>>
        %dma_wait3A_189 = arith.constant 9984 : i32
        %dma_wait3A_190 = arith.constant 0 : i32
        %dma_wait3A_191 = tpu.memref_slice %arg5[%dma_wait3A_189, %dma_wait3A_190] : memref<10000x128xf32, #tpu.memory_space<hbm>> -> memref<16x128xf32, #tpu.memory_space<hbm>>
        tpu.wait_dma2 semaphore(%run_scoped3A : memref<!tpu.dma_semaphore, #tpu.memory_space<semaphore_mem>>) src(%dma_wait3A_191 : memref<16x128xf32, #tpu.memory_space<hbm>>) dst(%dma_wait3A_188 : memref<16x128xf32, #tpu.memory_space<vmem_shared>>)
        tpu.yield
      }) : () -> ()
    } else {
    }
    %mul3A_5 = arith.constant 10000 : i32
    %mul3A_6 = arith.muli %add3A, %mul3A_5 : i32
    %multiple_of3A_7 = tpu.assume_multiple %mul3A_6, 8 : i32
    "tpu.region"() ({
      %run_scoped3A = tpu.sem_alloc : memref<!tpu.dma_semaphore, #tpu.memory_space<semaphore_mem>>
      %dma_start3A_180 = tpu.memref_slice %arg3[%multiple_of3A_7] : memref<320000xi32, #tpu.memory_space<hbm>> -> memref<10000xi32, #tpu.memory_space<hbm>>
      %dma_start3A_181 = tpu.memref_slice %arg3[%multiple_of3A_7] : memref<320000xi32, #tpu.memory_space<hbm>> -> memref<10000xi32, #tpu.memory_space<hbm>>
      tpu.enqueue_dma source(%dma_start3A_181 : memref<10000xi32, #tpu.memory_space<hbm>>) target(%arg7 : memref<10000xi32, #tpu.memory_space<vmem>>) target_semaphore(%run_scoped3A : memref<!tpu.dma_semaphore, #tpu.memory_space<semaphore_mem>>)
      %dma_wait3A_182 = tpu.memref_slice %arg3[%multiple_of3A_7] : memref<320000xi32, #tpu.memory_space<hbm>> -> memref<10000xi32, #tpu.memory_space<hbm>>
      %dma_wait3A_183 = tpu.memref_slice %arg3[%multiple_of3A_7] : memref<320000xi32, #tpu.memory_space<hbm>> -> memref<10000xi32, #tpu.memory_space<hbm>>
      tpu.wait_dma2 semaphore(%run_scoped3A : memref<!tpu.dma_semaphore, #tpu.memory_space<semaphore_mem>>) src(%dma_wait3A_183 : memref<10000xi32, #tpu.memory_space<hbm>>) dst(%arg7 : memref<10000xi32, #tpu.memory_space<vmem>>)
      tpu.yield
    }) : () -> ()
    %barrier3A = arith.constant 0 : index
    tpu.barrier barrier_id(%barrier3A)
    %dma_start3A = arith.constant 0 : i32
    %dma_start3A_8 = arith.constant 0 : i32
    %dma_start3A_9 = arith.constant 0 : i32
    %dma_start3A_10 = tpu.memref_slice %arg8[%dma_start3A_8, %dma_start3A_9] : memref<3x80xi32, #tpu.memory_space<vmem>> -> memref<1x80xi32, #tpu.memory_space<vmem>>
    %dma_start3A_11 = tpu.memref_squeeze %dma_start3A_10 : memref<1x80xi32, #tpu.memory_space<vmem>> -> memref<80xi32, #tpu.memory_space<vmem>>
    %dma_start3A_12 = arith.constant 0 : i32
    %dma_start3A_13 = tpu.memref_slice %arg4[%add3A, %dma_start3A, %dma_start3A_12] : memref<32x125x80xi32, #tpu.memory_space<hbm>> -> memref<1x1x80xi32, #tpu.memory_space<hbm>>
    %dma_start3A_14 = tpu.memref_squeeze %dma_start3A_13 : memref<1x1x80xi32, #tpu.memory_space<hbm>> -> memref<80xi32, #tpu.memory_space<hbm>>
    %dma_start3A_15 = arith.constant 0 : i32
    %dma_start3A_16 = tpu.memref_slice %arg8[%dma_start3A_8, %dma_start3A_15] : memref<3x80xi32, #tpu.memory_space<vmem>> -> memref<1x80xi32, #tpu.memory_space<vmem>>
    %dma_start3A_17 = tpu.memref_squeeze %dma_start3A_16 : memref<1x80xi32, #tpu.memory_space<vmem>> -> memref<80xi32, #tpu.memory_space<vmem>>
    %dma_start3A_18 = arith.constant 0 : i32
    %dma_start3A_19 = tpu.memref_slice %arg4[%add3A, %dma_start3A, %dma_start3A_18] : memref<32x125x80xi32, #tpu.memory_space<hbm>> -> memref<1x1x80xi32, #tpu.memory_space<hbm>>
    %dma_start3A_20 = tpu.memref_squeeze %dma_start3A_19 : memref<1x1x80xi32, #tpu.memory_space<hbm>> -> memref<80xi32, #tpu.memory_space<hbm>>
    tpu.enqueue_dma source(%dma_start3A_20 : memref<80xi32, #tpu.memory_space<hbm>>) target(%dma_start3A_17 : memref<80xi32, #tpu.memory_space<vmem>>) target_semaphore(%arg13 : memref<!tpu.dma_semaphore, #tpu.memory_space<semaphore_mem>>)
    %multiple_of3A_21 = arith.constant 0 : i32
    %multiple_of3A_22 = tpu.assume_multiple %multiple_of3A_21, 8 : i32
    %multiple_of3A_23 = arith.constant 0 : i32
    %multiple_of3A_24 = tpu.assume_multiple %multiple_of3A_23, 8 : i32
    %dma_start3A_25 = arith.constant 0 : i32
    %dma_start3A_26 = tpu.memref_slice %arg9[%multiple_of3A_24, %dma_start3A_25] : memref<240x128xf32, #tpu.memory_space<vmem>> -> memref<16x128xf32, #tpu.memory_space<vmem>>
    %dma_start3A_27 = tpu.memref_slice %arg7[%multiple_of3A_22] : memref<10000xi32, #tpu.memory_space<vmem>> -> memref<16xi32, #tpu.memory_space<vmem>>
    %dma_start3A_28 = arith.constant 0 : i32
    %dma_start3A_29 = arith.constant 0 : i32
    %dma_start3A_30 = tpu.memref_slice %arg2[%dma_start3A_28, %dma_start3A_29] : memref<10000x128xf32, #tpu.memory_space<hbm>> -> memref<10000x128xf32, #tpu.memory_space<hbm>>
    tpu.enqueue_indirect_dma source(%dma_start3A_30 : memref<10000x128xf32, #tpu.memory_space<hbm>>) target(%dma_start3A_26 : memref<16x128xf32, #tpu.memory_space<vmem>>) offsets(%dma_start3A_27 : memref<16xi32, #tpu.memory_space<vmem>>) semaphore(%arg11 : memref<!tpu.dma_semaphore, #tpu.memory_space<semaphore_mem>>)
    %multiple_of3A_31 = arith.constant 16 : i32
    %multiple_of3A_32 = tpu.assume_multiple %multiple_of3A_31, 8 : i32
    %multiple_of3A_33 = arith.constant 16 : i32
    %multiple_of3A_34 = tpu.assume_multiple %multiple_of3A_33, 8 : i32
    %dma_start3A_35 = arith.constant 0 : i32
    %dma_start3A_36 = tpu.memref_slice %arg9[%multiple_of3A_34, %dma_start3A_35] : memref<240x128xf32, #tpu.memory_space<vmem>> -> memref<16x128xf32, #tpu.memory_space<vmem>>
    %dma_start3A_37 = tpu.memref_slice %arg7[%multiple_of3A_32] : memref<10000xi32, #tpu.memory_space<vmem>> -> memref<16xi32, #tpu.memory_space<vmem>>
    %dma_start3A_38 = arith.constant 0 : i32
    %dma_start3A_39 = arith.constant 0 : i32
    %dma_start3A_40 = tpu.memref_slice %arg2[%dma_start3A_38, %dma_start3A_39] : memref<10000x128xf32, #tpu.memory_space<hbm>> -> memref<10000x128xf32, #tpu.memory_space<hbm>>
    tpu.enqueue_indirect_dma source(%dma_start3A_40 : memref<10000x128xf32, #tpu.memory_space<hbm>>) target(%dma_start3A_36 : memref<16x128xf32, #tpu.memory_space<vmem>>) offsets(%dma_start3A_37 : memref<16xi32, #tpu.memory_space<vmem>>) semaphore(%arg11 : memref<!tpu.dma_semaphore, #tpu.memory_space<semaphore_mem>>)
    %multiple_of3A_41 = arith.constant 32 : i32
    %multiple_of3A_42 = tpu.assume_multiple %multiple_of3A_41, 8 : i32
    %multiple_of3A_43 = arith.constant 32 : i32
    %multiple_of3A_44 = tpu.assume_multiple %multiple_of3A_43, 8 : i32
    %dma_start3A_45 = arith.constant 0 : i32
    %dma_start3A_46 = tpu.memref_slice %arg9[%multiple_of3A_44, %dma_start3A_45] : memref<240x128xf32, #tpu.memory_space<vmem>> -> memref<16x128xf32, #tpu.memory_space<vmem>>
    %dma_start3A_47 = tpu.memref_slice %arg7[%multiple_of3A_42] : memref<10000xi32, #tpu.memory_space<vmem>> -> memref<16xi32, #tpu.memory_space<vmem>>
    %dma_start3A_48 = arith.constant 0 : i32
    %dma_start3A_49 = arith.constant 0 : i32
    %dma_start3A_50 = tpu.memref_slice %arg2[%dma_start3A_48, %dma_start3A_49] : memref<10000x128xf32, #tpu.memory_space<hbm>> -> memref<10000x128xf32, #tpu.memory_space<hbm>>
    tpu.enqueue_indirect_dma source(%dma_start3A_50 : memref<10000x128xf32, #tpu.memory_space<hbm>>) target(%dma_start3A_46 : memref<16x128xf32, #tpu.memory_space<vmem>>) offsets(%dma_start3A_47 : memref<16xi32, #tpu.memory_space<vmem>>) semaphore(%arg11 : memref<!tpu.dma_semaphore, #tpu.memory_space<semaphore_mem>>)
    %multiple_of3A_51 = arith.constant 48 : i32
    %multiple_of3A_52 = tpu.assume_multiple %multiple_of3A_51, 8 : i32
    %multiple_of3A_53 = arith.constant 48 : i32
    %multiple_of3A_54 = tpu.assume_multiple %multiple_of3A_53, 8 : i32
    %dma_start3A_55 = arith.constant 0 : i32
    %dma_start3A_56 = tpu.memref_slice %arg9[%multiple_of3A_54, %dma_start3A_55] : memref<240x128xf32, #tpu.memory_space<vmem>> -> memref<16x128xf32, #tpu.memory_space<vmem>>
    %dma_start3A_57 = tpu.memref_slice %arg7[%multiple_of3A_52] : memref<10000xi32, #tpu.memory_space<vmem>> -> memref<16xi32, #tpu.memory_space<vmem>>
    %dma_start3A_58 = arith.constant 0 : i32
    %dma_start3A_59 = arith.constant 0 : i32
    %dma_start3A_60 = tpu.memref_slice %arg2[%dma_start3A_58, %dma_start3A_59] : memref<10000x128xf32, #tpu.memory_space<hbm>> -> memref<10000x128xf32, #tpu.memory_space<hbm>>
    tpu.enqueue_indirect_dma source(%dma_start3A_60 : memref<10000x128xf32, #tpu.memory_space<hbm>>) target(%dma_start3A_56 : memref<16x128xf32, #tpu.memory_space<vmem>>) offsets(%dma_start3A_57 : memref<16xi32, #tpu.memory_space<vmem>>) semaphore(%arg11 : memref<!tpu.dma_semaphore, #tpu.memory_space<semaphore_mem>>)
    %multiple_of3A_61 = arith.constant 64 : i32
    %multiple_of3A_62 = tpu.assume_multiple %multiple_of3A_61, 8 : i32
    %multiple_of3A_63 = arith.constant 64 : i32
    %multiple_of3A_64 = tpu.assume_multiple %multiple_of3A_63, 8 : i32
    %dma_start3A_65 = arith.constant 0 : i32
    %dma_start3A_66 = tpu.memref_slice %arg9[%multiple_of3A_64, %dma_start3A_65] : memref<240x128xf32, #tpu.memory_space<vmem>> -> memref<16x128xf32, #tpu.memory_space<vmem>>
    %dma_start3A_67 = tpu.memref_slice %arg7[%multiple_of3A_62] : memref<10000xi32, #tpu.memory_space<vmem>> -> memref<16xi32, #tpu.memory_space<vmem>>
    %dma_start3A_68 = arith.constant 0 : i32
    %dma_start3A_69 = arith.constant 0 : i32
    %dma_start3A_70 = tpu.memref_slice %arg2[%dma_start3A_68, %dma_start3A_69] : memref<10000x128xf32, #tpu.memory_space<hbm>> -> memref<10000x128xf32, #tpu.memory_space<hbm>>
    tpu.enqueue_indirect_dma source(%dma_start3A_70 : memref<10000x128xf32, #tpu.memory_space<hbm>>) target(%dma_start3A_66 : memref<16x128xf32, #tpu.memory_space<vmem>>) offsets(%dma_start3A_67 : memref<16xi32, #tpu.memory_space<vmem>>) semaphore(%arg11 : memref<!tpu.dma_semaphore, #tpu.memory_space<semaphore_mem>>)
    %dma_start3A_71 = arith.constant 1 : i32
    %dma_start3A_72 = arith.constant 1 : i32
    %dma_start3A_73 = arith.constant 0 : i32
    %dma_start3A_74 = tpu.memref_slice %arg8[%dma_start3A_72, %dma_start3A_73] : memref<3x80xi32, #tpu.memory_space<vmem>> -> memref<1x80xi32, #tpu.memory_space<vmem>>
    %dma_start3A_75 = tpu.memref_squeeze %dma_start3A_74 : memref<1x80xi32, #tpu.memory_space<vmem>> -> memref<80xi32, #tpu.memory_space<vmem>>
    %dma_start3A_76 = arith.constant 0 : i32
    %dma_start3A_77 = tpu.memref_slice %arg4[%add3A, %dma_start3A_71, %dma_start3A_76] : memref<32x125x80xi32, #tpu.memory_space<hbm>> -> memref<1x1x80xi32, #tpu.memory_space<hbm>>
    %dma_start3A_78 = tpu.memref_squeeze %dma_start3A_77 : memref<1x1x80xi32, #tpu.memory_space<hbm>> -> memref<80xi32, #tpu.memory_space<hbm>>
    %dma_start3A_79 = arith.constant 0 : i32
    %dma_start3A_80 = tpu.memref_slice %arg8[%dma_start3A_72, %dma_start3A_79] : memref<3x80xi32, #tpu.memory_space<vmem>> -> memref<1x80xi32, #tpu.memory_space<vmem>>
    %dma_start3A_81 = tpu.memref_squeeze %dma_start3A_80 : memref<1x80xi32, #tpu.memory_space<vmem>> -> memref<80xi32, #tpu.memory_space<vmem>>
    %dma_start3A_82 = arith.constant 0 : i32
    %dma_start3A_83 = tpu.memref_slice %arg4[%add3A, %dma_start3A_71, %dma_start3A_82] : memref<32x125x80xi32, #tpu.memory_space<hbm>> -> memref<1x1x80xi32, #tpu.memory_space<hbm>>
    %dma_start3A_84 = tpu.memref_squeeze %dma_start3A_83 : memref<1x1x80xi32, #tpu.memory_space<hbm>> -> memref<80xi32, #tpu.memory_space<hbm>>
    tpu.enqueue_dma source(%dma_start3A_84 : memref<80xi32, #tpu.memory_space<hbm>>) target(%dma_start3A_81 : memref<80xi32, #tpu.memory_space<vmem>>) target_semaphore(%arg13 : memref<!tpu.dma_semaphore, #tpu.memory_space<semaphore_mem>>)
    %multiple_of3A_85 = arith.constant 80 : i32
    %multiple_of3A_86 = tpu.assume_multiple %multiple_of3A_85, 8 : i32
    %multiple_of3A_87 = arith.constant 80 : i32
    %multiple_of3A_88 = tpu.assume_multiple %multiple_of3A_87, 8 : i32
    %dma_start3A_89 = arith.constant 0 : i32
    %dma_start3A_90 = tpu.memref_slice %arg9[%multiple_of3A_88, %dma_start3A_89] : memref<240x128xf32, #tpu.memory_space<vmem>> -> memref<16x128xf32, #tpu.memory_space<vmem>>
    %dma_start3A_91 = tpu.memref_slice %arg7[%multiple_of3A_86] : memref<10000xi32, #tpu.memory_space<vmem>> -> memref<16xi32, #tpu.memory_space<vmem>>
    %dma_start3A_92 = arith.constant 0 : i32
    %dma_start3A_93 = arith.constant 0 : i32
    %dma_start3A_94 = tpu.memref_slice %arg2[%dma_start3A_92, %dma_start3A_93] : memref<10000x128xf32, #tpu.memory_space<hbm>> -> memref<10000x128xf32, #tpu.memory_space<hbm>>
    tpu.enqueue_indirect_dma source(%dma_start3A_94 : memref<10000x128xf32, #tpu.memory_space<hbm>>) target(%dma_start3A_90 : memref<16x128xf32, #tpu.memory_space<vmem>>) offsets(%dma_start3A_91 : memref<16xi32, #tpu.memory_space<vmem>>) semaphore(%arg11 : memref<!tpu.dma_semaphore, #tpu.memory_space<semaphore_mem>>)
    %multiple_of3A_95 = arith.constant 96 : i32
    %multiple_of3A_96 = tpu.assume_multiple %multiple_of3A_95, 8 : i32
    %multiple_of3A_97 = arith.constant 96 : i32
    %multiple_of3A_98 = tpu.assume_multiple %multiple_of3A_97, 8 : i32
    %dma_start3A_99 = arith.constant 0 : i32
    %dma_start3A_100 = tpu.memref_slice %arg9[%multiple_of3A_98, %dma_start3A_99] : memref<240x128xf32, #tpu.memory_space<vmem>> -> memref<16x128xf32, #tpu.memory_space<vmem>>
    %dma_start3A_101 = tpu.memref_slice %arg7[%multiple_of3A_96] : memref<10000xi32, #tpu.memory_space<vmem>> -> memref<16xi32, #tpu.memory_space<vmem>>
    %dma_start3A_102 = arith.constant 0 : i32
    %dma_start3A_103 = arith.constant 0 : i32
    %dma_start3A_104 = tpu.memref_slice %arg2[%dma_start3A_102, %dma_start3A_103] : memref<10000x128xf32, #tpu.memory_space<hbm>> -> memref<10000x128xf32, #tpu.memory_space<hbm>>
    tpu.enqueue_indirect_dma source(%dma_start3A_104 : memref<10000x128xf32, #tpu.memory_space<hbm>>) target(%dma_start3A_100 : memref<16x128xf32, #tpu.memory_space<vmem>>) offsets(%dma_start3A_101 : memref<16xi32, #tpu.memory_space<vmem>>) semaphore(%arg11 : memref<!tpu.dma_semaphore, #tpu.memory_space<semaphore_mem>>)
    %multiple_of3A_105 = arith.constant 112 : i32
    %multiple_of3A_106 = tpu.assume_multiple %multiple_of3A_105, 8 : i32
    %multiple_of3A_107 = arith.constant 112 : i32
    %multiple_of3A_108 = tpu.assume_multiple %multiple_of3A_107, 8 : i32
    %dma_start3A_109 = arith.constant 0 : i32
    %dma_start3A_110 = tpu.memref_slice %arg9[%multiple_of3A_108, %dma_start3A_109] : memref<240x128xf32, #tpu.memory_space<vmem>> -> memref<16x128xf32, #tpu.memory_space<vmem>>
    %dma_start3A_111 = tpu.memref_slice %arg7[%multiple_of3A_106] : memref<10000xi32, #tpu.memory_space<vmem>> -> memref<16xi32, #tpu.memory_space<vmem>>
    %dma_start3A_112 = arith.constant 0 : i32
    %dma_start3A_113 = arith.constant 0 : i32
    %dma_start3A_114 = tpu.memref_slice %arg2[%dma_start3A_112, %dma_start3A_113] : memref<10000x128xf32, #tpu.memory_space<hbm>> -> memref<10000x128xf32, #tpu.memory_space<hbm>>
    tpu.enqueue_indirect_dma source(%dma_start3A_114 : memref<10000x128xf32, #tpu.memory_space<hbm>>) target(%dma_start3A_110 : memref<16x128xf32, #tpu.memory_space<vmem>>) offsets(%dma_start3A_111 : memref<16xi32, #tpu.memory_space<vmem>>) semaphore(%arg11 : memref<!tpu.dma_semaphore, #tpu.memory_space<semaphore_mem>>)
    %multiple_of3A_115 = arith.constant 128 : i32
    %multiple_of3A_116 = tpu.assume_multiple %multiple_of3A_115, 8 : i32
    %multiple_of3A_117 = arith.constant 128 : i32
    %multiple_of3A_118 = tpu.assume_multiple %multiple_of3A_117, 8 : i32
    %dma_start3A_119 = arith.constant 0 : i32
    %dma_start3A_120 = tpu.memref_slice %arg9[%multiple_of3A_118, %dma_start3A_119] : memref<240x128xf32, #tpu.memory_space<vmem>> -> memref<16x128xf32, #tpu.memory_space<vmem>>
    %dma_start3A_121 = tpu.memref_slice %arg7[%multiple_of3A_116] : memref<10000xi32, #tpu.memory_space<vmem>> -> memref<16xi32, #tpu.memory_space<vmem>>
    %dma_start3A_122 = arith.constant 0 : i32
    %dma_start3A_123 = arith.constant 0 : i32
    %dma_start3A_124 = tpu.memref_slice %arg2[%dma_start3A_122, %dma_start3A_123] : memref<10000x128xf32, #tpu.memory_space<hbm>> -> memref<10000x128xf32, #tpu.memory_space<hbm>>
    tpu.enqueue_indirect_dma source(%dma_start3A_124 : memref<10000x128xf32, #tpu.memory_space<hbm>>) target(%dma_start3A_120 : memref<16x128xf32, #tpu.memory_space<vmem>>) offsets(%dma_start3A_121 : memref<16xi32, #tpu.memory_space<vmem>>) semaphore(%arg11 : memref<!tpu.dma_semaphore, #tpu.memory_space<semaphore_mem>>)
    %multiple_of3A_125 = arith.constant 144 : i32
    %multiple_of3A_126 = tpu.assume_multiple %multiple_of3A_125, 8 : i32
    %multiple_of3A_127 = arith.constant 144 : i32
    %multiple_of3A_128 = tpu.assume_multiple %multiple_of3A_127, 8 : i32
    %dma_start3A_129 = arith.constant 0 : i32
    %dma_start3A_130 = tpu.memref_slice %arg9[%multiple_of3A_128, %dma_start3A_129] : memref<240x128xf32, #tpu.memory_space<vmem>> -> memref<16x128xf32, #tpu.memory_space<vmem>>
    %dma_start3A_131 = tpu.memref_slice %arg7[%multiple_of3A_126] : memref<10000xi32, #tpu.memory_space<vmem>> -> memref<16xi32, #tpu.memory_space<vmem>>
    %dma_start3A_132 = arith.constant 0 : i32
    %dma_start3A_133 = arith.constant 0 : i32
    %dma_start3A_134 = tpu.memref_slice %arg2[%dma_start3A_132, %dma_start3A_133] : memref<10000x128xf32, #tpu.memory_space<hbm>> -> memref<10000x128xf32, #tpu.memory_space<hbm>>
    tpu.enqueue_indirect_dma source(%dma_start3A_134 : memref<10000x128xf32, #tpu.memory_space<hbm>>) target(%dma_start3A_130 : memref<16x128xf32, #tpu.memory_space<vmem>>) offsets(%dma_start3A_131 : memref<16xi32, #tpu.memory_space<vmem>>) semaphore(%arg11 : memref<!tpu.dma_semaphore, #tpu.memory_space<semaphore_mem>>)
    %scan3A = arith.constant 0 : i32
    %scan3A_135 = arith.constant 125 : i32
    %scan3A_136 = arith.addi %scan3A, %scan3A_135 : i32
    %scan3A_137 = arith.constant 1 : i32
    scf.for %scan3A_180 = %scan3A to %scan3A_136 step %scan3A_137  : i32 {
      %dma_wait3A_181 = arith.constant 0 : i32
      %dma_wait3A_182 = arith.constant 0 : i32
      %dma_wait3A_183 = tpu.memref_slice %arg9[%dma_wait3A_181, %dma_wait3A_182] : memref<240x128xf32, #tpu.memory_space<vmem>> -> memref<16x128xf32, #tpu.memory_space<vmem>>
      %dma_wait3A_184 = arith.constant 0 : i32
      %dma_wait3A_185 = arith.constant 0 : i32
      %dma_wait3A_186 = tpu.memref_slice %arg2[%dma_wait3A_184, %dma_wait3A_185] : memref<10000x128xf32, #tpu.memory_space<hbm>> -> memref<16x128xf32, #tpu.memory_space<hbm>>
      %dma_wait3A_187 = arith.constant 0 : i32
      %dma_wait3A_188 = arith.constant 0 : i32
      %dma_wait3A_189 = tpu.memref_slice %arg9[%dma_wait3A_187, %dma_wait3A_188] : memref<240x128xf32, #tpu.memory_space<vmem>> -> memref<16x128xf32, #tpu.memory_space<vmem>>
      %dma_wait3A_190 = arith.constant 0 : i32
      %dma_wait3A_191 = arith.constant 0 : i32
      %dma_wait3A_192 = tpu.memref_slice %arg2[%dma_wait3A_190, %dma_wait3A_191] : memref<10000x128xf32, #tpu.memory_space<hbm>> -> memref<16x128xf32, #tpu.memory_space<hbm>>
      tpu.wait_dma2 semaphore(%arg11 : memref<!tpu.dma_semaphore, #tpu.memory_space<semaphore_mem>>) src(%dma_wait3A_192 : memref<16x128xf32, #tpu.memory_space<hbm>>) dst(%dma_wait3A_189 : memref<16x128xf32, #tpu.memory_space<vmem>>)
      %dma_wait3A_193 = arith.constant 0 : i32
      %dma_wait3A_194 = arith.constant 0 : i32
      %dma_wait3A_195 = tpu.memref_slice %arg9[%dma_wait3A_193, %dma_wait3A_194] : memref<240x128xf32, #tpu.memory_space<vmem>> -> memref<16x128xf32, #tpu.memory_space<vmem>>
      %dma_wait3A_196 = arith.constant 0 : i32
      %dma_wait3A_197 = arith.constant 0 : i32
      %dma_wait3A_198 = tpu.memref_slice %arg2[%dma_wait3A_196, %dma_wait3A_197] : memref<10000x128xf32, #tpu.memory_space<hbm>> -> memref<16x128xf32, #tpu.memory_space<hbm>>
      %dma_wait3A_199 = arith.constant 0 : i32
      %dma_wait3A_200 = arith.constant 0 : i32
      %dma_wait3A_201 = tpu.memref_slice %arg9[%dma_wait3A_199, %dma_wait3A_200] : memref<240x128xf32, #tpu.memory_space<vmem>> -> memref<16x128xf32, #tpu.memory_space<vmem>>
      %dma_wait3A_202 = arith.constant 0 : i32
      %dma_wait3A_203 = arith.constant 0 : i32
      %dma_wait3A_204 = tpu.memref_slice %arg2[%dma_wait3A_202, %dma_wait3A_203] : memref<10000x128xf32, #tpu.memory_space<hbm>> -> memref<16x128xf32, #tpu.memory_space<hbm>>
      tpu.wait_dma2 semaphore(%arg11 : memref<!tpu.dma_semaphore, #tpu.memory_space<semaphore_mem>>) src(%dma_wait3A_204 : memref<16x128xf32, #tpu.memory_space<hbm>>) dst(%dma_wait3A_201 : memref<16x128xf32, #tpu.memory_space<vmem>>)
      %dma_wait3A_205 = arith.constant 0 : i32
      %dma_wait3A_206 = arith.constant 0 : i32
      %dma_wait3A_207 = tpu.memref_slice %arg9[%dma_wait3A_205, %dma_wait3A_206] : memref<240x128xf32, #tpu.memory_space<vmem>> -> memref<16x128xf32, #tpu.memory_space<vmem>>
      %dma_wait3A_208 = arith.constant 0 : i32
      %dma_wait3A_209 = arith.constant 0 : i32
      %dma_wait3A_210 = tpu.memref_slice %arg2[%dma_wait3A_208, %dma_wait3A_209] : memref<10000x128xf32, #tpu.memory_space<hbm>> -> memref<16x128xf32, #tpu.memory_space<hbm>>
      %dma_wait3A_211 = arith.constant 0 : i32
      %dma_wait3A_212 = arith.constant 0 : i32
      %dma_wait3A_213 = tpu.memref_slice %arg9[%dma_wait3A_211, %dma_wait3A_212] : memref<240x128xf32, #tpu.memory_space<vmem>> -> memref<16x128xf32, #tpu.memory_space<vmem>>
      %dma_wait3A_214 = arith.constant 0 : i32
      %dma_wait3A_215 = arith.constant 0 : i32
      %dma_wait3A_216 = tpu.memref_slice %arg2[%dma_wait3A_214, %dma_wait3A_215] : memref<10000x128xf32, #tpu.memory_space<hbm>> -> memref<16x128xf32, #tpu.memory_space<hbm>>
      tpu.wait_dma2 semaphore(%arg11 : memref<!tpu.dma_semaphore, #tpu.memory_space<semaphore_mem>>) src(%dma_wait3A_216 : memref<16x128xf32, #tpu.memory_space<hbm>>) dst(%dma_wait3A_213 : memref<16x128xf32, #tpu.memory_space<vmem>>)
      %dma_wait3A_217 = arith.constant 0 : i32
      %dma_wait3A_218 = arith.constant 0 : i32
      %dma_wait3A_219 = tpu.memref_slice %arg9[%dma_wait3A_217, %dma_wait3A_218] : memref<240x128xf32, #tpu.memory_space<vmem>> -> memref<16x128xf32, #tpu.memory_space<vmem>>
      %dma_wait3A_220 = arith.constant 0 : i32
      %dma_wait3A_221 = arith.constant 0 : i32
      %dma_wait3A_222 = tpu.memref_slice %arg2[%dma_wait3A_220, %dma_wait3A_221] : memref<10000x128xf32, #tpu.memory_space<hbm>> -> memref<16x128xf32, #tpu.memory_space<hbm>>
      %dma_wait3A_223 = arith.constant 0 : i32
      %dma_wait3A_224 = arith.constant 0 : i32
      %dma_wait3A_225 = tpu.memref_slice %arg9[%dma_wait3A_223, %dma_wait3A_224] : memref<240x128xf32, #tpu.memory_space<vmem>> -> memref<16x128xf32, #tpu.memory_space<vmem>>
      %dma_wait3A_226 = arith.constant 0 : i32
      %dma_wait3A_227 = arith.constant 0 : i32
      %dma_wait3A_228 = tpu.memref_slice %arg2[%dma_wait3A_226, %dma_wait3A_227] : memref<10000x128xf32, #tpu.memory_space<hbm>> -> memref<16x128xf32, #tpu.memory_space<hbm>>
      tpu.wait_dma2 semaphore(%arg11 : memref<!tpu.dma_semaphore, #tpu.memory_space<semaphore_mem>>) src(%dma_wait3A_228 : memref<16x128xf32, #tpu.memory_space<hbm>>) dst(%dma_wait3A_225 : memref<16x128xf32, #tpu.memory_space<vmem>>)
      %dma_wait3A_229 = arith.constant 0 : i32
      %dma_wait3A_230 = arith.constant 0 : i32
      %dma_wait3A_231 = tpu.memref_slice %arg9[%dma_wait3A_229, %dma_wait3A_230] : memref<240x128xf32, #tpu.memory_space<vmem>> -> memref<16x128xf32, #tpu.memory_space<vmem>>
      %dma_wait3A_232 = arith.constant 0 : i32
      %dma_wait3A_233 = arith.constant 0 : i32
      %dma_wait3A_234 = tpu.memref_slice %arg2[%dma_wait3A_232, %dma_wait3A_233] : memref<10000x128xf32, #tpu.memory_space<hbm>> -> memref<16x128xf32, #tpu.memory_space<hbm>>
      %dma_wait3A_235 = arith.constant 0 : i32
      %dma_wait3A_236 = arith.constant 0 : i32
      %dma_wait3A_237 = tpu.memref_slice %arg9[%dma_wait3A_235, %dma_wait3A_236] : memref<240x128xf32, #tpu.memory_space<vmem>> -> memref<16x128xf32, #tpu.memory_space<vmem>>
      %dma_wait3A_238 = arith.constant 0 : i32
      %dma_wait3A_239 = arith.constant 0 : i32
      %dma_wait3A_240 = tpu.memref_slice %arg2[%dma_wait3A_238, %dma_wait3A_239] : memref<10000x128xf32, #tpu.memory_space<hbm>> -> memref<16x128xf32, #tpu.memory_space<hbm>>
      tpu.wait_dma2 semaphore(%arg11 : memref<!tpu.dma_semaphore, #tpu.memory_space<semaphore_mem>>) src(%dma_wait3A_240 : memref<16x128xf32, #tpu.memory_space<hbm>>) dst(%dma_wait3A_237 : memref<16x128xf32, #tpu.memory_space<vmem>>)
      %jit3A = arith.constant 3 : i32
      %eq3A_241 = arith.constant 0 : i32
      %eq3A_242 = arith.cmpi eq, %jit3A, %eq3A_241 : i32
      %jit3A_243 = arith.constant 1 : i32
      %select_n3A = arith.select %eq3A_242, %jit3A_243, %jit3A : i32
      %rem3A = arith.remsi %scan3A_180, %select_n3A : i32
      %ne3A = arith.constant 0 : i32
      %ne3A_244 = arith.cmpi ne, %rem3A, %ne3A : i32
      %lt3A = arith.constant 0 : i32
      %lt3A_245 = arith.cmpi slt, %rem3A, %lt3A : i32
      %lt3A_246 = arith.constant 0 : i32
      %lt3A_247 = arith.cmpi slt, %select_n3A, %lt3A_246 : i32
      %ne3A_248 = arith.xori %lt3A_245, %lt3A_247 : i1
      %and3A = arith.andi %ne3A_248, %ne3A_244 : i1
      %add3A_249 = arith.addi %rem3A, %select_n3A : i32
      %select_n3A_250 = arith.select %and3A, %add3A_249, %rem3A : i32
      %dma_wait3A_251 = arith.constant 0 : i32
      %dma_wait3A_252 = arith.constant 0 : i32
      %dma_wait3A_253 = tpu.memref_slice %arg8[%select_n3A_250, %dma_wait3A_252] : memref<3x80xi32, #tpu.memory_space<vmem>> -> memref<1x80xi32, #tpu.memory_space<vmem>>
      %dma_wait3A_254 = tpu.memref_squeeze %dma_wait3A_253 : memref<1x80xi32, #tpu.memory_space<vmem>> -> memref<80xi32, #tpu.memory_space<vmem>>
      %dma_wait3A_255 = arith.constant 0 : i32
      %dma_wait3A_256 = tpu.memref_slice %arg4[%add3A, %dma_wait3A_251, %dma_wait3A_255] : memref<32x125x80xi32, #tpu.memory_space<hbm>> -> memref<1x1x80xi32, #tpu.memory_space<hbm>>
      %dma_wait3A_257 = tpu.memref_squeeze %dma_wait3A_256 : memref<1x1x80xi32, #tpu.memory_space<hbm>> -> memref<80xi32, #tpu.memory_space<hbm>>
      %dma_wait3A_258 = arith.constant 0 : i32
      %dma_wait3A_259 = tpu.memref_slice %arg8[%select_n3A_250, %dma_wait3A_258] : memref<3x80xi32, #tpu.memory_space<vmem>> -> memref<1x80xi32, #tpu.memory_space<vmem>>
      %dma_wait3A_260 = tpu.memref_squeeze %dma_wait3A_259 : memref<1x80xi32, #tpu.memory_space<vmem>> -> memref<80xi32, #tpu.memory_space<vmem>>
      %dma_wait3A_261 = arith.constant 0 : i32
      %dma_wait3A_262 = tpu.memref_slice %arg4[%add3A, %dma_wait3A_251, %dma_wait3A_261] : memref<32x125x80xi32, #tpu.memory_space<hbm>> -> memref<1x1x80xi32, #tpu.memory_space<hbm>>
      %dma_wait3A_263 = tpu.memref_squeeze %dma_wait3A_262 : memref<1x1x80xi32, #tpu.memory_space<hbm>> -> memref<80xi32, #tpu.memory_space<hbm>>
      tpu.wait_dma2 semaphore(%arg13 : memref<!tpu.dma_semaphore, #tpu.memory_space<semaphore_mem>>) src(%dma_wait3A_263 : memref<80xi32, #tpu.memory_space<hbm>>) dst(%dma_wait3A_260 : memref<80xi32, #tpu.memory_space<vmem>>)
      %jit3A_264 = arith.constant 3 : i32
      %eq3A_265 = arith.constant 0 : i32
      %eq3A_266 = arith.cmpi eq, %jit3A_264, %eq3A_265 : i32
      %jit3A_267 = arith.constant 1 : i32
      %select_n3A_268 = arith.select %eq3A_266, %jit3A_267, %jit3A_264 : i32
      %rem3A_269 = arith.remsi %scan3A_180, %select_n3A_268 : i32
      %ne3A_270 = arith.constant 0 : i32
      %ne3A_271 = arith.cmpi ne, %rem3A_269, %ne3A_270 : i32
      %lt3A_272 = arith.constant 0 : i32
      %lt3A_273 = arith.cmpi slt, %rem3A_269, %lt3A_272 : i32
      %lt3A_274 = arith.constant 0 : i32
      %lt3A_275 = arith.cmpi slt, %select_n3A_268, %lt3A_274 : i32
      %ne3A_276 = arith.xori %lt3A_273, %lt3A_275 : i1
      %and3A_277 = arith.andi %ne3A_276, %ne3A_271 : i1
      %add3A_278 = arith.addi %rem3A_269, %select_n3A_268 : i32
      %select_n3A_279 = arith.select %and3A_277, %add3A_278, %rem3A_269 : i32
      %mul3A_280 = arith.constant 80 : i32
      %mul3A_281 = arith.muli %select_n3A_279, %mul3A_280 : i32
      %multiple_of3A_282 = tpu.assume_multiple %mul3A_281, 8 : i32
      %jit3A_283 = arith.constant 3 : i32
      %eq3A_284 = arith.constant 0 : i32
      %eq3A_285 = arith.cmpi eq, %jit3A_283, %eq3A_284 : i32
      %jit3A_286 = arith.constant 1 : i32
      %select_n3A_287 = arith.select %eq3A_285, %jit3A_286, %jit3A_283 : i32
      %rem3A_288 = arith.remsi %scan3A_180, %select_n3A_287 : i32
      %ne3A_289 = arith.constant 0 : i32
      %ne3A_290 = arith.cmpi ne, %rem3A_288, %ne3A_289 : i32
      %lt3A_291 = arith.constant 0 : i32
      %lt3A_292 = arith.cmpi slt, %rem3A_288, %lt3A_291 : i32
      %lt3A_293 = arith.constant 0 : i32
      %lt3A_294 = arith.cmpi slt, %select_n3A_287, %lt3A_293 : i32
      %ne3A_295 = arith.xori %lt3A_292, %lt3A_294 : i1
      %and3A_296 = arith.andi %ne3A_295, %ne3A_290 : i1
      %add3A_297 = arith.addi %rem3A_288, %select_n3A_287 : i32
      %select_n3A_298 = arith.select %and3A_296, %add3A_297, %rem3A_288 : i32
      %dma_start3A_299 = arith.constant 0 : i32
      %dma_start3A_300 = tpu.memref_slice %arg9[%multiple_of3A_282, %dma_start3A_299] : memref<240x128xf32, #tpu.memory_space<vmem>> -> memref<80x128xf32, #tpu.memory_space<vmem>>
      %dma_start3A_301 = arith.constant 0 : i32
      %dma_start3A_302 = tpu.memref_slice %arg8[%select_n3A_298, %dma_start3A_301] : memref<3x80xi32, #tpu.memory_space<vmem>> -> memref<1x80xi32, #tpu.memory_space<vmem>>
      %dma_start3A_303 = tpu.memref_squeeze %dma_start3A_302 : memref<1x80xi32, #tpu.memory_space<vmem>> -> memref<80xi32, #tpu.memory_space<vmem>>
      %dma_start3A_304 = arith.constant 0 : i32
      %dma_start3A_305 = arith.constant 0 : i32
      %dma_start3A_306 = tpu.memref_slice %arg10[%dma_start3A_304, %dma_start3A_305] : memref<10001x128xf32, #tpu.memory_space<vmem_shared>> -> memref<10001x128xf32, #tpu.memory_space<vmem_shared>>
      tpu.enqueue_indirect_dma source(%dma_start3A_300 : memref<80x128xf32, #tpu.memory_space<vmem>>) target(%dma_start3A_306 : memref<10001x128xf32, #tpu.memory_space<vmem_shared>>) offsets(%dma_start3A_303 : memref<80xi32, #tpu.memory_space<vmem>>) semaphore(%arg12 : memref<!tpu.dma_semaphore, #tpu.memory_space<semaphore_mem>>) {add = true}
      %add3A_307 = arith.constant 3 : i32
      %add3A_308 = arith.addi %scan3A_180, %add3A_307 : i32
      %sub3A = arith.constant 1 : i32
      %sub3A_309 = arith.subi %add3A_308, %sub3A : i32
      %lt3A_310 = arith.constant 125 : i32
      %lt3A_311 = arith.cmpi slt, %sub3A_309, %lt3A_310 : i32
      %convert_element_type3A_312 = arith.extui %lt3A_311 : i1 to i32
      %cond3A_313 = arith.constant 0 : i32
      %cond3A_314 = arith.cmpi ne, %convert_element_type3A_312, %cond3A_313 : i32
      scf.if %cond3A_314 {
        %ge3A = arith.constant 1 : i32
        %ge3A_315 = arith.cmpi sge, %scan3A_180, %ge3A : i32
        %convert_element_type3A_316 = arith.extui %ge3A_315 : i1 to i32
        %cond3A_317 = arith.constant 0 : i32
        %cond3A_318 = arith.cmpi ne, %convert_element_type3A_316, %cond3A_317 : i32
        scf.if %cond3A_318 {
          %multiple_of3A_515 = arith.constant 0 : i32
          %multiple_of3A_516 = tpu.assume_multiple %multiple_of3A_515, 8 : i32
          %dma_wait3A_517 = arith.constant 0 : i32
          %dma_wait3A_518 = arith.constant 0 : i32
          %dma_wait3A_519 = tpu.memref_slice %arg9[%multiple_of3A_516, %dma_wait3A_518] : memref<240x128xf32, #tpu.memory_space<vmem>> -> memref<80x128xf32, #tpu.memory_space<vmem>>
          %dma_wait3A_520 = arith.constant 0 : i32
          %dma_wait3A_521 = tpu.memref_slice %arg8[%dma_wait3A_517, %dma_wait3A_520] : memref<3x80xi32, #tpu.memory_space<vmem>> -> memref<1x80xi32, #tpu.memory_space<vmem>>
          %dma_wait3A_522 = tpu.memref_squeeze %dma_wait3A_521 : memref<1x80xi32, #tpu.memory_space<vmem>> -> memref<80xi32, #tpu.memory_space<vmem>>
          %dma_wait3A_523 = arith.constant 0 : i32
          %dma_wait3A_524 = arith.constant 0 : i32
          %dma_wait3A_525 = tpu.memref_slice %arg10[%dma_wait3A_523, %dma_wait3A_524] : memref<10001x128xf32, #tpu.memory_space<vmem_shared>> -> memref<10001x128xf32, #tpu.memory_space<vmem_shared>>
          tpu.wait_indirect_dma semaphore(%arg12 : memref<!tpu.dma_semaphore, #tpu.memory_space<semaphore_mem>>) src(%dma_wait3A_519 : memref<80x128xf32, #tpu.memory_space<vmem>>) dst(%dma_wait3A_525 : memref<10001x128xf32, #tpu.memory_space<vmem_shared>>)
        } else {
        }
        %add3A_319 = arith.constant 3 : i32
        %add3A_320 = arith.addi %scan3A_180, %add3A_319 : i32
        %sub3A_321 = arith.constant 1 : i32
        %sub3A_322 = arith.subi %add3A_320, %sub3A_321 : i32
        %jit3A_323 = arith.constant 3 : i32
        %eq3A_324 = arith.constant 0 : i32
        %eq3A_325 = arith.cmpi eq, %jit3A_323, %eq3A_324 : i32
        %jit3A_326 = arith.constant 1 : i32
        %select_n3A_327 = arith.select %eq3A_325, %jit3A_326, %jit3A_323 : i32
        %rem3A_328 = arith.remsi %sub3A_322, %select_n3A_327 : i32
        %ne3A_329 = arith.constant 0 : i32
        %ne3A_330 = arith.cmpi ne, %rem3A_328, %ne3A_329 : i32
        %lt3A_331 = arith.constant 0 : i32
        %lt3A_332 = arith.cmpi slt, %rem3A_328, %lt3A_331 : i32
        %lt3A_333 = arith.constant 0 : i32
        %lt3A_334 = arith.cmpi slt, %select_n3A_327, %lt3A_333 : i32
        %ne3A_335 = arith.xori %lt3A_332, %lt3A_334 : i1
        %and3A_336 = arith.andi %ne3A_335, %ne3A_330 : i1
        %add3A_337 = arith.addi %rem3A_328, %select_n3A_327 : i32
        %select_n3A_338 = arith.select %and3A_336, %add3A_337, %rem3A_328 : i32
        %dma_start3A_339 = arith.constant 0 : i32
        %dma_start3A_340 = tpu.memref_slice %arg8[%select_n3A_338, %dma_start3A_339] : memref<3x80xi32, #tpu.memory_space<vmem>> -> memref<1x80xi32, #tpu.memory_space<vmem>>
        %dma_start3A_341 = tpu.memref_squeeze %dma_start3A_340 : memref<1x80xi32, #tpu.memory_space<vmem>> -> memref<80xi32, #tpu.memory_space<vmem>>
        %dma_start3A_342 = arith.constant 0 : i32
        %dma_start3A_343 = tpu.memref_slice %arg4[%add3A, %sub3A_322, %dma_start3A_342] : memref<32x125x80xi32, #tpu.memory_space<hbm>> -> memref<1x1x80xi32, #tpu.memory_space<hbm>>
        %dma_start3A_344 = tpu.memref_squeeze %dma_start3A_343 : memref<1x1x80xi32, #tpu.memory_space<hbm>> -> memref<80xi32, #tpu.memory_space<hbm>>
        %dma_start3A_345 = arith.constant 0 : i32
        %dma_start3A_346 = tpu.memref_slice %arg8[%select_n3A_338, %dma_start3A_345] : memref<3x80xi32, #tpu.memory_space<vmem>> -> memref<1x80xi32, #tpu.memory_space<vmem>>
        %dma_start3A_347 = tpu.memref_squeeze %dma_start3A_346 : memref<1x80xi32, #tpu.memory_space<vmem>> -> memref<80xi32, #tpu.memory_space<vmem>>
        %dma_start3A_348 = arith.constant 0 : i32
        %dma_start3A_349 = tpu.memref_slice %arg4[%add3A, %sub3A_322, %dma_start3A_348] : memref<32x125x80xi32, #tpu.memory_space<hbm>> -> memref<1x1x80xi32, #tpu.memory_space<hbm>>
        %dma_start3A_350 = tpu.memref_squeeze %dma_start3A_349 : memref<1x1x80xi32, #tpu.memory_space<hbm>> -> memref<80xi32, #tpu.memory_space<hbm>>
        tpu.enqueue_dma source(%dma_start3A_350 : memref<80xi32, #tpu.memory_space<hbm>>) target(%dma_start3A_347 : memref<80xi32, #tpu.memory_space<vmem>>) target_semaphore(%arg13 : memref<!tpu.dma_semaphore, #tpu.memory_space<semaphore_mem>>)
        %add3A_351 = arith.constant 3 : i32
        %add3A_352 = arith.addi %scan3A_180, %add3A_351 : i32
        %sub3A_353 = arith.constant 1 : i32
        %sub3A_354 = arith.subi %add3A_352, %sub3A_353 : i32
        %mul3A_355 = arith.constant 80 : i32
        %mul3A_356 = arith.muli %sub3A_354, %mul3A_355 : i32
        %add3A_357 = arith.constant 0 : i32
        %add3A_358 = arith.addi %mul3A_356, %add3A_357 : i32
        %multiple_of3A_359 = tpu.assume_multiple %add3A_358, 8 : i32
        %jit3A_360 = arith.constant 3 : i32
        %eq3A_361 = arith.constant 0 : i32
        %eq3A_362 = arith.cmpi eq, %jit3A_360, %eq3A_361 : i32
        %jit3A_363 = arith.constant 1 : i32
        %select_n3A_364 = arith.select %eq3A_362, %jit3A_363, %jit3A_360 : i32
        %rem3A_365 = arith.remsi %sub3A_354, %select_n3A_364 : i32
        %ne3A_366 = arith.constant 0 : i32
        %ne3A_367 = arith.cmpi ne, %rem3A_365, %ne3A_366 : i32
        %lt3A_368 = arith.constant 0 : i32
        %lt3A_369 = arith.cmpi slt, %rem3A_365, %lt3A_368 : i32
        %lt3A_370 = arith.constant 0 : i32
        %lt3A_371 = arith.cmpi slt, %select_n3A_364, %lt3A_370 : i32
        %ne3A_372 = arith.xori %lt3A_369, %lt3A_371 : i1
        %and3A_373 = arith.andi %ne3A_372, %ne3A_367 : i1
        %add3A_374 = arith.addi %rem3A_365, %select_n3A_364 : i32
        %select_n3A_375 = arith.select %and3A_373, %add3A_374, %rem3A_365 : i32
        %mul3A_376 = arith.constant 80 : i32
        %mul3A_377 = arith.muli %select_n3A_375, %mul3A_376 : i32
        %add3A_378 = arith.constant 0 : i32
        %add3A_379 = arith.addi %mul3A_377, %add3A_378 : i32
        %multiple_of3A_380 = tpu.assume_multiple %add3A_379, 8 : i32
        %dma_start3A_381 = arith.constant 0 : i32
        %dma_start3A_382 = tpu.memref_slice %arg9[%multiple_of3A_380, %dma_start3A_381] : memref<240x128xf32, #tpu.memory_space<vmem>> -> memref<16x128xf32, #tpu.memory_space<vmem>>
        %dma_start3A_383 = tpu.memref_slice %arg7[%multiple_of3A_359] : memref<10000xi32, #tpu.memory_space<vmem>> -> memref<16xi32, #tpu.memory_space<vmem>>
        %dma_start3A_384 = arith.constant 0 : i32
        %dma_start3A_385 = arith.constant 0 : i32
        %dma_start3A_386 = tpu.memref_slice %arg2[%dma_start3A_384, %dma_start3A_385] : memref<10000x128xf32, #tpu.memory_space<hbm>> -> memref<10000x128xf32, #tpu.memory_space<hbm>>
        tpu.enqueue_indirect_dma source(%dma_start3A_386 : memref<10000x128xf32, #tpu.memory_space<hbm>>) target(%dma_start3A_382 : memref<16x128xf32, #tpu.memory_space<vmem>>) offsets(%dma_start3A_383 : memref<16xi32, #tpu.memory_space<vmem>>) semaphore(%arg11 : memref<!tpu.dma_semaphore, #tpu.memory_space<semaphore_mem>>)
        %mul3A_387 = arith.constant 80 : i32
        %mul3A_388 = arith.muli %sub3A_354, %mul3A_387 : i32
        %add3A_389 = arith.constant 16 : i32
        %add3A_390 = arith.addi %mul3A_388, %add3A_389 : i32
        %multiple_of3A_391 = tpu.assume_multiple %add3A_390, 8 : i32
        %jit3A_392 = arith.constant 3 : i32
        %eq3A_393 = arith.constant 0 : i32
        %eq3A_394 = arith.cmpi eq, %jit3A_392, %eq3A_393 : i32
        %jit3A_395 = arith.constant 1 : i32
        %select_n3A_396 = arith.select %eq3A_394, %jit3A_395, %jit3A_392 : i32
        %rem3A_397 = arith.remsi %sub3A_354, %select_n3A_396 : i32
        %ne3A_398 = arith.constant 0 : i32
        %ne3A_399 = arith.cmpi ne, %rem3A_397, %ne3A_398 : i32
        %lt3A_400 = arith.constant 0 : i32
        %lt3A_401 = arith.cmpi slt, %rem3A_397, %lt3A_400 : i32
        %lt3A_402 = arith.constant 0 : i32
        %lt3A_403 = arith.cmpi slt, %select_n3A_396, %lt3A_402 : i32
        %ne3A_404 = arith.xori %lt3A_401, %lt3A_403 : i1
        %and3A_405 = arith.andi %ne3A_404, %ne3A_399 : i1
        %add3A_406 = arith.addi %rem3A_397, %select_n3A_396 : i32
        %select_n3A_407 = arith.select %and3A_405, %add3A_406, %rem3A_397 : i32
        %mul3A_408 = arith.constant 80 : i32
        %mul3A_409 = arith.muli %select_n3A_407, %mul3A_408 : i32
        %add3A_410 = arith.constant 16 : i32
        %add3A_411 = arith.addi %mul3A_409, %add3A_410 : i32
        %multiple_of3A_412 = tpu.assume_multiple %add3A_411, 8 : i32
        %dma_start3A_413 = arith.constant 0 : i32
        %dma_start3A_414 = tpu.memref_slice %arg9[%multiple_of3A_412, %dma_start3A_413] : memref<240x128xf32, #tpu.memory_space<vmem>> -> memref<16x128xf32, #tpu.memory_space<vmem>>
        %dma_start3A_415 = tpu.memref_slice %arg7[%multiple_of3A_391] : memref<10000xi32, #tpu.memory_space<vmem>> -> memref<16xi32, #tpu.memory_space<vmem>>
        %dma_start3A_416 = arith.constant 0 : i32
        %dma_start3A_417 = arith.constant 0 : i32
        %dma_start3A_418 = tpu.memref_slice %arg2[%dma_start3A_416, %dma_start3A_417] : memref<10000x128xf32, #tpu.memory_space<hbm>> -> memref<10000x128xf32, #tpu.memory_space<hbm>>
        tpu.enqueue_indirect_dma source(%dma_start3A_418 : memref<10000x128xf32, #tpu.memory_space<hbm>>) target(%dma_start3A_414 : memref<16x128xf32, #tpu.memory_space<vmem>>) offsets(%dma_start3A_415 : memref<16xi32, #tpu.memory_space<vmem>>) semaphore(%arg11 : memref<!tpu.dma_semaphore, #tpu.memory_space<semaphore_mem>>)
        %mul3A_419 = arith.constant 80 : i32
        %mul3A_420 = arith.muli %sub3A_354, %mul3A_419 : i32
        %add3A_421 = arith.constant 32 : i32
        %add3A_422 = arith.addi %mul3A_420, %add3A_421 : i32
        %multiple_of3A_423 = tpu.assume_multiple %add3A_422, 8 : i32
        %jit3A_424 = arith.constant 3 : i32
        %eq3A_425 = arith.constant 0 : i32
        %eq3A_426 = arith.cmpi eq, %jit3A_424, %eq3A_425 : i32
        %jit3A_427 = arith.constant 1 : i32
        %select_n3A_428 = arith.select %eq3A_426, %jit3A_427, %jit3A_424 : i32
        %rem3A_429 = arith.remsi %sub3A_354, %select_n3A_428 : i32
        %ne3A_430 = arith.constant 0 : i32
        %ne3A_431 = arith.cmpi ne, %rem3A_429, %ne3A_430 : i32
        %lt3A_432 = arith.constant 0 : i32
        %lt3A_433 = arith.cmpi slt, %rem3A_429, %lt3A_432 : i32
        %lt3A_434 = arith.constant 0 : i32
        %lt3A_435 = arith.cmpi slt, %select_n3A_428, %lt3A_434 : i32
        %ne3A_436 = arith.xori %lt3A_433, %lt3A_435 : i1
        %and3A_437 = arith.andi %ne3A_436, %ne3A_431 : i1
        %add3A_438 = arith.addi %rem3A_429, %select_n3A_428 : i32
        %select_n3A_439 = arith.select %and3A_437, %add3A_438, %rem3A_429 : i32
        %mul3A_440 = arith.constant 80 : i32
        %mul3A_441 = arith.muli %select_n3A_439, %mul3A_440 : i32
        %add3A_442 = arith.constant 32 : i32
        %add3A_443 = arith.addi %mul3A_441, %add3A_442 : i32
        %multiple_of3A_444 = tpu.assume_multiple %add3A_443, 8 : i32
        %dma_start3A_445 = arith.constant 0 : i32
        %dma_start3A_446 = tpu.memref_slice %arg9[%multiple_of3A_444, %dma_start3A_445] : memref<240x128xf32, #tpu.memory_space<vmem>> -> memref<16x128xf32, #tpu.memory_space<vmem>>
        %dma_start3A_447 = tpu.memref_slice %arg7[%multiple_of3A_423] : memref<10000xi32, #tpu.memory_space<vmem>> -> memref<16xi32, #tpu.memory_space<vmem>>
        %dma_start3A_448 = arith.constant 0 : i32
        %dma_start3A_449 = arith.constant 0 : i32
        %dma_start3A_450 = tpu.memref_slice %arg2[%dma_start3A_448, %dma_start3A_449] : memref<10000x128xf32, #tpu.memory_space<hbm>> -> memref<10000x128xf32, #tpu.memory_space<hbm>>
        tpu.enqueue_indirect_dma source(%dma_start3A_450 : memref<10000x128xf32, #tpu.memory_space<hbm>>) target(%dma_start3A_446 : memref<16x128xf32, #tpu.memory_space<vmem>>) offsets(%dma_start3A_447 : memref<16xi32, #tpu.memory_space<vmem>>) semaphore(%arg11 : memref<!tpu.dma_semaphore, #tpu.memory_space<semaphore_mem>>)
        %mul3A_451 = arith.constant 80 : i32
        %mul3A_452 = arith.muli %sub3A_354, %mul3A_451 : i32
        %add3A_453 = arith.constant 48 : i32
        %add3A_454 = arith.addi %mul3A_452, %add3A_453 : i32
        %multiple_of3A_455 = tpu.assume_multiple %add3A_454, 8 : i32
        %jit3A_456 = arith.constant 3 : i32
        %eq3A_457 = arith.constant 0 : i32
        %eq3A_458 = arith.cmpi eq, %jit3A_456, %eq3A_457 : i32
        %jit3A_459 = arith.constant 1 : i32
        %select_n3A_460 = arith.select %eq3A_458, %jit3A_459, %jit3A_456 : i32
        %rem3A_461 = arith.remsi %sub3A_354, %select_n3A_460 : i32
        %ne3A_462 = arith.constant 0 : i32
        %ne3A_463 = arith.cmpi ne, %rem3A_461, %ne3A_462 : i32
        %lt3A_464 = arith.constant 0 : i32
        %lt3A_465 = arith.cmpi slt, %rem3A_461, %lt3A_464 : i32
        %lt3A_466 = arith.constant 0 : i32
        %lt3A_467 = arith.cmpi slt, %select_n3A_460, %lt3A_466 : i32
        %ne3A_468 = arith.xori %lt3A_465, %lt3A_467 : i1
        %and3A_469 = arith.andi %ne3A_468, %ne3A_463 : i1
        %add3A_470 = arith.addi %rem3A_461, %select_n3A_460 : i32
        %select_n3A_471 = arith.select %and3A_469, %add3A_470, %rem3A_461 : i32
        %mul3A_472 = arith.constant 80 : i32
        %mul3A_473 = arith.muli %select_n3A_471, %mul3A_472 : i32
        %add3A_474 = arith.constant 48 : i32
        %add3A_475 = arith.addi %mul3A_473, %add3A_474 : i32
        %multiple_of3A_476 = tpu.assume_multiple %add3A_475, 8 : i32
        %dma_start3A_477 = arith.constant 0 : i32
        %dma_start3A_478 = tpu.memref_slice %arg9[%multiple_of3A_476, %dma_start3A_477] : memref<240x128xf32, #tpu.memory_space<vmem>> -> memref<16x128xf32, #tpu.memory_space<vmem>>
        %dma_start3A_479 = tpu.memref_slice %arg7[%multiple_of3A_455] : memref<10000xi32, #tpu.memory_space<vmem>> -> memref<16xi32, #tpu.memory_space<vmem>>
        %dma_start3A_480 = arith.constant 0 : i32
        %dma_start3A_481 = arith.constant 0 : i32
        %dma_start3A_482 = tpu.memref_slice %arg2[%dma_start3A_480, %dma_start3A_481] : memref<10000x128xf32, #tpu.memory_space<hbm>> -> memref<10000x128xf32, #tpu.memory_space<hbm>>
        tpu.enqueue_indirect_dma source(%dma_start3A_482 : memref<10000x128xf32, #tpu.memory_space<hbm>>) target(%dma_start3A_478 : memref<16x128xf32, #tpu.memory_space<vmem>>) offsets(%dma_start3A_479 : memref<16xi32, #tpu.memory_space<vmem>>) semaphore(%arg11 : memref<!tpu.dma_semaphore, #tpu.memory_space<semaphore_mem>>)
        %mul3A_483 = arith.constant 80 : i32
        %mul3A_484 = arith.muli %sub3A_354, %mul3A_483 : i32
        %add3A_485 = arith.constant 64 : i32
        %add3A_486 = arith.addi %mul3A_484, %add3A_485 : i32
        %multiple_of3A_487 = tpu.assume_multiple %add3A_486, 8 : i32
        %jit3A_488 = arith.constant 3 : i32
        %eq3A_489 = arith.constant 0 : i32
        %eq3A_490 = arith.cmpi eq, %jit3A_488, %eq3A_489 : i32
        %jit3A_491 = arith.constant 1 : i32
        %select_n3A_492 = arith.select %eq3A_490, %jit3A_491, %jit3A_488 : i32
        %rem3A_493 = arith.remsi %sub3A_354, %select_n3A_492 : i32
        %ne3A_494 = arith.constant 0 : i32
        %ne3A_495 = arith.cmpi ne, %rem3A_493, %ne3A_494 : i32
        %lt3A_496 = arith.constant 0 : i32
        %lt3A_497 = arith.cmpi slt, %rem3A_493, %lt3A_496 : i32
        %lt3A_498 = arith.constant 0 : i32
        %lt3A_499 = arith.cmpi slt, %select_n3A_492, %lt3A_498 : i32
        %ne3A_500 = arith.xori %lt3A_497, %lt3A_499 : i1
        %and3A_501 = arith.andi %ne3A_500, %ne3A_495 : i1
        %add3A_502 = arith.addi %rem3A_493, %select_n3A_492 : i32
        %select_n3A_503 = arith.select %and3A_501, %add3A_502, %rem3A_493 : i32
        %mul3A_504 = arith.constant 80 : i32
        %mul3A_505 = arith.muli %select_n3A_503, %mul3A_504 : i32
        %add3A_506 = arith.constant 64 : i32
        %add3A_507 = arith.addi %mul3A_505, %add3A_506 : i32
        %multiple_of3A_508 = tpu.assume_multiple %add3A_507, 8 : i32
        %dma_start3A_509 = arith.constant 0 : i32
        %dma_start3A_510 = tpu.memref_slice %arg9[%multiple_of3A_508, %dma_start3A_509] : memref<240x128xf32, #tpu.memory_space<vmem>> -> memref<16x128xf32, #tpu.memory_space<vmem>>
        %dma_start3A_511 = tpu.memref_slice %arg7[%multiple_of3A_487] : memref<10000xi32, #tpu.memory_space<vmem>> -> memref<16xi32, #tpu.memory_space<vmem>>
        %dma_start3A_512 = arith.constant 0 : i32
        %dma_start3A_513 = arith.constant 0 : i32
        %dma_start3A_514 = tpu.memref_slice %arg2[%dma_start3A_512, %dma_start3A_513] : memref<10000x128xf32, #tpu.memory_space<hbm>> -> memref<10000x128xf32, #tpu.memory_space<hbm>>
        tpu.enqueue_indirect_dma source(%dma_start3A_514 : memref<10000x128xf32, #tpu.memory_space<hbm>>) target(%dma_start3A_510 : memref<16x128xf32, #tpu.memory_space<vmem>>) offsets(%dma_start3A_511 : memref<16xi32, #tpu.memory_space<vmem>>) semaphore(%arg11 : memref<!tpu.dma_semaphore, #tpu.memory_space<semaphore_mem>>)
      } else {
      }
    }
    %scan3A_138 = arith.constant 125 : i32
    %multiple_of3A_139 = arith.constant 0 : i32
    %multiple_of3A_140 = tpu.assume_multiple %multiple_of3A_139, 8 : i32
    %dma_wait3A = arith.constant 0 : i32
    %dma_wait3A_141 = arith.constant 0 : i32
    %dma_wait3A_142 = tpu.memref_slice %arg9[%multiple_of3A_140, %dma_wait3A_141] : memref<240x128xf32, #tpu.memory_space<vmem>> -> memref<80x128xf32, #tpu.memory_space<vmem>>
    %dma_wait3A_143 = arith.constant 0 : i32
    %dma_wait3A_144 = tpu.memref_slice %arg8[%dma_wait3A, %dma_wait3A_143] : memref<3x80xi32, #tpu.memory_space<vmem>> -> memref<1x80xi32, #tpu.memory_space<vmem>>
    %dma_wait3A_145 = tpu.memref_squeeze %dma_wait3A_144 : memref<1x80xi32, #tpu.memory_space<vmem>> -> memref<80xi32, #tpu.memory_space<vmem>>
    %dma_wait3A_146 = arith.constant 0 : i32
    %dma_wait3A_147 = arith.constant 0 : i32
    %dma_wait3A_148 = tpu.memref_slice %arg10[%dma_wait3A_146, %dma_wait3A_147] : memref<10001x128xf32, #tpu.memory_space<vmem_shared>> -> memref<10001x128xf32, #tpu.memory_space<vmem_shared>>
    tpu.wait_indirect_dma semaphore(%arg12 : memref<!tpu.dma_semaphore, #tpu.memory_space<semaphore_mem>>) src(%dma_wait3A_142 : memref<80x128xf32, #tpu.memory_space<vmem>>) dst(%dma_wait3A_148 : memref<10001x128xf32, #tpu.memory_space<vmem_shared>>)
    %multiple_of3A_149 = arith.constant 0 : i32
    %multiple_of3A_150 = tpu.assume_multiple %multiple_of3A_149, 8 : i32
    %dma_wait3A_151 = arith.constant 0 : i32
    %dma_wait3A_152 = arith.constant 0 : i32
    %dma_wait3A_153 = tpu.memref_slice %arg9[%multiple_of3A_150, %dma_wait3A_152] : memref<240x128xf32, #tpu.memory_space<vmem>> -> memref<80x128xf32, #tpu.memory_space<vmem>>
    %dma_wait3A_154 = arith.constant 0 : i32
    %dma_wait3A_155 = tpu.memref_slice %arg8[%dma_wait3A_151, %dma_wait3A_154] : memref<3x80xi32, #tpu.memory_space<vmem>> -> memref<1x80xi32, #tpu.memory_space<vmem>>
    %dma_wait3A_156 = tpu.memref_squeeze %dma_wait3A_155 : memref<1x80xi32, #tpu.memory_space<vmem>> -> memref<80xi32, #tpu.memory_space<vmem>>
    %dma_wait3A_157 = arith.constant 0 : i32
    %dma_wait3A_158 = arith.constant 0 : i32
    %dma_wait3A_159 = tpu.memref_slice %arg10[%dma_wait3A_157, %dma_wait3A_158] : memref<10001x128xf32, #tpu.memory_space<vmem_shared>> -> memref<10001x128xf32, #tpu.memory_space<vmem_shared>>
    tpu.wait_indirect_dma semaphore(%arg12 : memref<!tpu.dma_semaphore, #tpu.memory_space<semaphore_mem>>) src(%dma_wait3A_153 : memref<80x128xf32, #tpu.memory_space<vmem>>) dst(%dma_wait3A_159 : memref<10001x128xf32, #tpu.memory_space<vmem_shared>>)
    %multiple_of3A_160 = arith.constant 0 : i32
    %multiple_of3A_161 = tpu.assume_multiple %multiple_of3A_160, 8 : i32
    %dma_wait3A_162 = arith.constant 0 : i32
    %dma_wait3A_163 = arith.constant 0 : i32
    %dma_wait3A_164 = tpu.memref_slice %arg9[%multiple_of3A_161, %dma_wait3A_163] : memref<240x128xf32, #tpu.memory_space<vmem>> -> memref<80x128xf32, #tpu.memory_space<vmem>>
    %dma_wait3A_165 = arith.constant 0 : i32
    %dma_wait3A_166 = tpu.memref_slice %arg8[%dma_wait3A_162, %dma_wait3A_165] : memref<3x80xi32, #tpu.memory_space<vmem>> -> memref<1x80xi32, #tpu.memory_space<vmem>>
    %dma_wait3A_167 = tpu.memref_squeeze %dma_wait3A_166 : memref<1x80xi32, #tpu.memory_space<vmem>> -> memref<80xi32, #tpu.memory_space<vmem>>
    %dma_wait3A_168 = arith.constant 0 : i32
    %dma_wait3A_169 = arith.constant 0 : i32
    %dma_wait3A_170 = tpu.memref_slice %arg10[%dma_wait3A_168, %dma_wait3A_169] : memref<10001x128xf32, #tpu.memory_space<vmem_shared>> -> memref<10001x128xf32, #tpu.memory_space<vmem_shared>>
    tpu.wait_indirect_dma semaphore(%arg12 : memref<!tpu.dma_semaphore, #tpu.memory_space<semaphore_mem>>) src(%dma_wait3A_164 : memref<80x128xf32, #tpu.memory_space<vmem>>) dst(%dma_wait3A_170 : memref<10001x128xf32, #tpu.memory_space<vmem_shared>>)
    %barrier3A_171 = arith.constant 0 : index
    tpu.barrier barrier_id(%barrier3A_171)
    %mul3A_172 = arith.constant 624 : i32
    %mul3A_173 = arith.muli %arg1, %mul3A_172 : i32
    %multiple_of3A_174 = tpu.assume_multiple %mul3A_173, 8 : i32
    "tpu.region"() ({
      %run_scoped3A = tpu.sem_alloc : memref<!tpu.dma_semaphore, #tpu.memory_space<semaphore_mem>>
      %dma_start3A_180 = arith.constant 0 : i32
      %dma_start3A_181 = tpu.memref_slice %arg6[%arg0, %multiple_of3A_174, %dma_start3A_180] : memref<2x10000x128xf32, #tpu.memory_space<hbm>> -> memref<1x624x128xf32, #tpu.memory_space<hbm>>
      %dma_start3A_182 = tpu.memref_squeeze %dma_start3A_181 : memref<1x624x128xf32, #tpu.memory_space<hbm>> -> memref<624x128xf32, #tpu.memory_space<hbm>>
      %dma_start3A_183 = arith.constant 0 : i32
      %dma_start3A_184 = tpu.memref_slice %arg10[%multiple_of3A_174, %dma_start3A_183] : memref<10001x128xf32, #tpu.memory_space<vmem_shared>> -> memref<624x128xf32, #tpu.memory_space<vmem_shared>>
      tpu.enqueue_dma source(%dma_start3A_184 : memref<624x128xf32, #tpu.memory_space<vmem_shared>>) target(%dma_start3A_182 : memref<624x128xf32, #tpu.memory_space<hbm>>) target_semaphore(%run_scoped3A : memref<!tpu.dma_semaphore, #tpu.memory_space<semaphore_mem>>)
      %dma_wait3A_185 = arith.constant 0 : i32
      %dma_wait3A_186 = tpu.memref_slice %arg6[%arg0, %multiple_of3A_174, %dma_wait3A_185] : memref<2x10000x128xf32, #tpu.memory_space<hbm>> -> memref<1x624x128xf32, #tpu.memory_space<hbm>>
      %dma_wait3A_187 = tpu.memref_squeeze %dma_wait3A_186 : memref<1x624x128xf32, #tpu.memory_space<hbm>> -> memref<624x128xf32, #tpu.memory_space<hbm>>
      %dma_wait3A_188 = arith.constant 0 : i32
      %dma_wait3A_189 = tpu.memref_slice %arg10[%multiple_of3A_174, %dma_wait3A_188] : memref<10001x128xf32, #tpu.memory_space<vmem_shared>> -> memref<624x128xf32, #tpu.memory_space<vmem_shared>>
      tpu.wait_dma2 semaphore(%run_scoped3A : memref<!tpu.dma_semaphore, #tpu.memory_space<semaphore_mem>>) src(%dma_wait3A_189 : memref<624x128xf32, #tpu.memory_space<vmem_shared>>) dst(%dma_wait3A_187 : memref<624x128xf32, #tpu.memory_space<hbm>>)
      tpu.yield
    }) : () -> ()
    %eq3A_175 = arith.constant 0 : i32
    %eq3A_176 = arith.cmpi eq, %arg1, %eq3A_175 : i32
    %convert_element_type3A_177 = arith.extui %eq3A_176 : i1 to i32
    %cond3A_178 = arith.constant 0 : i32
    %cond3A_179 = arith.cmpi ne, %convert_element_type3A_177, %cond3A_178 : i32
    scf.if %cond3A_179 {
      "tpu.region"() ({
        %run_scoped3A = tpu.sem_alloc : memref<!tpu.dma_semaphore, #tpu.memory_space<semaphore_mem>>
        %dma_start3A_180 = arith.constant 9984 : i32
        %dma_start3A_181 = arith.constant 0 : i32
        %dma_start3A_182 = tpu.memref_slice %arg6[%arg0, %dma_start3A_180, %dma_start3A_181] : memref<2x10000x128xf32, #tpu.memory_space<hbm>> -> memref<1x16x128xf32, #tpu.memory_space<hbm>>
        %dma_start3A_183 = tpu.memref_squeeze %dma_start3A_182 : memref<1x16x128xf32, #tpu.memory_space<hbm>> -> memref<16x128xf32, #tpu.memory_space<hbm>>
        %dma_start3A_184 = arith.constant 9984 : i32
        %dma_start3A_185 = arith.constant 0 : i32
        %dma_start3A_186 = tpu.memref_slice %arg10[%dma_start3A_184, %dma_start3A_185] : memref<10001x128xf32, #tpu.memory_space<vmem_shared>> -> memref<16x128xf32, #tpu.memory_space<vmem_shared>>
        tpu.enqueue_dma source(%dma_start3A_186 : memref<16x128xf32, #tpu.memory_space<vmem_shared>>) target(%dma_start3A_183 : memref<16x128xf32, #tpu.memory_space<hbm>>) target_semaphore(%run_scoped3A : memref<!tpu.dma_semaphore, #tpu.memory_space<semaphore_mem>>)
        %dma_wait3A_187 = arith.constant 9984 : i32
        %dma_wait3A_188 = arith.constant 0 : i32
        %dma_wait3A_189 = tpu.memref_slice %arg6[%arg0, %dma_wait3A_187, %dma_wait3A_188] : memref<2x10000x128xf32, #tpu.memory_space<hbm>> -> memref<1x16x128xf32, #tpu.memory_space<hbm>>
        %dma_wait3A_190 = tpu.memref_squeeze %dma_wait3A_189 : memref<1x16x128xf32, #tpu.memory_space<hbm>> -> memref<16x128xf32, #tpu.memory_space<hbm>>
        %dma_wait3A_191 = arith.constant 9984 : i32
        %dma_wait3A_192 = arith.constant 0 : i32
        %dma_wait3A_193 = tpu.memref_slice %arg10[%dma_wait3A_191, %dma_wait3A_192] : memref<10001x128xf32, #tpu.memory_space<vmem_shared>> -> memref<16x128xf32, #tpu.memory_space<vmem_shared>>
        tpu.wait_dma2 semaphore(%run_scoped3A : memref<!tpu.dma_semaphore, #tpu.memory_space<semaphore_mem>>) src(%dma_wait3A_193 : memref<16x128xf32, #tpu.memory_space<vmem_shared>>) dst(%dma_wait3A_190 : memref<16x128xf32, #tpu.memory_space<hbm>>)
        tpu.yield
      }) : () -> ()
    } else {
    }
    return
  }
}

#map = affine_map<(d0, d1) -> (0, 0)>
#map1 = affine_map<(d0, d1) -> (0)>
#map2 = affine_map<(d0, d1) -> (0, 0, 0)>
module attributes {stable_mosaic.version = 14 : i64} {
  func.func @prop_kernel(%arg0: i32, %arg1: i32, %arg2: memref<10000x128xf32, #tpu.memory_space<hbm>>, %arg3: memref<320000xi32, #tpu.memory_space<hbm>>, %arg4: memref<32x125x80xi32, #tpu.memory_space<hbm>>, %arg5: memref<10000x128xf32, #tpu.memory_space<hbm>>, %arg6: memref<2x10000x128xf32, #tpu.memory_space<hbm>>, %arg7: memref<10000xi32, #tpu.memory_space<vmem>>, %arg8: memref<3x80xi32, #tpu.memory_space<vmem>>, %arg9: memref<240x128xf32, #tpu.memory_space<vmem>>, %arg10: memref<10001x128xf32, #tpu.memory_space<vmem_shared>>, %arg11: memref<!tpu.dma_semaphore, #tpu.memory_space<semaphore_mem>>, %arg12: memref<!tpu.dma_semaphore, #tpu.memory_space<semaphore_mem>>, %arg13: memref<!tpu.dma_semaphore, #tpu.memory_space<semaphore_mem>>) attributes {dimension_semantics = [#tpu.dimension_semantics<core_parallel>, #tpu.dimension_semantics<subcore_parallel>], iteration_bounds = array<i64: 2, 16>, scalar_prefetch = 0 : i64, scratch_operands = 7 : i64, tpu.core_type = #tpu.core_type<sc_vector_subcore>, window_params = [{transform_indices = #map}, {transform_indices = #map1}, {transform_indices = #map2}, {transform_indices = #map}, {transform_indices = #map2}]} {
    %mul3A = arith.constant 16 : i32
    %mul3A_0 = arith.muli %arg0, %mul3A : i32
    %add3A = arith.addi %mul3A_0, %arg1 : i32
    %mul3A_1 = arith.constant 624 : i32
    %mul3A_2 = arith.muli %arg1, %mul3A_1 : i32
    %multiple_of3A = tpu.assume_multiple %mul3A_2, 8 : i32
    "tpu.region"() ({
      %run_scoped3A = tpu.sem_alloc : memref<!tpu.dma_semaphore, #tpu.memory_space<semaphore_mem>>
      %dma_start3A_180 = arith.constant 0 : i32
      %dma_start3A_181 = tpu.memref_slice %arg10[%multiple_of3A, %dma_start3A_180] : memref<10001x128xf32, #tpu.memory_space<vmem_shared>> -> memref<624x128xf32, #tpu.memory_space<vmem_shared>>
      %dma_start3A_182 = arith.constant 0 : i32
      %dma_start3A_183 = tpu.memref_slice %arg5[%multiple_of3A, %dma_start3A_182] : memref<10000x128xf32, #tpu.memory_space<hbm>> -> memref<624x128xf32, #tpu.memory_space<hbm>>
      tpu.enqueue_dma source(%dma_start3A_183 : memref<624x128xf32, #tpu.memory_space<hbm>>) target(%dma_start3A_181 : memref<624x128xf32, #tpu.memory_space<vmem_shared>>) target_semaphore(%run_scoped3A : memref<!tpu.dma_semaphore, #tpu.memory_space<semaphore_mem>>)
      %dma_wait3A_184 = arith.constant 0 : i32
      %dma_wait3A_185 = tpu.memref_slice %arg10[%multiple_of3A, %dma_wait3A_184] : memref<10001x128xf32, #tpu.memory_space<vmem_shared>> -> memref<624x128xf32, #tpu.memory_space<vmem_shared>>
      %dma_wait3A_186 = arith.constant 0 : i32
      %dma_wait3A_187 = tpu.memref_slice %arg5[%multiple_of3A, %dma_wait3A_186] : memref<10000x128xf32, #tpu.memory_space<hbm>> -> memref<624x128xf32, #tpu.memory_space<hbm>>
      tpu.wait_dma2 semaphore(%run_scoped3A : memref<!tpu.dma_semaphore, #tpu.memory_space<semaphore_mem>>) src(%dma_wait3A_187 : memref<624x128xf32, #tpu.memory_space<hbm>>) dst(%dma_wait3A_185 : memref<624x128xf32, #tpu.memory_space<vmem_shared>>)
      tpu.yield
    }) : () -> ()
    %eq3A = arith.constant 0 : i32
    %eq3A_3 = arith.cmpi eq, %arg1, %eq3A : i32
    %convert_element_type3A = arith.extui %eq3A_3 : i1 to i32
    %cond3A = arith.constant 0 : i32
    %cond3A_4 = arith.cmpi ne, %convert_element_type3A, %cond3A : i32
    scf.if %cond3A_4 {
      "tpu.region"() ({
        %run_scoped3A = tpu.sem_alloc : memref<!tpu.dma_semaphore, #tpu.memory_space<semaphore_mem>>
        %dma_start3A_180 = arith.constant 9984 : i32
        %dma_start3A_181 = arith.constant 0 : i32
        %dma_start3A_182 = tpu.memref_slice %arg10[%dma_start3A_180, %dma_start3A_181] : memref<10001x128xf32, #tpu.memory_space<vmem_shared>> -> memref<16x128xf32, #tpu.memory_space<vmem_shared>>
        %dma_start3A_183 = arith.constant 9984 : i32
        %dma_start3A_184 = arith.constant 0 : i32
        %dma_start3A_185 = tpu.memref_slice %arg5[%dma_start3A_183, %dma_start3A_184] : memref<10000x128xf32, #tpu.memory_space<hbm>> -> memref<16x128xf32, #tpu.memory_space<hbm>>
        tpu.enqueue_dma source(%dma_start3A_185 : memref<16x128xf32, #tpu.memory_space<hbm>>) target(%dma_start3A_182 : memref<16x128xf32, #tpu.memory_space<vmem_shared>>) target_semaphore(%run_scoped3A : memref<!tpu.dma_semaphore, #tpu.memory_space<semaphore_mem>>)
        %dma_wait3A_186 = arith.constant 9984 : i32
        %dma_wait3A_187 = arith.constant 0 : i32
        %dma_wait3A_188 = tpu.memref_slice %arg10[%dma_wait3A_186, %dma_wait3A_187] : memref<10001x128xf32, #tpu.memory_space<vmem_shared>> -> memref<16x128xf32, #tpu.memory_space<vmem_shared>>
        %dma_wait3A_189 = arith.constant 9984 : i32
        %dma_wait3A_190 = arith.constant 0 : i32
        %dma_wait3A_191 = tpu.memref_slice %arg5[%dma_wait3A_189, %dma_wait3A_190] : memref<10000x128xf32, #tpu.memory_space<hbm>> -> memref<16x128xf32, #tpu.memory_space<hbm>>
        tpu.wait_dma2 semaphore(%run_scoped3A : memref<!tpu.dma_semaphore, #tpu.memory_space<semaphore_mem>>) src(%dma_wait3A_191 : memref<16x128xf32, #tpu.memory_space<hbm>>) dst(%dma_wait3A_188 : memref<16x128xf32, #tpu.memory_space<vmem_shared>>)
        tpu.yield
      }) : () -> ()
    } else {
    }
    %mul3A_5 = arith.constant 10000 : i32
    %mul3A_6 = arith.muli %add3A, %mul3A_5 : i32
    %multiple_of3A_7 = tpu.assume_multiple %mul3A_6, 8 : i32
    "tpu.region"() ({
      %run_scoped3A = tpu.sem_alloc : memref<!tpu.dma_semaphore, #tpu.memory_space<semaphore_mem>>
      %dma_start3A_180 = tpu.memref_slice %arg3[%multiple_of3A_7] : memref<320000xi32, #tpu.memory_space<hbm>> -> memref<10000xi32, #tpu.memory_space<hbm>>
      %dma_start3A_181 = tpu.memref_slice %arg3[%multiple_of3A_7] : memref<320000xi32, #tpu.memory_space<hbm>> -> memref<10000xi32, #tpu.memory_space<hbm>>
      tpu.enqueue_dma source(%dma_start3A_181 : memref<10000xi32, #tpu.memory_space<hbm>>) target(%arg7 : memref<10000xi32, #tpu.memory_space<vmem>>) target_semaphore(%run_scoped3A : memref<!tpu.dma_semaphore, #tpu.memory_space<semaphore_mem>>)
      %dma_wait3A_182 = tpu.memref_slice %arg3[%multiple_of3A_7] : memref<320000xi32, #tpu.memory_space<hbm>> -> memref<10000xi32, #tpu.memory_space<hbm>>
      %dma_wait3A_183 = tpu.memref_slice %arg3[%multiple_of3A_7] : memref<320000xi32, #tpu.memory_space<hbm>> -> memref<10000xi32, #tpu.memory_space<hbm>>
      tpu.wait_dma2 semaphore(%run_scoped3A : memref<!tpu.dma_semaphore, #tpu.memory_space<semaphore_mem>>) src(%dma_wait3A_183 : memref<10000xi32, #tpu.memory_space<hbm>>) dst(%arg7 : memref<10000xi32, #tpu.memory_space<vmem>>)
      tpu.yield
    }) : () -> ()
    %barrier3A = arith.constant 0 : index
    tpu.barrier barrier_id(%barrier3A)
    %dma_start3A = arith.constant 0 : i32
    %dma_start3A_8 = arith.constant 0 : i32
    %dma_start3A_9 = arith.constant 0 : i32
    %dma_start3A_10 = tpu.memref_slice %arg8[%dma_start3A_8, %dma_start3A_9] : memref<3x80xi32, #tpu.memory_space<vmem>> -> memref<1x80xi32, #tpu.memory_space<vmem>>
    %dma_start3A_11 = tpu.memref_squeeze %dma_start3A_10 : memref<1x80xi32, #tpu.memory_space<vmem>> -> memref<80xi32, #tpu.memory_space<vmem>>
    %dma_start3A_12 = arith.constant 0 : i32
    %dma_start3A_13 = tpu.memref_slice %arg4[%add3A, %dma_start3A, %dma_start3A_12] : memref<32x125x80xi32, #tpu.memory_space<hbm>> -> memref<1x1x80xi32, #tpu.memory_space<hbm>>
    %dma_start3A_14 = tpu.memref_squeeze %dma_start3A_13 : memref<1x1x80xi32, #tpu.memory_space<hbm>> -> memref<80xi32, #tpu.memory_space<hbm>>
    %dma_start3A_15 = arith.constant 0 : i32
    %dma_start3A_16 = tpu.memref_slice %arg8[%dma_start3A_8, %dma_start3A_15] : memref<3x80xi32, #tpu.memory_space<vmem>> -> memref<1x80xi32, #tpu.memory_space<vmem>>
    %dma_start3A_17 = tpu.memref_squeeze %dma_start3A_16 : memref<1x80xi32, #tpu.memory_space<vmem>> -> memref<80xi32, #tpu.memory_space<vmem>>
    %dma_start3A_18 = arith.constant 0 : i32
    %dma_start3A_19 = tpu.memref_slice %arg4[%add3A, %dma_start3A, %dma_start3A_18] : memref<32x125x80xi32, #tpu.memory_space<hbm>> -> memref<1x1x80xi32, #tpu.memory_space<hbm>>
    %dma_start3A_20 = tpu.memref_squeeze %dma_start3A_19 : memref<1x1x80xi32, #tpu.memory_space<hbm>> -> memref<80xi32, #tpu.memory_space<hbm>>
    tpu.enqueue_dma source(%dma_start3A_20 : memref<80xi32, #tpu.memory_space<hbm>>) target(%dma_start3A_17 : memref<80xi32, #tpu.memory_space<vmem>>) target_semaphore(%arg13 : memref<!tpu.dma_semaphore, #tpu.memory_space<semaphore_mem>>)
    %multiple_of3A_21 = arith.constant 0 : i32
    %multiple_of3A_22 = tpu.assume_multiple %multiple_of3A_21, 8 : i32
    %multiple_of3A_23 = arith.constant 0 : i32
    %multiple_of3A_24 = tpu.assume_multiple %multiple_of3A_23, 8 : i32
    %dma_start3A_25 = arith.constant 0 : i32
    %dma_start3A_26 = tpu.memref_slice %arg9[%multiple_of3A_24, %dma_start3A_25] : memref<240x128xf32, #tpu.memory_space<vmem>> -> memref<16x128xf32, #tpu.memory_space<vmem>>
    %dma_start3A_27 = tpu.memref_slice %arg7[%multiple_of3A_22] : memref<10000xi32, #tpu.memory_space<vmem>> -> memref<16xi32, #tpu.memory_space<vmem>>
    %dma_start3A_28 = arith.constant 0 : i32
    %dma_start3A_29 = arith.constant 0 : i32
    %dma_start3A_30 = tpu.memref_slice %arg2[%dma_start3A_28, %dma_start3A_29] : memref<10000x128xf32, #tpu.memory_space<hbm>> -> memref<10000x128xf32, #tpu.memory_space<hbm>>
    tpu.enqueue_indirect_dma source(%dma_start3A_30 : memref<10000x128xf32, #tpu.memory_space<hbm>>) target(%dma_start3A_26 : memref<16x128xf32, #tpu.memory_space<vmem>>) offsets(%dma_start3A_27 : memref<16xi32, #tpu.memory_space<vmem>>) semaphore(%arg11 : memref<!tpu.dma_semaphore, #tpu.memory_space<semaphore_mem>>)
    %multiple_of3A_31 = arith.constant 16 : i32
    %multiple_of3A_32 = tpu.assume_multiple %multiple_of3A_31, 8 : i32
    %multiple_of3A_33 = arith.constant 16 : i32
    %multiple_of3A_34 = tpu.assume_multiple %multiple_of3A_33, 8 : i32
    %dma_start3A_35 = arith.constant 0 : i32
    %dma_start3A_36 = tpu.memref_slice %arg9[%multiple_of3A_34, %dma_start3A_35] : memref<240x128xf32, #tpu.memory_space<vmem>> -> memref<16x128xf32, #tpu.memory_space<vmem>>
    %dma_start3A_37 = tpu.memref_slice %arg7[%multiple_of3A_32] : memref<10000xi32, #tpu.memory_space<vmem>> -> memref<16xi32, #tpu.memory_space<vmem>>
    %dma_start3A_38 = arith.constant 0 : i32
    %dma_start3A_39 = arith.constant 0 : i32
    %dma_start3A_40 = tpu.memref_slice %arg2[%dma_start3A_38, %dma_start3A_39] : memref<10000x128xf32, #tpu.memory_space<hbm>> -> memref<10000x128xf32, #tpu.memory_space<hbm>>
    tpu.enqueue_indirect_dma source(%dma_start3A_40 : memref<10000x128xf32, #tpu.memory_space<hbm>>) target(%dma_start3A_36 : memref<16x128xf32, #tpu.memory_space<vmem>>) offsets(%dma_start3A_37 : memref<16xi32, #tpu.memory_space<vmem>>) semaphore(%arg11 : memref<!tpu.dma_semaphore, #tpu.memory_space<semaphore_mem>>)
    %multiple_of3A_41 = arith.constant 32 : i32
    %multiple_of3A_42 = tpu.assume_multiple %multiple_of3A_41, 8 : i32
    %multiple_of3A_43 = arith.constant 32 : i32
    %multiple_of3A_44 = tpu.assume_multiple %multiple_of3A_43, 8 : i32
    %dma_start3A_45 = arith.constant 0 : i32
    %dma_start3A_46 = tpu.memref_slice %arg9[%multiple_of3A_44, %dma_start3A_45] : memref<240x128xf32, #tpu.memory_space<vmem>> -> memref<16x128xf32, #tpu.memory_space<vmem>>
    %dma_start3A_47 = tpu.memref_slice %arg7[%multiple_of3A_42] : memref<10000xi32, #tpu.memory_space<vmem>> -> memref<16xi32, #tpu.memory_space<vmem>>
    %dma_start3A_48 = arith.constant 0 : i32
    %dma_start3A_49 = arith.constant 0 : i32
    %dma_start3A_50 = tpu.memref_slice %arg2[%dma_start3A_48, %dma_start3A_49] : memref<10000x128xf32, #tpu.memory_space<hbm>> -> memref<10000x128xf32, #tpu.memory_space<hbm>>
    tpu.enqueue_indirect_dma source(%dma_start3A_50 : memref<10000x128xf32, #tpu.memory_space<hbm>>) target(%dma_start3A_46 : memref<16x128xf32, #tpu.memory_space<vmem>>) offsets(%dma_start3A_47 : memref<16xi32, #tpu.memory_space<vmem>>) semaphore(%arg11 : memref<!tpu.dma_semaphore, #tpu.memory_space<semaphore_mem>>)
    %multiple_of3A_51 = arith.constant 48 : i32
    %multiple_of3A_52 = tpu.assume_multiple %multiple_of3A_51, 8 : i32
    %multiple_of3A_53 = arith.constant 48 : i32
    %multiple_of3A_54 = tpu.assume_multiple %multiple_of3A_53, 8 : i32
    %dma_start3A_55 = arith.constant 0 : i32
    %dma_start3A_56 = tpu.memref_slice %arg9[%multiple_of3A_54, %dma_start3A_55] : memref<240x128xf32, #tpu.memory_space<vmem>> -> memref<16x128xf32, #tpu.memory_space<vmem>>
    %dma_start3A_57 = tpu.memref_slice %arg7[%multiple_of3A_52] : memref<10000xi32, #tpu.memory_space<vmem>> -> memref<16xi32, #tpu.memory_space<vmem>>
    %dma_start3A_58 = arith.constant 0 : i32
    %dma_start3A_59 = arith.constant 0 : i32
    %dma_start3A_60 = tpu.memref_slice %arg2[%dma_start3A_58, %dma_start3A_59] : memref<10000x128xf32, #tpu.memory_space<hbm>> -> memref<10000x128xf32, #tpu.memory_space<hbm>>
    tpu.enqueue_indirect_dma source(%dma_start3A_60 : memref<10000x128xf32, #tpu.memory_space<hbm>>) target(%dma_start3A_56 : memref<16x128xf32, #tpu.memory_space<vmem>>) offsets(%dma_start3A_57 : memref<16xi32, #tpu.memory_space<vmem>>) semaphore(%arg11 : memref<!tpu.dma_semaphore, #tpu.memory_space<semaphore_mem>>)
    %multiple_of3A_61 = arith.constant 64 : i32
    %multiple_of3A_62 = tpu.assume_multiple %multiple_of3A_61, 8 : i32
    %multiple_of3A_63 = arith.constant 64 : i32
    %multiple_of3A_64 = tpu.assume_multiple %multiple_of3A_63, 8 : i32
    %dma_start3A_65 = arith.constant 0 : i32
    %dma_start3A_66 = tpu.memref_slice %arg9[%multiple_of3A_64, %dma_start3A_65] : memref<240x128xf32, #tpu.memory_space<vmem>> -> memref<16x128xf32, #tpu.memory_space<vmem>>
    %dma_start3A_67 = tpu.memref_slice %arg7[%multiple_of3A_62] : memref<10000xi32, #tpu.memory_space<vmem>> -> memref<16xi32, #tpu.memory_space<vmem>>
    %dma_start3A_68 = arith.constant 0 : i32
    %dma_start3A_69 = arith.constant 0 : i32
    %dma_start3A_70 = tpu.memref_slice %arg2[%dma_start3A_68, %dma_start3A_69] : memref<10000x128xf32, #tpu.memory_space<hbm>> -> memref<10000x128xf32, #tpu.memory_space<hbm>>
    tpu.enqueue_indirect_dma source(%dma_start3A_70 : memref<10000x128xf32, #tpu.memory_space<hbm>>) target(%dma_start3A_66 : memref<16x128xf32, #tpu.memory_space<vmem>>) offsets(%dma_start3A_67 : memref<16xi32, #tpu.memory_space<vmem>>) semaphore(%arg11 : memref<!tpu.dma_semaphore, #tpu.memory_space<semaphore_mem>>)
    %dma_start3A_71 = arith.constant 1 : i32
    %dma_start3A_72 = arith.constant 1 : i32
    %dma_start3A_73 = arith.constant 0 : i32
    %dma_start3A_74 = tpu.memref_slice %arg8[%dma_start3A_72, %dma_start3A_73] : memref<3x80xi32, #tpu.memory_space<vmem>> -> memref<1x80xi32, #tpu.memory_space<vmem>>
    %dma_start3A_75 = tpu.memref_squeeze %dma_start3A_74 : memref<1x80xi32, #tpu.memory_space<vmem>> -> memref<80xi32, #tpu.memory_space<vmem>>
    %dma_start3A_76 = arith.constant 0 : i32
    %dma_start3A_77 = tpu.memref_slice %arg4[%add3A, %dma_start3A_71, %dma_start3A_76] : memref<32x125x80xi32, #tpu.memory_space<hbm>> -> memref<1x1x80xi32, #tpu.memory_space<hbm>>
    %dma_start3A_78 = tpu.memref_squeeze %dma_start3A_77 : memref<1x1x80xi32, #tpu.memory_space<hbm>> -> memref<80xi32, #tpu.memory_space<hbm>>
    %dma_start3A_79 = arith.constant 0 : i32
    %dma_start3A_80 = tpu.memref_slice %arg8[%dma_start3A_72, %dma_start3A_79] : memref<3x80xi32, #tpu.memory_space<vmem>> -> memref<1x80xi32, #tpu.memory_space<vmem>>
    %dma_start3A_81 = tpu.memref_squeeze %dma_start3A_80 : memref<1x80xi32, #tpu.memory_space<vmem>> -> memref<80xi32, #tpu.memory_space<vmem>>
    %dma_start3A_82 = arith.constant 0 : i32
    %dma_start3A_83 = tpu.memref_slice %arg4[%add3A, %dma_start3A_71, %dma_start3A_82] : memref<32x125x80xi32, #tpu.memory_space<hbm>> -> memref<1x1x80xi32, #tpu.memory_space<hbm>>
    %dma_start3A_84 = tpu.memref_squeeze %dma_start3A_83 : memref<1x1x80xi32, #tpu.memory_space<hbm>> -> memref<80xi32, #tpu.memory_space<hbm>>
    tpu.enqueue_dma source(%dma_start3A_84 : memref<80xi32, #tpu.memory_space<hbm>>) target(%dma_start3A_81 : memref<80xi32, #tpu.memory_space<vmem>>) target_semaphore(%arg13 : memref<!tpu.dma_semaphore, #tpu.memory_space<semaphore_mem>>)
    %multiple_of3A_85 = arith.constant 80 : i32
    %multiple_of3A_86 = tpu.assume_multiple %multiple_of3A_85, 8 : i32
    %multiple_of3A_87 = arith.constant 80 : i32
    %multiple_of3A_88 = tpu.assume_multiple %multiple_of3A_87, 8 : i32
    %dma_start3A_89 = arith.constant 0 : i32
    %dma_start3A_90 = tpu.memref_slice %arg9[%multiple_of3A_88, %dma_start3A_89] : memref<240x128xf32, #tpu.memory_space<vmem>> -> memref<16x128xf32, #tpu.memory_space<vmem>>
    %dma_start3A_91 = tpu.memref_slice %arg7[%multiple_of3A_86] : memref<10000xi32, #tpu.memory_space<vmem>> -> memref<16xi32, #tpu.memory_space<vmem>>
    %dma_start3A_92 = arith.constant 0 : i32
    %dma_start3A_93 = arith.constant 0 : i32
    %dma_start3A_94 = tpu.memref_slice %arg2[%dma_start3A_92, %dma_start3A_93] : memref<10000x128xf32, #tpu.memory_space<hbm>> -> memref<10000x128xf32, #tpu.memory_space<hbm>>
    tpu.enqueue_indirect_dma source(%dma_start3A_94 : memref<10000x128xf32, #tpu.memory_space<hbm>>) target(%dma_start3A_90 : memref<16x128xf32, #tpu.memory_space<vmem>>) offsets(%dma_start3A_91 : memref<16xi32, #tpu.memory_space<vmem>>) semaphore(%arg11 : memref<!tpu.dma_semaphore, #tpu.memory_space<semaphore_mem>>)
    %multiple_of3A_95 = arith.constant 96 : i32
    %multiple_of3A_96 = tpu.assume_multiple %multiple_of3A_95, 8 : i32
    %multiple_of3A_97 = arith.constant 96 : i32
    %multiple_of3A_98 = tpu.assume_multiple %multiple_of3A_97, 8 : i32
    %dma_start3A_99 = arith.constant 0 : i32
    %dma_start3A_100 = tpu.memref_slice %arg9[%multiple_of3A_98, %dma_start3A_99] : memref<240x128xf32, #tpu.memory_space<vmem>> -> memref<16x128xf32, #tpu.memory_space<vmem>>
    %dma_start3A_101 = tpu.memref_slice %arg7[%multiple_of3A_96] : memref<10000xi32, #tpu.memory_space<vmem>> -> memref<16xi32, #tpu.memory_space<vmem>>
    %dma_start3A_102 = arith.constant 0 : i32
    %dma_start3A_103 = arith.constant 0 : i32
    %dma_start3A_104 = tpu.memref_slice %arg2[%dma_start3A_102, %dma_start3A_103] : memref<10000x128xf32, #tpu.memory_space<hbm>> -> memref<10000x128xf32, #tpu.memory_space<hbm>>
    tpu.enqueue_indirect_dma source(%dma_start3A_104 : memref<10000x128xf32, #tpu.memory_space<hbm>>) target(%dma_start3A_100 : memref<16x128xf32, #tpu.memory_space<vmem>>) offsets(%dma_start3A_101 : memref<16xi32, #tpu.memory_space<vmem>>) semaphore(%arg11 : memref<!tpu.dma_semaphore, #tpu.memory_space<semaphore_mem>>)
    %multiple_of3A_105 = arith.constant 112 : i32
    %multiple_of3A_106 = tpu.assume_multiple %multiple_of3A_105, 8 : i32
    %multiple_of3A_107 = arith.constant 112 : i32
    %multiple_of3A_108 = tpu.assume_multiple %multiple_of3A_107, 8 : i32
    %dma_start3A_109 = arith.constant 0 : i32
    %dma_start3A_110 = tpu.memref_slice %arg9[%multiple_of3A_108, %dma_start3A_109] : memref<240x128xf32, #tpu.memory_space<vmem>> -> memref<16x128xf32, #tpu.memory_space<vmem>>
    %dma_start3A_111 = tpu.memref_slice %arg7[%multiple_of3A_106] : memref<10000xi32, #tpu.memory_space<vmem>> -> memref<16xi32, #tpu.memory_space<vmem>>
    %dma_start3A_112 = arith.constant 0 : i32
    %dma_start3A_113 = arith.constant 0 : i32
    %dma_start3A_114 = tpu.memref_slice %arg2[%dma_start3A_112, %dma_start3A_113] : memref<10000x128xf32, #tpu.memory_space<hbm>> -> memref<10000x128xf32, #tpu.memory_space<hbm>>
    tpu.enqueue_indirect_dma source(%dma_start3A_114 : memref<10000x128xf32, #tpu.memory_space<hbm>>) target(%dma_start3A_110 : memref<16x128xf32, #tpu.memory_space<vmem>>) offsets(%dma_start3A_111 : memref<16xi32, #tpu.memory_space<vmem>>) semaphore(%arg11 : memref<!tpu.dma_semaphore, #tpu.memory_space<semaphore_mem>>)
    %multiple_of3A_115 = arith.constant 128 : i32
    %multiple_of3A_116 = tpu.assume_multiple %multiple_of3A_115, 8 : i32
    %multiple_of3A_117 = arith.constant 128 : i32
    %multiple_of3A_118 = tpu.assume_multiple %multiple_of3A_117, 8 : i32
    %dma_start3A_119 = arith.constant 0 : i32
    %dma_start3A_120 = tpu.memref_slice %arg9[%multiple_of3A_118, %dma_start3A_119] : memref<240x128xf32, #tpu.memory_space<vmem>> -> memref<16x128xf32, #tpu.memory_space<vmem>>
    %dma_start3A_121 = tpu.memref_slice %arg7[%multiple_of3A_116] : memref<10000xi32, #tpu.memory_space<vmem>> -> memref<16xi32, #tpu.memory_space<vmem>>
    %dma_start3A_122 = arith.constant 0 : i32
    %dma_start3A_123 = arith.constant 0 : i32
    %dma_start3A_124 = tpu.memref_slice %arg2[%dma_start3A_122, %dma_start3A_123] : memref<10000x128xf32, #tpu.memory_space<hbm>> -> memref<10000x128xf32, #tpu.memory_space<hbm>>
    tpu.enqueue_indirect_dma source(%dma_start3A_124 : memref<10000x128xf32, #tpu.memory_space<hbm>>) target(%dma_start3A_120 : memref<16x128xf32, #tpu.memory_space<vmem>>) offsets(%dma_start3A_121 : memref<16xi32, #tpu.memory_space<vmem>>) semaphore(%arg11 : memref<!tpu.dma_semaphore, #tpu.memory_space<semaphore_mem>>)
    %multiple_of3A_125 = arith.constant 144 : i32
    %multiple_of3A_126 = tpu.assume_multiple %multiple_of3A_125, 8 : i32
    %multiple_of3A_127 = arith.constant 144 : i32
    %multiple_of3A_128 = tpu.assume_multiple %multiple_of3A_127, 8 : i32
    %dma_start3A_129 = arith.constant 0 : i32
    %dma_start3A_130 = tpu.memref_slice %arg9[%multiple_of3A_128, %dma_start3A_129] : memref<240x128xf32, #tpu.memory_space<vmem>> -> memref<16x128xf32, #tpu.memory_space<vmem>>
    %dma_start3A_131 = tpu.memref_slice %arg7[%multiple_of3A_126] : memref<10000xi32, #tpu.memory_space<vmem>> -> memref<16xi32, #tpu.memory_space<vmem>>
    %dma_start3A_132 = arith.constant 0 : i32
    %dma_start3A_133 = arith.constant 0 : i32
    %dma_start3A_134 = tpu.memref_slice %arg2[%dma_start3A_132, %dma_start3A_133] : memref<10000x128xf32, #tpu.memory_space<hbm>> -> memref<10000x128xf32, #tpu.memory_space<hbm>>
    tpu.enqueue_indirect_dma source(%dma_start3A_134 : memref<10000x128xf32, #tpu.memory_space<hbm>>) target(%dma_start3A_130 : memref<16x128xf32, #tpu.memory_space<vmem>>) offsets(%dma_start3A_131 : memref<16xi32, #tpu.memory_space<vmem>>) semaphore(%arg11 : memref<!tpu.dma_semaphore, #tpu.memory_space<semaphore_mem>>)
    %scan3A = arith.constant 0 : i32
    %scan3A_135 = arith.constant 125 : i32
    %scan3A_136 = arith.addi %scan3A, %scan3A_135 : i32
    %scan3A_137 = arith.constant 1 : i32
    scf.for %scan3A_180 = %scan3A to %scan3A_136 step %scan3A_137  : i32 {
      %dma_wait3A_181 = arith.constant 0 : i32
      %dma_wait3A_182 = arith.constant 0 : i32
      %dma_wait3A_183 = tpu.memref_slice %arg9[%dma_wait3A_181, %dma_wait3A_182] : memref<240x128xf32, #tpu.memory_space<vmem>> -> memref<16x128xf32, #tpu.memory_space<vmem>>
      %dma_wait3A_184 = arith.constant 0 : i32
      %dma_wait3A_185 = arith.constant 0 : i32
      %dma_wait3A_186 = tpu.memref_slice %arg2[%dma_wait3A_184, %dma_wait3A_185] : memref<10000x128xf32, #tpu.memory_space<hbm>> -> memref<16x128xf32, #tpu.memory_space<hbm>>
      %dma_wait3A_187 = arith.constant 0 : i32
      %dma_wait3A_188 = arith.constant 0 : i32
      %dma_wait3A_189 = tpu.memref_slice %arg9[%dma_wait3A_187, %dma_wait3A_188] : memref<240x128xf32, #tpu.memory_space<vmem>> -> memref<16x128xf32, #tpu.memory_space<vmem>>
      %dma_wait3A_190 = arith.constant 0 : i32
      %dma_wait3A_191 = arith.constant 0 : i32
      %dma_wait3A_192 = tpu.memref_slice %arg2[%dma_wait3A_190, %dma_wait3A_191] : memref<10000x128xf32, #tpu.memory_space<hbm>> -> memref<16x128xf32, #tpu.memory_space<hbm>>
      tpu.wait_dma2 semaphore(%arg11 : memref<!tpu.dma_semaphore, #tpu.memory_space<semaphore_mem>>) src(%dma_wait3A_192 : memref<16x128xf32, #tpu.memory_space<hbm>>) dst(%dma_wait3A_189 : memref<16x128xf32, #tpu.memory_space<vmem>>)
      %dma_wait3A_193 = arith.constant 0 : i32
      %dma_wait3A_194 = arith.constant 0 : i32
      %dma_wait3A_195 = tpu.memref_slice %arg9[%dma_wait3A_193, %dma_wait3A_194] : memref<240x128xf32, #tpu.memory_space<vmem>> -> memref<16x128xf32, #tpu.memory_space<vmem>>
      %dma_wait3A_196 = arith.constant 0 : i32
      %dma_wait3A_197 = arith.constant 0 : i32
      %dma_wait3A_198 = tpu.memref_slice %arg2[%dma_wait3A_196, %dma_wait3A_197] : memref<10000x128xf32, #tpu.memory_space<hbm>> -> memref<16x128xf32, #tpu.memory_space<hbm>>
      %dma_wait3A_199 = arith.constant 0 : i32
      %dma_wait3A_200 = arith.constant 0 : i32
      %dma_wait3A_201 = tpu.memref_slice %arg9[%dma_wait3A_199, %dma_wait3A_200] : memref<240x128xf32, #tpu.memory_space<vmem>> -> memref<16x128xf32, #tpu.memory_space<vmem>>
      %dma_wait3A_202 = arith.constant 0 : i32
      %dma_wait3A_203 = arith.constant 0 : i32
      %dma_wait3A_204 = tpu.memref_slice %arg2[%dma_wait3A_202, %dma_wait3A_203] : memref<10000x128xf32, #tpu.memory_space<hbm>> -> memref<16x128xf32, #tpu.memory_space<hbm>>
      tpu.wait_dma2 semaphore(%arg11 : memref<!tpu.dma_semaphore, #tpu.memory_space<semaphore_mem>>) src(%dma_wait3A_204 : memref<16x128xf32, #tpu.memory_space<hbm>>) dst(%dma_wait3A_201 : memref<16x128xf32, #tpu.memory_space<vmem>>)
      %dma_wait3A_205 = arith.constant 0 : i32
      %dma_wait3A_206 = arith.constant 0 : i32
      %dma_wait3A_207 = tpu.memref_slice %arg9[%dma_wait3A_205, %dma_wait3A_206] : memref<240x128xf32, #tpu.memory_space<vmem>> -> memref<16x128xf32, #tpu.memory_space<vmem>>
      %dma_wait3A_208 = arith.constant 0 : i32
      %dma_wait3A_209 = arith.constant 0 : i32
      %dma_wait3A_210 = tpu.memref_slice %arg2[%dma_wait3A_208, %dma_wait3A_209] : memref<10000x128xf32, #tpu.memory_space<hbm>> -> memref<16x128xf32, #tpu.memory_space<hbm>>
      %dma_wait3A_211 = arith.constant 0 : i32
      %dma_wait3A_212 = arith.constant 0 : i32
      %dma_wait3A_213 = tpu.memref_slice %arg9[%dma_wait3A_211, %dma_wait3A_212] : memref<240x128xf32, #tpu.memory_space<vmem>> -> memref<16x128xf32, #tpu.memory_space<vmem>>
      %dma_wait3A_214 = arith.constant 0 : i32
      %dma_wait3A_215 = arith.constant 0 : i32
      %dma_wait3A_216 = tpu.memref_slice %arg2[%dma_wait3A_214, %dma_wait3A_215] : memref<10000x128xf32, #tpu.memory_space<hbm>> -> memref<16x128xf32, #tpu.memory_space<hbm>>
      tpu.wait_dma2 semaphore(%arg11 : memref<!tpu.dma_semaphore, #tpu.memory_space<semaphore_mem>>) src(%dma_wait3A_216 : memref<16x128xf32, #tpu.memory_space<hbm>>) dst(%dma_wait3A_213 : memref<16x128xf32, #tpu.memory_space<vmem>>)
      %dma_wait3A_217 = arith.constant 0 : i32
      %dma_wait3A_218 = arith.constant 0 : i32
      %dma_wait3A_219 = tpu.memref_slice %arg9[%dma_wait3A_217, %dma_wait3A_218] : memref<240x128xf32, #tpu.memory_space<vmem>> -> memref<16x128xf32, #tpu.memory_space<vmem>>
      %dma_wait3A_220 = arith.constant 0 : i32
      %dma_wait3A_221 = arith.constant 0 : i32
      %dma_wait3A_222 = tpu.memref_slice %arg2[%dma_wait3A_220, %dma_wait3A_221] : memref<10000x128xf32, #tpu.memory_space<hbm>> -> memref<16x128xf32, #tpu.memory_space<hbm>>
      %dma_wait3A_223 = arith.constant 0 : i32
      %dma_wait3A_224 = arith.constant 0 : i32
      %dma_wait3A_225 = tpu.memref_slice %arg9[%dma_wait3A_223, %dma_wait3A_224] : memref<240x128xf32, #tpu.memory_space<vmem>> -> memref<16x128xf32, #tpu.memory_space<vmem>>
      %dma_wait3A_226 = arith.constant 0 : i32
      %dma_wait3A_227 = arith.constant 0 : i32
      %dma_wait3A_228 = tpu.memref_slice %arg2[%dma_wait3A_226, %dma_wait3A_227] : memref<10000x128xf32, #tpu.memory_space<hbm>> -> memref<16x128xf32, #tpu.memory_space<hbm>>
      tpu.wait_dma2 semaphore(%arg11 : memref<!tpu.dma_semaphore, #tpu.memory_space<semaphore_mem>>) src(%dma_wait3A_228 : memref<16x128xf32, #tpu.memory_space<hbm>>) dst(%dma_wait3A_225 : memref<16x128xf32, #tpu.memory_space<vmem>>)
      %dma_wait3A_229 = arith.constant 0 : i32
      %dma_wait3A_230 = arith.constant 0 : i32
      %dma_wait3A_231 = tpu.memref_slice %arg9[%dma_wait3A_229, %dma_wait3A_230] : memref<240x128xf32, #tpu.memory_space<vmem>> -> memref<16x128xf32, #tpu.memory_space<vmem>>
      %dma_wait3A_232 = arith.constant 0 : i32
      %dma_wait3A_233 = arith.constant 0 : i32
      %dma_wait3A_234 = tpu.memref_slice %arg2[%dma_wait3A_232, %dma_wait3A_233] : memref<10000x128xf32, #tpu.memory_space<hbm>> -> memref<16x128xf32, #tpu.memory_space<hbm>>
      %dma_wait3A_235 = arith.constant 0 : i32
      %dma_wait3A_236 = arith.constant 0 : i32
      %dma_wait3A_237 = tpu.memref_slice %arg9[%dma_wait3A_235, %dma_wait3A_236] : memref<240x128xf32, #tpu.memory_space<vmem>> -> memref<16x128xf32, #tpu.memory_space<vmem>>
      %dma_wait3A_238 = arith.constant 0 : i32
      %dma_wait3A_239 = arith.constant 0 : i32
      %dma_wait3A_240 = tpu.memref_slice %arg2[%dma_wait3A_238, %dma_wait3A_239] : memref<10000x128xf32, #tpu.memory_space<hbm>> -> memref<16x128xf32, #tpu.memory_space<hbm>>
      tpu.wait_dma2 semaphore(%arg11 : memref<!tpu.dma_semaphore, #tpu.memory_space<semaphore_mem>>) src(%dma_wait3A_240 : memref<16x128xf32, #tpu.memory_space<hbm>>) dst(%dma_wait3A_237 : memref<16x128xf32, #tpu.memory_space<vmem>>)
      %jit3A = arith.constant 3 : i32
      %eq3A_241 = arith.constant 0 : i32
      %eq3A_242 = arith.cmpi eq, %jit3A, %eq3A_241 : i32
      %jit3A_243 = arith.constant 1 : i32
      %select_n3A = arith.select %eq3A_242, %jit3A_243, %jit3A : i32
      %rem3A = arith.remsi %scan3A_180, %select_n3A : i32
      %ne3A = arith.constant 0 : i32
      %ne3A_244 = arith.cmpi ne, %rem3A, %ne3A : i32
      %lt3A = arith.constant 0 : i32
      %lt3A_245 = arith.cmpi slt, %rem3A, %lt3A : i32
      %lt3A_246 = arith.constant 0 : i32
      %lt3A_247 = arith.cmpi slt, %select_n3A, %lt3A_246 : i32
      %ne3A_248 = arith.xori %lt3A_245, %lt3A_247 : i1
      %and3A = arith.andi %ne3A_248, %ne3A_244 : i1
      %add3A_249 = arith.addi %rem3A, %select_n3A : i32
      %select_n3A_250 = arith.select %and3A, %add3A_249, %rem3A : i32
      %dma_wait3A_251 = arith.constant 0 : i32
      %dma_wait3A_252 = arith.constant 0 : i32
      %dma_wait3A_253 = tpu.memref_slice %arg8[%select_n3A_250, %dma_wait3A_252] : memref<3x80xi32, #tpu.memory_space<vmem>> -> memref<1x80xi32, #tpu.memory_space<vmem>>
      %dma_wait3A_254 = tpu.memref_squeeze %dma_wait3A_253 : memref<1x80xi32, #tpu.memory_space<vmem>> -> memref<80xi32, #tpu.memory_space<vmem>>
      %dma_wait3A_255 = arith.constant 0 : i32
      %dma_wait3A_256 = tpu.memref_slice %arg4[%add3A, %dma_wait3A_251, %dma_wait3A_255] : memref<32x125x80xi32, #tpu.memory_space<hbm>> -> memref<1x1x80xi32, #tpu.memory_space<hbm>>
      %dma_wait3A_257 = tpu.memref_squeeze %dma_wait3A_256 : memref<1x1x80xi32, #tpu.memory_space<hbm>> -> memref<80xi32, #tpu.memory_space<hbm>>
      %dma_wait3A_258 = arith.constant 0 : i32
      %dma_wait3A_259 = tpu.memref_slice %arg8[%select_n3A_250, %dma_wait3A_258] : memref<3x80xi32, #tpu.memory_space<vmem>> -> memref<1x80xi32, #tpu.memory_space<vmem>>
      %dma_wait3A_260 = tpu.memref_squeeze %dma_wait3A_259 : memref<1x80xi32, #tpu.memory_space<vmem>> -> memref<80xi32, #tpu.memory_space<vmem>>
      %dma_wait3A_261 = arith.constant 0 : i32
      %dma_wait3A_262 = tpu.memref_slice %arg4[%add3A, %dma_wait3A_251, %dma_wait3A_261] : memref<32x125x80xi32, #tpu.memory_space<hbm>> -> memref<1x1x80xi32, #tpu.memory_space<hbm>>
      %dma_wait3A_263 = tpu.memref_squeeze %dma_wait3A_262 : memref<1x1x80xi32, #tpu.memory_space<hbm>> -> memref<80xi32, #tpu.memory_space<hbm>>
      tpu.wait_dma2 semaphore(%arg13 : memref<!tpu.dma_semaphore, #tpu.memory_space<semaphore_mem>>) src(%dma_wait3A_263 : memref<80xi32, #tpu.memory_space<hbm>>) dst(%dma_wait3A_260 : memref<80xi32, #tpu.memory_space<vmem>>)
      %jit3A_264 = arith.constant 3 : i32
      %eq3A_265 = arith.constant 0 : i32
      %eq3A_266 = arith.cmpi eq, %jit3A_264, %eq3A_265 : i32
      %jit3A_267 = arith.constant 1 : i32
      %select_n3A_268 = arith.select %eq3A_266, %jit3A_267, %jit3A_264 : i32
      %rem3A_269 = arith.remsi %scan3A_180, %select_n3A_268 : i32
      %ne3A_270 = arith.constant 0 : i32
      %ne3A_271 = arith.cmpi ne, %rem3A_269, %ne3A_270 : i32
      %lt3A_272 = arith.constant 0 : i32
      %lt3A_273 = arith.cmpi slt, %rem3A_269, %lt3A_272 : i32
      %lt3A_274 = arith.constant 0 : i32
      %lt3A_275 = arith.cmpi slt, %select_n3A_268, %lt3A_274 : i32
      %ne3A_276 = arith.xori %lt3A_273, %lt3A_275 : i1
      %and3A_277 = arith.andi %ne3A_276, %ne3A_271 : i1
      %add3A_278 = arith.addi %rem3A_269, %select_n3A_268 : i32
      %select_n3A_279 = arith.select %and3A_277, %add3A_278, %rem3A_269 : i32
      %mul3A_280 = arith.constant 80 : i32
      %mul3A_281 = arith.muli %select_n3A_279, %mul3A_280 : i32
      %multiple_of3A_282 = tpu.assume_multiple %mul3A_281, 8 : i32
      %jit3A_283 = arith.constant 3 : i32
      %eq3A_284 = arith.constant 0 : i32
      %eq3A_285 = arith.cmpi eq, %jit3A_283, %eq3A_284 : i32
      %jit3A_286 = arith.constant 1 : i32
      %select_n3A_287 = arith.select %eq3A_285, %jit3A_286, %jit3A_283 : i32
      %rem3A_288 = arith.remsi %scan3A_180, %select_n3A_287 : i32
      %ne3A_289 = arith.constant 0 : i32
      %ne3A_290 = arith.cmpi ne, %rem3A_288, %ne3A_289 : i32
      %lt3A_291 = arith.constant 0 : i32
      %lt3A_292 = arith.cmpi slt, %rem3A_288, %lt3A_291 : i32
      %lt3A_293 = arith.constant 0 : i32
      %lt3A_294 = arith.cmpi slt, %select_n3A_287, %lt3A_293 : i32
      %ne3A_295 = arith.xori %lt3A_292, %lt3A_294 : i1
      %and3A_296 = arith.andi %ne3A_295, %ne3A_290 : i1
      %add3A_297 = arith.addi %rem3A_288, %select_n3A_287 : i32
      %select_n3A_298 = arith.select %and3A_296, %add3A_297, %rem3A_288 : i32
      %dma_start3A_299 = arith.constant 0 : i32
      %dma_start3A_300 = tpu.memref_slice %arg9[%multiple_of3A_282, %dma_start3A_299] : memref<240x128xf32, #tpu.memory_space<vmem>> -> memref<80x128xf32, #tpu.memory_space<vmem>>
      %dma_start3A_301 = arith.constant 0 : i32
      %dma_start3A_302 = tpu.memref_slice %arg8[%select_n3A_298, %dma_start3A_301] : memref<3x80xi32, #tpu.memory_space<vmem>> -> memref<1x80xi32, #tpu.memory_space<vmem>>
      %dma_start3A_303 = tpu.memref_squeeze %dma_start3A_302 : memref<1x80xi32, #tpu.memory_space<vmem>> -> memref<80xi32, #tpu.memory_space<vmem>>
      %dma_start3A_304 = arith.constant 0 : i32
      %dma_start3A_305 = arith.constant 0 : i32
      %dma_start3A_306 = tpu.memref_slice %arg10[%dma_start3A_304, %dma_start3A_305] : memref<10001x128xf32, #tpu.memory_space<vmem_shared>> -> memref<10001x128xf32, #tpu.memory_space<vmem_shared>>
      tpu.enqueue_indirect_dma source(%dma_start3A_300 : memref<80x128xf32, #tpu.memory_space<vmem>>) target(%dma_start3A_306 : memref<10001x128xf32, #tpu.memory_space<vmem_shared>>) offsets(%dma_start3A_303 : memref<80xi32, #tpu.memory_space<vmem>>) semaphore(%arg12 : memref<!tpu.dma_semaphore, #tpu.memory_space<semaphore_mem>>) {add = true}
      %add3A_307 = arith.constant 3 : i32
      %add3A_308 = arith.addi %scan3A_180, %add3A_307 : i32
      %sub3A = arith.constant 1 : i32
      %sub3A_309 = arith.subi %add3A_308, %sub3A : i32
      %lt3A_310 = arith.constant 125 : i32
      %lt3A_311 = arith.cmpi slt, %sub3A_309, %lt3A_310 : i32
      %convert_element_type3A_312 = arith.extui %lt3A_311 : i1 to i32
      %cond3A_313 = arith.constant 0 : i32
      %cond3A_314 = arith.cmpi ne, %convert_element_type3A_312, %cond3A_313 : i32
      scf.if %cond3A_314 {
        %ge3A = arith.constant 1 : i32
        %ge3A_315 = arith.cmpi sge, %scan3A_180, %ge3A : i32
        %convert_element_type3A_316 = arith.extui %ge3A_315 : i1 to i32
        %cond3A_317 = arith.constant 0 : i32
        %cond3A_318 = arith.cmpi ne, %convert_element_type3A_316, %cond3A_317 : i32
        scf.if %cond3A_318 {
          %multiple_of3A_515 = arith.constant 0 : i32
          %multiple_of3A_516 = tpu.assume_multiple %multiple_of3A_515, 8 : i32
          %dma_wait3A_517 = arith.constant 0 : i32
          %dma_wait3A_518 = arith.constant 0 : i32
          %dma_wait3A_519 = tpu.memref_slice %arg9[%multiple_of3A_516, %dma_wait3A_518] : memref<240x128xf32, #tpu.memory_space<vmem>> -> memref<80x128xf32, #tpu.memory_space<vmem>>
          %dma_wait3A_520 = arith.constant 0 : i32
          %dma_wait3A_521 = tpu.memref_slice %arg8[%dma_wait3A_517, %dma_wait3A_520] : memref<3x80xi32, #tpu.memory_space<vmem>> -> memref<1x80xi32, #tpu.memory_space<vmem>>
          %dma_wait3A_522 = tpu.memref_squeeze %dma_wait3A_521 : memref<1x80xi32, #tpu.memory_space<vmem>> -> memref<80xi32, #tpu.memory_space<vmem>>
          %dma_wait3A_523 = arith.constant 0 : i32
          %dma_wait3A_524 = arith.constant 0 : i32
          %dma_wait3A_525 = tpu.memref_slice %arg10[%dma_wait3A_523, %dma_wait3A_524] : memref<10001x128xf32, #tpu.memory_space<vmem_shared>> -> memref<10001x128xf32, #tpu.memory_space<vmem_shared>>
          tpu.wait_indirect_dma semaphore(%arg12 : memref<!tpu.dma_semaphore, #tpu.memory_space<semaphore_mem>>) src(%dma_wait3A_519 : memref<80x128xf32, #tpu.memory_space<vmem>>) dst(%dma_wait3A_525 : memref<10001x128xf32, #tpu.memory_space<vmem_shared>>)
        } else {
        }
        %add3A_319 = arith.constant 3 : i32
        %add3A_320 = arith.addi %scan3A_180, %add3A_319 : i32
        %sub3A_321 = arith.constant 1 : i32
        %sub3A_322 = arith.subi %add3A_320, %sub3A_321 : i32
        %jit3A_323 = arith.constant 3 : i32
        %eq3A_324 = arith.constant 0 : i32
        %eq3A_325 = arith.cmpi eq, %jit3A_323, %eq3A_324 : i32
        %jit3A_326 = arith.constant 1 : i32
        %select_n3A_327 = arith.select %eq3A_325, %jit3A_326, %jit3A_323 : i32
        %rem3A_328 = arith.remsi %sub3A_322, %select_n3A_327 : i32
        %ne3A_329 = arith.constant 0 : i32
        %ne3A_330 = arith.cmpi ne, %rem3A_328, %ne3A_329 : i32
        %lt3A_331 = arith.constant 0 : i32
        %lt3A_332 = arith.cmpi slt, %rem3A_328, %lt3A_331 : i32
        %lt3A_333 = arith.constant 0 : i32
        %lt3A_334 = arith.cmpi slt, %select_n3A_327, %lt3A_333 : i32
        %ne3A_335 = arith.xori %lt3A_332, %lt3A_334 : i1
        %and3A_336 = arith.andi %ne3A_335, %ne3A_330 : i1
        %add3A_337 = arith.addi %rem3A_328, %select_n3A_327 : i32
        %select_n3A_338 = arith.select %and3A_336, %add3A_337, %rem3A_328 : i32
        %dma_start3A_339 = arith.constant 0 : i32
        %dma_start3A_340 = tpu.memref_slice %arg8[%select_n3A_338, %dma_start3A_339] : memref<3x80xi32, #tpu.memory_space<vmem>> -> memref<1x80xi32, #tpu.memory_space<vmem>>
        %dma_start3A_341 = tpu.memref_squeeze %dma_start3A_340 : memref<1x80xi32, #tpu.memory_space<vmem>> -> memref<80xi32, #tpu.memory_space<vmem>>
        %dma_start3A_342 = arith.constant 0 : i32
        %dma_start3A_343 = tpu.memref_slice %arg4[%add3A, %sub3A_322, %dma_start3A_342] : memref<32x125x80xi32, #tpu.memory_space<hbm>> -> memref<1x1x80xi32, #tpu.memory_space<hbm>>
        %dma_start3A_344 = tpu.memref_squeeze %dma_start3A_343 : memref<1x1x80xi32, #tpu.memory_space<hbm>> -> memref<80xi32, #tpu.memory_space<hbm>>
        %dma_start3A_345 = arith.constant 0 : i32
        %dma_start3A_346 = tpu.memref_slice %arg8[%select_n3A_338, %dma_start3A_345] : memref<3x80xi32, #tpu.memory_space<vmem>> -> memref<1x80xi32, #tpu.memory_space<vmem>>
        %dma_start3A_347 = tpu.memref_squeeze %dma_start3A_346 : memref<1x80xi32, #tpu.memory_space<vmem>> -> memref<80xi32, #tpu.memory_space<vmem>>
        %dma_start3A_348 = arith.constant 0 : i32
        %dma_start3A_349 = tpu.memref_slice %arg4[%add3A, %sub3A_322, %dma_start3A_348] : memref<32x125x80xi32, #tpu.memory_space<hbm>> -> memref<1x1x80xi32, #tpu.memory_space<hbm>>
        %dma_start3A_350 = tpu.memref_squeeze %dma_start3A_349 : memref<1x1x80xi32, #tpu.memory_space<hbm>> -> memref<80xi32, #tpu.memory_space<hbm>>
        tpu.enqueue_dma source(%dma_start3A_350 : memref<80xi32, #tpu.memory_space<hbm>>) target(%dma_start3A_347 : memref<80xi32, #tpu.memory_space<vmem>>) target_semaphore(%arg13 : memref<!tpu.dma_semaphore, #tpu.memory_space<semaphore_mem>>)
        %add3A_351 = arith.constant 3 : i32
        %add3A_352 = arith.addi %scan3A_180, %add3A_351 : i32
        %sub3A_353 = arith.constant 1 : i32
        %sub3A_354 = arith.subi %add3A_352, %sub3A_353 : i32
        %mul3A_355 = arith.constant 80 : i32
        %mul3A_356 = arith.muli %sub3A_354, %mul3A_355 : i32
        %add3A_357 = arith.constant 0 : i32
        %add3A_358 = arith.addi %mul3A_356, %add3A_357 : i32
        %multiple_of3A_359 = tpu.assume_multiple %add3A_358, 8 : i32
        %jit3A_360 = arith.constant 3 : i32
        %eq3A_361 = arith.constant 0 : i32
        %eq3A_362 = arith.cmpi eq, %jit3A_360, %eq3A_361 : i32
        %jit3A_363 = arith.constant 1 : i32
        %select_n3A_364 = arith.select %eq3A_362, %jit3A_363, %jit3A_360 : i32
        %rem3A_365 = arith.remsi %sub3A_354, %select_n3A_364 : i32
        %ne3A_366 = arith.constant 0 : i32
        %ne3A_367 = arith.cmpi ne, %rem3A_365, %ne3A_366 : i32
        %lt3A_368 = arith.constant 0 : i32
        %lt3A_369 = arith.cmpi slt, %rem3A_365, %lt3A_368 : i32
        %lt3A_370 = arith.constant 0 : i32
        %lt3A_371 = arith.cmpi slt, %select_n3A_364, %lt3A_370 : i32
        %ne3A_372 = arith.xori %lt3A_369, %lt3A_371 : i1
        %and3A_373 = arith.andi %ne3A_372, %ne3A_367 : i1
        %add3A_374 = arith.addi %rem3A_365, %select_n3A_364 : i32
        %select_n3A_375 = arith.select %and3A_373, %add3A_374, %rem3A_365 : i32
        %mul3A_376 = arith.constant 80 : i32
        %mul3A_377 = arith.muli %select_n3A_375, %mul3A_376 : i32
        %add3A_378 = arith.constant 0 : i32
        %add3A_379 = arith.addi %mul3A_377, %add3A_378 : i32
        %multiple_of3A_380 = tpu.assume_multiple %add3A_379, 8 : i32
        %dma_start3A_381 = arith.constant 0 : i32
        %dma_start3A_382 = tpu.memref_slice %arg9[%multiple_of3A_380, %dma_start3A_381] : memref<240x128xf32, #tpu.memory_space<vmem>> -> memref<16x128xf32, #tpu.memory_space<vmem>>
        %dma_start3A_383 = tpu.memref_slice %arg7[%multiple_of3A_359] : memref<10000xi32, #tpu.memory_space<vmem>> -> memref<16xi32, #tpu.memory_space<vmem>>
        %dma_start3A_384 = arith.constant 0 : i32
        %dma_start3A_385 = arith.constant 0 : i32
        %dma_start3A_386 = tpu.memref_slice %arg2[%dma_start3A_384, %dma_start3A_385] : memref<10000x128xf32, #tpu.memory_space<hbm>> -> memref<10000x128xf32, #tpu.memory_space<hbm>>
        tpu.enqueue_indirect_dma source(%dma_start3A_386 : memref<10000x128xf32, #tpu.memory_space<hbm>>) target(%dma_start3A_382 : memref<16x128xf32, #tpu.memory_space<vmem>>) offsets(%dma_start3A_383 : memref<16xi32, #tpu.memory_space<vmem>>) semaphore(%arg11 : memref<!tpu.dma_semaphore, #tpu.memory_space<semaphore_mem>>)
        %mul3A_387 = arith.constant 80 : i32
        %mul3A_388 = arith.muli %sub3A_354, %mul3A_387 : i32
        %add3A_389 = arith.constant 16 : i32
        %add3A_390 = arith.addi %mul3A_388, %add3A_389 : i32
        %multiple_of3A_391 = tpu.assume_multiple %add3A_390, 8 : i32
        %jit3A_392 = arith.constant 3 : i32
        %eq3A_393 = arith.constant 0 : i32
        %eq3A_394 = arith.cmpi eq, %jit3A_392, %eq3A_393 : i32
        %jit3A_395 = arith.constant 1 : i32
        %select_n3A_396 = arith.select %eq3A_394, %jit3A_395, %jit3A_392 : i32
        %rem3A_397 = arith.remsi %sub3A_354, %select_n3A_396 : i32
        %ne3A_398 = arith.constant 0 : i32
        %ne3A_399 = arith.cmpi ne, %rem3A_397, %ne3A_398 : i32
        %lt3A_400 = arith.constant 0 : i32
        %lt3A_401 = arith.cmpi slt, %rem3A_397, %lt3A_400 : i32
        %lt3A_402 = arith.constant 0 : i32
        %lt3A_403 = arith.cmpi slt, %select_n3A_396, %lt3A_402 : i32
        %ne3A_404 = arith.xori %lt3A_401, %lt3A_403 : i1
        %and3A_405 = arith.andi %ne3A_404, %ne3A_399 : i1
        %add3A_406 = arith.addi %rem3A_397, %select_n3A_396 : i32
        %select_n3A_407 = arith.select %and3A_405, %add3A_406, %rem3A_397 : i32
        %mul3A_408 = arith.constant 80 : i32
        %mul3A_409 = arith.muli %select_n3A_407, %mul3A_408 : i32
        %add3A_410 = arith.constant 16 : i32
        %add3A_411 = arith.addi %mul3A_409, %add3A_410 : i32
        %multiple_of3A_412 = tpu.assume_multiple %add3A_411, 8 : i32
        %dma_start3A_413 = arith.constant 0 : i32
        %dma_start3A_414 = tpu.memref_slice %arg9[%multiple_of3A_412, %dma_start3A_413] : memref<240x128xf32, #tpu.memory_space<vmem>> -> memref<16x128xf32, #tpu.memory_space<vmem>>
        %dma_start3A_415 = tpu.memref_slice %arg7[%multiple_of3A_391] : memref<10000xi32, #tpu.memory_space<vmem>> -> memref<16xi32, #tpu.memory_space<vmem>>
        %dma_start3A_416 = arith.constant 0 : i32
        %dma_start3A_417 = arith.constant 0 : i32
        %dma_start3A_418 = tpu.memref_slice %arg2[%dma_start3A_416, %dma_start3A_417] : memref<10000x128xf32, #tpu.memory_space<hbm>> -> memref<10000x128xf32, #tpu.memory_space<hbm>>
        tpu.enqueue_indirect_dma source(%dma_start3A_418 : memref<10000x128xf32, #tpu.memory_space<hbm>>) target(%dma_start3A_414 : memref<16x128xf32, #tpu.memory_space<vmem>>) offsets(%dma_start3A_415 : memref<16xi32, #tpu.memory_space<vmem>>) semaphore(%arg11 : memref<!tpu.dma_semaphore, #tpu.memory_space<semaphore_mem>>)
        %mul3A_419 = arith.constant 80 : i32
        %mul3A_420 = arith.muli %sub3A_354, %mul3A_419 : i32
        %add3A_421 = arith.constant 32 : i32
        %add3A_422 = arith.addi %mul3A_420, %add3A_421 : i32
        %multiple_of3A_423 = tpu.assume_multiple %add3A_422, 8 : i32
        %jit3A_424 = arith.constant 3 : i32
        %eq3A_425 = arith.constant 0 : i32
        %eq3A_426 = arith.cmpi eq, %jit3A_424, %eq3A_425 : i32
        %jit3A_427 = arith.constant 1 : i32
        %select_n3A_428 = arith.select %eq3A_426, %jit3A_427, %jit3A_424 : i32
        %rem3A_429 = arith.remsi %sub3A_354, %select_n3A_428 : i32
        %ne3A_430 = arith.constant 0 : i32
        %ne3A_431 = arith.cmpi ne, %rem3A_429, %ne3A_430 : i32
        %lt3A_432 = arith.constant 0 : i32
        %lt3A_433 = arith.cmpi slt, %rem3A_429, %lt3A_432 : i32
        %lt3A_434 = arith.constant 0 : i32
        %lt3A_435 = arith.cmpi slt, %select_n3A_428, %lt3A_434 : i32
        %ne3A_436 = arith.xori %lt3A_433, %lt3A_435 : i1
        %and3A_437 = arith.andi %ne3A_436, %ne3A_431 : i1
        %add3A_438 = arith.addi %rem3A_429, %select_n3A_428 : i32
        %select_n3A_439 = arith.select %and3A_437, %add3A_438, %rem3A_429 : i32
        %mul3A_440 = arith.constant 80 : i32
        %mul3A_441 = arith.muli %select_n3A_439, %mul3A_440 : i32
        %add3A_442 = arith.constant 32 : i32
        %add3A_443 = arith.addi %mul3A_441, %add3A_442 : i32
        %multiple_of3A_444 = tpu.assume_multiple %add3A_443, 8 : i32
        %dma_start3A_445 = arith.constant 0 : i32
        %dma_start3A_446 = tpu.memref_slice %arg9[%multiple_of3A_444, %dma_start3A_445] : memref<240x128xf32, #tpu.memory_space<vmem>> -> memref<16x128xf32, #tpu.memory_space<vmem>>
        %dma_start3A_447 = tpu.memref_slice %arg7[%multiple_of3A_423] : memref<10000xi32, #tpu.memory_space<vmem>> -> memref<16xi32, #tpu.memory_space<vmem>>
        %dma_start3A_448 = arith.constant 0 : i32
        %dma_start3A_449 = arith.constant 0 : i32
        %dma_start3A_450 = tpu.memref_slice %arg2[%dma_start3A_448, %dma_start3A_449] : memref<10000x128xf32, #tpu.memory_space<hbm>> -> memref<10000x128xf32, #tpu.memory_space<hbm>>
        tpu.enqueue_indirect_dma source(%dma_start3A_450 : memref<10000x128xf32, #tpu.memory_space<hbm>>) target(%dma_start3A_446 : memref<16x128xf32, #tpu.memory_space<vmem>>) offsets(%dma_start3A_447 : memref<16xi32, #tpu.memory_space<vmem>>) semaphore(%arg11 : memref<!tpu.dma_semaphore, #tpu.memory_space<semaphore_mem>>)
        %mul3A_451 = arith.constant 80 : i32
        %mul3A_452 = arith.muli %sub3A_354, %mul3A_451 : i32
        %add3A_453 = arith.constant 48 : i32
        %add3A_454 = arith.addi %mul3A_452, %add3A_453 : i32
        %multiple_of3A_455 = tpu.assume_multiple %add3A_454, 8 : i32
        %jit3A_456 = arith.constant 3 : i32
        %eq3A_457 = arith.constant 0 : i32
        %eq3A_458 = arith.cmpi eq, %jit3A_456, %eq3A_457 : i32
        %jit3A_459 = arith.constant 1 : i32
        %select_n3A_460 = arith.select %eq3A_458, %jit3A_459, %jit3A_456 : i32
        %rem3A_461 = arith.remsi %sub3A_354, %select_n3A_460 : i32
        %ne3A_462 = arith.constant 0 : i32
        %ne3A_463 = arith.cmpi ne, %rem3A_461, %ne3A_462 : i32
        %lt3A_464 = arith.constant 0 : i32
        %lt3A_465 = arith.cmpi slt, %rem3A_461, %lt3A_464 : i32
        %lt3A_466 = arith.constant 0 : i32
        %lt3A_467 = arith.cmpi slt, %select_n3A_460, %lt3A_466 : i32
        %ne3A_468 = arith.xori %lt3A_465, %lt3A_467 : i1
        %and3A_469 = arith.andi %ne3A_468, %ne3A_463 : i1
        %add3A_470 = arith.addi %rem3A_461, %select_n3A_460 : i32
        %select_n3A_471 = arith.select %and3A_469, %add3A_470, %rem3A_461 : i32
        %mul3A_472 = arith.constant 80 : i32
        %mul3A_473 = arith.muli %select_n3A_471, %mul3A_472 : i32
        %add3A_474 = arith.constant 48 : i32
        %add3A_475 = arith.addi %mul3A_473, %add3A_474 : i32
        %multiple_of3A_476 = tpu.assume_multiple %add3A_475, 8 : i32
        %dma_start3A_477 = arith.constant 0 : i32
        %dma_start3A_478 = tpu.memref_slice %arg9[%multiple_of3A_476, %dma_start3A_477] : memref<240x128xf32, #tpu.memory_space<vmem>> -> memref<16x128xf32, #tpu.memory_space<vmem>>
        %dma_start3A_479 = tpu.memref_slice %arg7[%multiple_of3A_455] : memref<10000xi32, #tpu.memory_space<vmem>> -> memref<16xi32, #tpu.memory_space<vmem>>
        %dma_start3A_480 = arith.constant 0 : i32
        %dma_start3A_481 = arith.constant 0 : i32
        %dma_start3A_482 = tpu.memref_slice %arg2[%dma_start3A_480, %dma_start3A_481] : memref<10000x128xf32, #tpu.memory_space<hbm>> -> memref<10000x128xf32, #tpu.memory_space<hbm>>
        tpu.enqueue_indirect_dma source(%dma_start3A_482 : memref<10000x128xf32, #tpu.memory_space<hbm>>) target(%dma_start3A_478 : memref<16x128xf32, #tpu.memory_space<vmem>>) offsets(%dma_start3A_479 : memref<16xi32, #tpu.memory_space<vmem>>) semaphore(%arg11 : memref<!tpu.dma_semaphore, #tpu.memory_space<semaphore_mem>>)
        %mul3A_483 = arith.constant 80 : i32
        %mul3A_484 = arith.muli %sub3A_354, %mul3A_483 : i32
        %add3A_485 = arith.constant 64 : i32
        %add3A_486 = arith.addi %mul3A_484, %add3A_485 : i32
        %multiple_of3A_487 = tpu.assume_multiple %add3A_486, 8 : i32
        %jit3A_488 = arith.constant 3 : i32
        %eq3A_489 = arith.constant 0 : i32
        %eq3A_490 = arith.cmpi eq, %jit3A_488, %eq3A_489 : i32
        %jit3A_491 = arith.constant 1 : i32
        %select_n3A_492 = arith.select %eq3A_490, %jit3A_491, %jit3A_488 : i32
        %rem3A_493 = arith.remsi %sub3A_354, %select_n3A_492 : i32
        %ne3A_494 = arith.constant 0 : i32
        %ne3A_495 = arith.cmpi ne, %rem3A_493, %ne3A_494 : i32
        %lt3A_496 = arith.constant 0 : i32
        %lt3A_497 = arith.cmpi slt, %rem3A_493, %lt3A_496 : i32
        %lt3A_498 = arith.constant 0 : i32
        %lt3A_499 = arith.cmpi slt, %select_n3A_492, %lt3A_498 : i32
        %ne3A_500 = arith.xori %lt3A_497, %lt3A_499 : i1
        %and3A_501 = arith.andi %ne3A_500, %ne3A_495 : i1
        %add3A_502 = arith.addi %rem3A_493, %select_n3A_492 : i32
        %select_n3A_503 = arith.select %and3A_501, %add3A_502, %rem3A_493 : i32
        %mul3A_504 = arith.constant 80 : i32
        %mul3A_505 = arith.muli %select_n3A_503, %mul3A_504 : i32
        %add3A_506 = arith.constant 64 : i32
        %add3A_507 = arith.addi %mul3A_505, %add3A_506 : i32
        %multiple_of3A_508 = tpu.assume_multiple %add3A_507, 8 : i32
        %dma_start3A_509 = arith.constant 0 : i32
        %dma_start3A_510 = tpu.memref_slice %arg9[%multiple_of3A_508, %dma_start3A_509] : memref<240x128xf32, #tpu.memory_space<vmem>> -> memref<16x128xf32, #tpu.memory_space<vmem>>
        %dma_start3A_511 = tpu.memref_slice %arg7[%multiple_of3A_487] : memref<10000xi32, #tpu.memory_space<vmem>> -> memref<16xi32, #tpu.memory_space<vmem>>
        %dma_start3A_512 = arith.constant 0 : i32
        %dma_start3A_513 = arith.constant 0 : i32
        %dma_start3A_514 = tpu.memref_slice %arg2[%dma_start3A_512, %dma_start3A_513] : memref<10000x128xf32, #tpu.memory_space<hbm>> -> memref<10000x128xf32, #tpu.memory_space<hbm>>
        tpu.enqueue_indirect_dma source(%dma_start3A_514 : memref<10000x128xf32, #tpu.memory_space<hbm>>) target(%dma_start3A_510 : memref<16x128xf32, #tpu.memory_space<vmem>>) offsets(%dma_start3A_511 : memref<16xi32, #tpu.memory_space<vmem>>) semaphore(%arg11 : memref<!tpu.dma_semaphore, #tpu.memory_space<semaphore_mem>>)
      } else {
      }
    }
    %scan3A_138 = arith.constant 125 : i32
    %multiple_of3A_139 = arith.constant 0 : i32
    %multiple_of3A_140 = tpu.assume_multiple %multiple_of3A_139, 8 : i32
    %dma_wait3A = arith.constant 0 : i32
    %dma_wait3A_141 = arith.constant 0 : i32
    %dma_wait3A_142 = tpu.memref_slice %arg9[%multiple_of3A_140, %dma_wait3A_141] : memref<240x128xf32, #tpu.memory_space<vmem>> -> memref<80x128xf32, #tpu.memory_space<vmem>>
    %dma_wait3A_143 = arith.constant 0 : i32
    %dma_wait3A_144 = tpu.memref_slice %arg8[%dma_wait3A, %dma_wait3A_143] : memref<3x80xi32, #tpu.memory_space<vmem>> -> memref<1x80xi32, #tpu.memory_space<vmem>>
    %dma_wait3A_145 = tpu.memref_squeeze %dma_wait3A_144 : memref<1x80xi32, #tpu.memory_space<vmem>> -> memref<80xi32, #tpu.memory_space<vmem>>
    %dma_wait3A_146 = arith.constant 0 : i32
    %dma_wait3A_147 = arith.constant 0 : i32
    %dma_wait3A_148 = tpu.memref_slice %arg10[%dma_wait3A_146, %dma_wait3A_147] : memref<10001x128xf32, #tpu.memory_space<vmem_shared>> -> memref<10001x128xf32, #tpu.memory_space<vmem_shared>>
    tpu.wait_indirect_dma semaphore(%arg12 : memref<!tpu.dma_semaphore, #tpu.memory_space<semaphore_mem>>) src(%dma_wait3A_142 : memref<80x128xf32, #tpu.memory_space<vmem>>) dst(%dma_wait3A_148 : memref<10001x128xf32, #tpu.memory_space<vmem_shared>>)
    %multiple_of3A_149 = arith.constant 0 : i32
    %multiple_of3A_150 = tpu.assume_multiple %multiple_of3A_149, 8 : i32
    %dma_wait3A_151 = arith.constant 0 : i32
    %dma_wait3A_152 = arith.constant 0 : i32
    %dma_wait3A_153 = tpu.memref_slice %arg9[%multiple_of3A_150, %dma_wait3A_152] : memref<240x128xf32, #tpu.memory_space<vmem>> -> memref<80x128xf32, #tpu.memory_space<vmem>>
    %dma_wait3A_154 = arith.constant 0 : i32
    %dma_wait3A_155 = tpu.memref_slice %arg8[%dma_wait3A_151, %dma_wait3A_154] : memref<3x80xi32, #tpu.memory_space<vmem>> -> memref<1x80xi32, #tpu.memory_space<vmem>>
    %dma_wait3A_156 = tpu.memref_squeeze %dma_wait3A_155 : memref<1x80xi32, #tpu.memory_space<vmem>> -> memref<80xi32, #tpu.memory_space<vmem>>
    %dma_wait3A_157 = arith.constant 0 : i32
    %dma_wait3A_158 = arith.constant 0 : i32
    %dma_wait3A_159 = tpu.memref_slice %arg10[%dma_wait3A_157, %dma_wait3A_158] : memref<10001x128xf32, #tpu.memory_space<vmem_shared>> -> memref<10001x128xf32, #tpu.memory_space<vmem_shared>>
    tpu.wait_indirect_dma semaphore(%arg12 : memref<!tpu.dma_semaphore, #tpu.memory_space<semaphore_mem>>) src(%dma_wait3A_153 : memref<80x128xf32, #tpu.memory_space<vmem>>) dst(%dma_wait3A_159 : memref<10001x128xf32, #tpu.memory_space<vmem_shared>>)
    %multiple_of3A_160 = arith.constant 0 : i32
    %multiple_of3A_161 = tpu.assume_multiple %multiple_of3A_160, 8 : i32
    %dma_wait3A_162 = arith.constant 0 : i32
    %dma_wait3A_163 = arith.constant 0 : i32
    %dma_wait3A_164 = tpu.memref_slice %arg9[%multiple_of3A_161, %dma_wait3A_163] : memref<240x128xf32, #tpu.memory_space<vmem>> -> memref<80x128xf32, #tpu.memory_space<vmem>>
    %dma_wait3A_165 = arith.constant 0 : i32
    %dma_wait3A_166 = tpu.memref_slice %arg8[%dma_wait3A_162, %dma_wait3A_165] : memref<3x80xi32, #tpu.memory_space<vmem>> -> memref<1x80xi32, #tpu.memory_space<vmem>>
    %dma_wait3A_167 = tpu.memref_squeeze %dma_wait3A_166 : memref<1x80xi32, #tpu.memory_space<vmem>> -> memref<80xi32, #tpu.memory_space<vmem>>
    %dma_wait3A_168 = arith.constant 0 : i32
    %dma_wait3A_169 = arith.constant 0 : i32
    %dma_wait3A_170 = tpu.memref_slice %arg10[%dma_wait3A_168, %dma_wait3A_169] : memref<10001x128xf32, #tpu.memory_space<vmem_shared>> -> memref<10001x128xf32, #tpu.memory_space<vmem_shared>>
    tpu.wait_indirect_dma semaphore(%arg12 : memref<!tpu.dma_semaphore, #tpu.memory_space<semaphore_mem>>) src(%dma_wait3A_164 : memref<80x128xf32, #tpu.memory_space<vmem>>) dst(%dma_wait3A_170 : memref<10001x128xf32, #tpu.memory_space<vmem_shared>>)
    %barrier3A_171 = arith.constant 0 : index
    tpu.barrier barrier_id(%barrier3A_171)
    %mul3A_172 = arith.constant 624 : i32
    %mul3A_173 = arith.muli %arg1, %mul3A_172 : i32
    %multiple_of3A_174 = tpu.assume_multiple %mul3A_173, 8 : i32
    "tpu.region"() ({
      %run_scoped3A = tpu.sem_alloc : memref<!tpu.dma_semaphore, #tpu.memory_space<semaphore_mem>>
      %dma_start3A_180 = arith.constant 0 : i32
      %dma_start3A_181 = tpu.memref_slice %arg6[%arg0, %multiple_of3A_174, %dma_start3A_180] : memref<2x10000x128xf32, #tpu.memory_space<hbm>> -> memref<1x624x128xf32, #tpu.memory_space<hbm>>
      %dma_start3A_182 = tpu.memref_squeeze %dma_start3A_181 : memref<1x624x128xf32, #tpu.memory_space<hbm>> -> memref<624x128xf32, #tpu.memory_space<hbm>>
      %dma_start3A_183 = arith.constant 0 : i32
      %dma_start3A_184 = tpu.memref_slice %arg10[%multiple_of3A_174, %dma_start3A_183] : memref<10001x128xf32, #tpu.memory_space<vmem_shared>> -> memref<624x128xf32, #tpu.memory_space<vmem_shared>>
      tpu.enqueue_dma source(%dma_start3A_184 : memref<624x128xf32, #tpu.memory_space<vmem_shared>>) target(%dma_start3A_182 : memref<624x128xf32, #tpu.memory_space<hbm>>) target_semaphore(%run_scoped3A : memref<!tpu.dma_semaphore, #tpu.memory_space<semaphore_mem>>)
      %dma_wait3A_185 = arith.constant 0 : i32
      %dma_wait3A_186 = tpu.memref_slice %arg6[%arg0, %multiple_of3A_174, %dma_wait3A_185] : memref<2x10000x128xf32, #tpu.memory_space<hbm>> -> memref<1x624x128xf32, #tpu.memory_space<hbm>>
      %dma_wait3A_187 = tpu.memref_squeeze %dma_wait3A_186 : memref<1x624x128xf32, #tpu.memory_space<hbm>> -> memref<624x128xf32, #tpu.memory_space<hbm>>
      %dma_wait3A_188 = arith.constant 0 : i32
      %dma_wait3A_189 = tpu.memref_slice %arg10[%multiple_of3A_174, %dma_wait3A_188] : memref<10001x128xf32, #tpu.memory_space<vmem_shared>> -> memref<624x128xf32, #tpu.memory_space<vmem_shared>>
      tpu.wait_dma2 semaphore(%run_scoped3A : memref<!tpu.dma_semaphore, #tpu.memory_space<semaphore_mem>>) src(%dma_wait3A_189 : memref<624x128xf32, #tpu.memory_space<vmem_shared>>) dst(%dma_wait3A_187 : memref<624x128xf32, #tpu.memory_space<hbm>>)
      tpu.yield
    }) : () -> ()
    %eq3A_175 = arith.constant 0 : i32
    %eq3A_176 = arith.cmpi eq, %arg1, %eq3A_175 : i32
    %convert_element_type3A_177 = arith.extui %eq3A_176 : i1 to i32
    %cond3A_178 = arith.constant 0 : i32
    %cond3A_179 = arith.cmpi ne, %convert_element_type3A_177, %cond3A_178 : i32
    scf.if %cond3A_179 {
      "tpu.region"() ({
        %run_scoped3A = tpu.sem_alloc : memref<!tpu.dma_semaphore, #tpu.memory_space<semaphore_mem>>
        %dma_start3A_180 = arith.constant 9984 : i32
        %dma_start3A_181 = arith.constant 0 : i32
        %dma_start3A_182 = tpu.memref_slice %arg6[%arg0, %dma_start3A_180, %dma_start3A_181] : memref<2x10000x128xf32, #tpu.memory_space<hbm>> -> memref<1x16x128xf32, #tpu.memory_space<hbm>>
        %dma_start3A_183 = tpu.memref_squeeze %dma_start3A_182 : memref<1x16x128xf32, #tpu.memory_space<hbm>> -> memref<16x128xf32, #tpu.memory_space<hbm>>
        %dma_start3A_184 = arith.constant 9984 : i32
        %dma_start3A_185 = arith.constant 0 : i32
        %dma_start3A_186 = tpu.memref_slice %arg10[%dma_start3A_184, %dma_start3A_185] : memref<10001x128xf32, #tpu.memory_space<vmem_shared>> -> memref<16x128xf32, #tpu.memory_space<vmem_shared>>
        tpu.enqueue_dma source(%dma_start3A_186 : memref<16x128xf32, #tpu.memory_space<vmem_shared>>) target(%dma_start3A_183 : memref<16x128xf32, #tpu.memory_space<hbm>>) target_semaphore(%run_scoped3A : memref<!tpu.dma_semaphore, #tpu.memory_space<semaphore_mem>>)
        %dma_wait3A_187 = arith.constant 9984 : i32
        %dma_wait3A_188 = arith.constant 0 : i32
        %dma_wait3A_189 = tpu.memref_slice %arg6[%arg0, %dma_wait3A_187, %dma_wait3A_188] : memref<2x10000x128xf32, #tpu.memory_space<hbm>> -> memref<1x16x128xf32, #tpu.memory_space<hbm>>
        %dma_wait3A_190 = tpu.memref_squeeze %dma_wait3A_189 : memref<1x16x128xf32, #tpu.memory_space<hbm>> -> memref<16x128xf32, #tpu.memory_space<hbm>>
        %dma_wait3A_191 = arith.constant 9984 : i32
        %dma_wait3A_192 = arith.constant 0 : i32
        %dma_wait3A_193 = tpu.memref_slice %arg10[%dma_wait3A_191, %dma_wait3A_192] : memref<10001x128xf32, #tpu.memory_space<vmem_shared>> -> memref<16x128xf32, #tpu.memory_space<vmem_shared>>
        tpu.wait_dma2 semaphore(%run_scoped3A : memref<!tpu.dma_semaphore, #tpu.memory_space<semaphore_mem>>) src(%dma_wait3A_193 : memref<16x128xf32, #tpu.memory_space<vmem_shared>>) dst(%dma_wait3A_190 : memref<16x128xf32, #tpu.memory_space<hbm>>)
        tpu.yield
      }) : () -> ()
    } else {
    }
    return
  }
}

module attributes {stable_mosaic.version = 14 : i64} {
  func.func @_tc_first_body(%arg0: i32, %arg1: memref<1000x128xf32, #tpu.memory_space<vmem>>, %arg2: memref<1x32x1000xf32, #tpu.memory_space<vmem>>, %arg3: memref<128x128xf32, #tpu.memory_space<vmem>>, %arg4: memref<1x128xf32, #tpu.memory_space<vmem>>, %arg5: memref<1000x128xf32, #tpu.memory_space<vmem>>) attributes {dimension_semantics = [#tpu.dimension_semantics<arbitrary>], iteration_bounds = array<i64: 10>, scalar_prefetch = 0 : i64, scratch_operands = 0 : i64, tpu.core_type = #tpu.core_type<tc>, window_params = [{transform_indices = @transform_0, window_bounds = array<i64: 1000, 128>}, {transform_indices = @transform_1, window_bounds = array<i64: 1, 32, 1000>}, {pipeline_mode = #tpu.pipeline_mode<synchronous>, transform_indices = @transform_2, window_bounds = array<i64: 128, 128>}, {pipeline_mode = #tpu.pipeline_mode<synchronous>, transform_indices = @transform_3, window_bounds = array<i64: 1, 128>}, {transform_indices = @transform_4, window_bounds = array<i64: 1000, 128>}]} {
    %get3A = arith.constant 0 : index
    %get3A_0 = arith.constant 0 : index
    %get3A_1 = arith.constant 0 : index
    %get3A_2 = vector.load %arg2[%get3A, %get3A_0, %get3A_1] : memref<1x32x1000xf32, #tpu.memory_space<vmem>>, vector<1x32x1000xf32>
    %squeeze3A = vector.shape_cast %get3A_2 : vector<1x32x1000xf32> to vector<32x1000xf32>
    %reduce_sum3A = arith.constant dense<0.000000e+00> : vector<1000xf32>
    %reduce_sum3A_3 = vector.multi_reduction <add>, %squeeze3A, %reduce_sum3A [0] : vector<32x1000xf32> to vector<1000xf32>
    %add3A = arith.constant 1.000000e+00 : f32
    %add3A_4 = vector.broadcast %add3A : f32 to vector<1000xf32>
    %add3A_5 = arith.addf %reduce_sum3A_3, %add3A_4 : vector<1000xf32>
    %rsqrt3A = math.rsqrt %add3A_5 : vector<1000xf32>
    %broadcast_in_dim3A = vector.shape_cast %rsqrt3A : vector<1000xf32> to vector<1000x1xf32>
    %get3A_6 = arith.constant 0 : index
    %get3A_7 = arith.constant 0 : index
    %get3A_8 = vector.load %arg1[%get3A_6, %get3A_7] : memref<1000x128xf32, #tpu.memory_space<vmem>>, vector<1000x128xf32>
    %get3A_9 = arith.constant 0 : index
    %get3A_10 = arith.constant 0 : index
    %get3A_11 = vector.load %arg3[%get3A_9, %get3A_10] : memref<128x128xf32, #tpu.memory_space<vmem>>, vector<128x128xf32>
    %dot_general3A = arith.constant dense<0.000000e+00> : vector<1000x128xf32>
    %dot_general3A_12 = tpu.matmul %get3A_8, %get3A_11, %dot_general3A {dimension_numbers = #tpu.dot_dimension_numbers<[1], [1], [0], [0], [0, 0, 1, 0], [], []>, transpose_lhs_hint = false} : vector<1000x128xf32>, vector<128x128xf32>, vector<1000x128xf32> -> vector<1000x128xf32>
    %get3A_13 = arith.constant 0 : index
    %get3A_14 = arith.constant 0 : index
    %get3A_15 = vector.load %arg4[%get3A_13, %get3A_14] : memref<1x128xf32, #tpu.memory_space<vmem>>, vector<1x128xf32>
    %add3A_16 = vector.broadcast %get3A_15 : vector<1x128xf32> to vector<1000x128xf32>
    %add3A_17 = arith.addf %dot_general3A_12, %add3A_16 : vector<1000x128xf32>
    %mul3A = vector.broadcast %broadcast_in_dim3A : vector<1000x1xf32> to vector<1000x128xf32>
    %mul3A_18 = arith.mulf %add3A_17, %mul3A : vector<1000x128xf32>
    %swap3A = arith.constant 0 : index
    %swap3A_19 = arith.constant 0 : index
    %swap3A_20 = vector.load %arg5[%swap3A, %swap3A_19] : memref<1000x128xf32, #tpu.memory_space<vmem>>, vector<1000x128xf32>
    tpu.vector_store %arg5[%swap3A, %swap3A_19], %mul3A_18 {strides = array<i32>} : memref<1000x128xf32, #tpu.memory_space<vmem>>, vector<1000x128xf32>,
    return
  }
  func.func @transform_0(%arg0: i32) -> (i32, i32) {
    %c0_i32 = arith.constant 0 : i32
    %c0_i32_0 = arith.constant 0 : i32
    return %arg0, %c0_i32 : i32, i32
  }
  func.func @transform_1(%arg0: i32) -> (i32, i32, i32) {
    %c0_i32 = arith.constant 0 : i32
    %c0_i32_0 = arith.constant 0 : i32
    %c0_i32_1 = arith.constant 0 : i32
    return %arg0, %c0_i32, %c0_i32_0 : i32, i32, i32
  }
  func.func @transform_2(%arg0: i32) -> (i32, i32) {
    %c0_i32 = arith.constant 0 : i32
    %c0_i32_0 = arith.constant 0 : i32
    %c0_i32_1 = arith.constant 0 : i32
    return %c0_i32, %c0_i32_0 : i32, i32
  }
  func.func @transform_3(%arg0: i32) -> (i32, i32) {
    %c0_i32 = arith.constant 0 : i32
    %c0_i32_0 = arith.constant 0 : i32
    %c0_i32_1 = arith.constant 0 : i32
    return %c0_i32, %c0_i32_0 : i32, i32
  }
  func.func @transform_4(%arg0: i32) -> (i32, i32) {
    %c0_i32 = arith.constant 0 : i32
    %c0_i32_0 = arith.constant 0 : i32
    return %arg0, %c0_i32 : i32, i32
  }
}

module attributes {stable_mosaic.version = 14 : i64} {
  func.func @_tc_mid_body(%arg0: i32, %arg1: memref<2x1000x128xf32, #tpu.memory_space<vmem>>, %arg2: memref<1000x128xf32, #tpu.memory_space<vmem>>, %arg3: memref<1x32x1000xf32, #tpu.memory_space<vmem>>, %arg4: memref<128x128xf32, #tpu.memory_space<vmem>>, %arg5: memref<1x128xf32, #tpu.memory_space<vmem>>, %arg6: memref<1000x128xf32, #tpu.memory_space<vmem>>) attributes {dimension_semantics = [#tpu.dimension_semantics<arbitrary>], iteration_bounds = array<i64: 10>, scalar_prefetch = 0 : i64, scratch_operands = 0 : i64, tpu.core_type = #tpu.core_type<tc>, window_params = [{transform_indices = @transform_0, window_bounds = array<i64: 2, 1000, 128>}, {transform_indices = @transform_1, window_bounds = array<i64: 1000, 128>}, {transform_indices = @transform_2, window_bounds = array<i64: 1, 32, 1000>}, {pipeline_mode = #tpu.pipeline_mode<synchronous>, transform_indices = @transform_3, window_bounds = array<i64: 128, 128>}, {pipeline_mode = #tpu.pipeline_mode<synchronous>, transform_indices = @transform_4, window_bounds = array<i64: 1, 128>}, {transform_indices = @transform_5, window_bounds = array<i64: 1000, 128>}]} {
    %get3A = arith.constant 0 : index
    %get3A_0 = arith.constant 0 : index
    %get3A_1 = arith.constant 0 : index
    %get3A_2 = vector.load %arg3[%get3A, %get3A_0, %get3A_1] : memref<1x32x1000xf32, #tpu.memory_space<vmem>>, vector<1x32x1000xf32>
    %squeeze3A = vector.shape_cast %get3A_2 : vector<1x32x1000xf32> to vector<32x1000xf32>
    %reduce_sum3A = arith.constant dense<0.000000e+00> : vector<1000xf32>
    %reduce_sum3A_3 = vector.multi_reduction <add>, %squeeze3A, %reduce_sum3A [0] : vector<32x1000xf32> to vector<1000xf32>
    %add3A = arith.constant 1.000000e+00 : f32
    %add3A_4 = vector.broadcast %add3A : f32 to vector<1000xf32>
    %add3A_5 = arith.addf %reduce_sum3A_3, %add3A_4 : vector<1000xf32>
    %rsqrt3A = math.rsqrt %add3A_5 : vector<1000xf32>
    %broadcast_in_dim3A = vector.shape_cast %rsqrt3A : vector<1000xf32> to vector<1000x1xf32>
    %get3A_6 = arith.constant 0 : index
    %get3A_7 = arith.constant 0 : index
    %get3A_8 = arith.constant 0 : index
    %get3A_9 = vector.load %arg1[%get3A_6, %get3A_7, %get3A_8] : memref<2x1000x128xf32, #tpu.memory_space<vmem>>, vector<2x1000x128xf32>
    %slice3A = vector.extract_strided_slice %get3A_9 {offsets = [0, 0, 0], sizes = [1, 1000, 128], strides = [1, 1, 1]} : vector<2x1000x128xf32> to vector<1x1000x128xf32>
    %squeeze3A_10 = vector.shape_cast %slice3A : vector<1x1000x128xf32> to vector<1000x128xf32>
    %slice3A_11 = vector.extract_strided_slice %get3A_9 {offsets = [1, 0, 0], sizes = [1, 1000, 128], strides = [1, 1, 1]} : vector<2x1000x128xf32> to vector<1x1000x128xf32>
    %squeeze3A_12 = vector.shape_cast %slice3A_11 : vector<1x1000x128xf32> to vector<1000x128xf32>
    %add3A_13 = arith.addf %squeeze3A_10, %squeeze3A_12 : vector<1000x128xf32>
    %get3A_14 = arith.constant 0 : index
    %get3A_15 = arith.constant 0 : index
    %get3A_16 = vector.load %arg2[%get3A_14, %get3A_15] : memref<1000x128xf32, #tpu.memory_space<vmem>>, vector<1000x128xf32>
    %add3A_17 = arith.addf %add3A_13, %get3A_16 : vector<1000x128xf32>
    %mul3A = vector.broadcast %broadcast_in_dim3A : vector<1000x1xf32> to vector<1000x128xf32>
    %mul3A_18 = arith.mulf %add3A_17, %mul3A : vector<1000x128xf32>
    %logistic3A = arith.negf %mul3A_18 : vector<1000x128xf32>
    %logistic3A_19 = math.exp %logistic3A : vector<1000x128xf32>
    %logistic3A_20 = arith.constant 1.000000e+00 : f32
    %logistic3A_21 = vector.broadcast %logistic3A_20 : f32 to vector<1000x128xf32>
    %logistic3A_22 = arith.addf %logistic3A_21, %logistic3A_19 : vector<1000x128xf32>
    %logistic3A_23 = arith.divf %logistic3A_21, %logistic3A_22 : vector<1000x128xf32>
    %get3A_24 = arith.constant 0 : index
    %get3A_25 = arith.constant 0 : index
    %get3A_26 = vector.load %arg4[%get3A_24, %get3A_25] : memref<128x128xf32, #tpu.memory_space<vmem>>, vector<128x128xf32>
    %dot_general3A = arith.constant dense<0.000000e+00> : vector<1000x128xf32>
    %dot_general3A_27 = tpu.matmul %logistic3A_23, %get3A_26, %dot_general3A {dimension_numbers = #tpu.dot_dimension_numbers<[1], [1], [0], [0], [0, 0, 1, 0], [], []>, transpose_lhs_hint = false} : vector<1000x128xf32>, vector<128x128xf32>, vector<1000x128xf32> -> vector<1000x128xf32>
    %get3A_28 = arith.constant 0 : index
    %get3A_29 = arith.constant 0 : index
    %get3A_30 = vector.load %arg5[%get3A_28, %get3A_29] : memref<1x128xf32, #tpu.memory_space<vmem>>, vector<1x128xf32>
    %add3A_31 = vector.broadcast %get3A_30 : vector<1x128xf32> to vector<1000x128xf32>
    %add3A_32 = arith.addf %dot_general3A_27, %add3A_31 : vector<1000x128xf32>
    %mul3A_33 = vector.broadcast %broadcast_in_dim3A : vector<1000x1xf32> to vector<1000x128xf32>
    %mul3A_34 = arith.mulf %add3A_32, %mul3A_33 : vector<1000x128xf32>
    %swap3A = arith.constant 0 : index
    %swap3A_35 = arith.constant 0 : index
    %swap3A_36 = vector.load %arg6[%swap3A, %swap3A_35] : memref<1000x128xf32, #tpu.memory_space<vmem>>, vector<1000x128xf32>
    tpu.vector_store %arg6[%swap3A, %swap3A_35], %mul3A_34 {strides = array<i32>} : memref<1000x128xf32, #tpu.memory_space<vmem>>, vector<1000x128xf32>,
    return
  }
  func.func @transform_0(%arg0: i32) -> (i32, i32, i32) {
    %c0_i32 = arith.constant 0 : i32
    %c0_i32_0 = arith.constant 0 : i32
    %c0_i32_1 = arith.constant 0 : i32
    return %c0_i32, %arg0, %c0_i32_0 : i32, i32, i32
  }
  func.func @transform_1(%arg0: i32) -> (i32, i32) {
    %c0_i32 = arith.constant 0 : i32
    %c0_i32_0 = arith.constant 0 : i32
    return %arg0, %c0_i32 : i32, i32
  }
  func.func @transform_2(%arg0: i32) -> (i32, i32, i32) {
    %c0_i32 = arith.constant 0 : i32
    %c0_i32_0 = arith.constant 0 : i32
    %c0_i32_1 = arith.constant 0 : i32
    return %arg0, %c0_i32, %c0_i32_0 : i32, i32, i32
  }
  func.func @transform_3(%arg0: i32) -> (i32, i32) {
    %c0_i32 = arith.constant 0 : i32
    %c0_i32_0 = arith.constant 0 : i32
    %c0_i32_1 = arith.constant 0 : i32
    return %c0_i32, %c0_i32_0 : i32, i32
  }
  func.func @transform_4(%arg0: i32) -> (i32, i32) {
    %c0_i32 = arith.constant 0 : i32
    %c0_i32_0 = arith.constant 0 : i32
    %c0_i32_1 = arith.constant 0 : i32
    return %c0_i32, %c0_i32_0 : i32, i32
  }
  func.func @transform_5(%arg0: i32) -> (i32, i32) {
    %c0_i32 = arith.constant 0 : i32
    %c0_i32_0 = arith.constant 0 : i32
    return %arg0, %c0_i32 : i32, i32
  }
}

module attributes {stable_mosaic.version = 14 : i64} {
  func.func @_tc_final_body(%arg0: i32, %arg1: memref<2x1000x128xf32, #tpu.memory_space<vmem>>, %arg2: memref<1000x128xf32, #tpu.memory_space<vmem>>, %arg3: memref<1x32x1000xf32, #tpu.memory_space<vmem>>, %arg4: memref<1000x128xf32, #tpu.memory_space<vmem>>) attributes {dimension_semantics = [#tpu.dimension_semantics<arbitrary>], iteration_bounds = array<i64: 10>, scalar_prefetch = 0 : i64, scratch_operands = 0 : i64, tpu.core_type = #tpu.core_type<tc>, window_params = [{transform_indices = @transform_0, window_bounds = array<i64: 2, 1000, 128>}, {transform_indices = @transform_1, window_bounds = array<i64: 1000, 128>}, {transform_indices = @transform_2, window_bounds = array<i64: 1, 32, 1000>}, {transform_indices = @transform_3, window_bounds = array<i64: 1000, 128>}]} {
    %get3A = arith.constant 0 : index
    %get3A_0 = arith.constant 0 : index
    %get3A_1 = arith.constant 0 : index
    %get3A_2 = vector.load %arg3[%get3A, %get3A_0, %get3A_1] : memref<1x32x1000xf32, #tpu.memory_space<vmem>>, vector<1x32x1000xf32>
    %squeeze3A = vector.shape_cast %get3A_2 : vector<1x32x1000xf32> to vector<32x1000xf32>
    %reduce_sum3A = arith.constant dense<0.000000e+00> : vector<1000xf32>
    %reduce_sum3A_3 = vector.multi_reduction <add>, %squeeze3A, %reduce_sum3A [0] : vector<32x1000xf32> to vector<1000xf32>
    %add3A = arith.constant 1.000000e+00 : f32
    %add3A_4 = vector.broadcast %add3A : f32 to vector<1000xf32>
    %add3A_5 = arith.addf %reduce_sum3A_3, %add3A_4 : vector<1000xf32>
    %rsqrt3A = math.rsqrt %add3A_5 : vector<1000xf32>
    %broadcast_in_dim3A = vector.shape_cast %rsqrt3A : vector<1000xf32> to vector<1000x1xf32>
    %get3A_6 = arith.constant 0 : index
    %get3A_7 = arith.constant 0 : index
    %get3A_8 = arith.constant 0 : index
    %get3A_9 = vector.load %arg1[%get3A_6, %get3A_7, %get3A_8] : memref<2x1000x128xf32, #tpu.memory_space<vmem>>, vector<2x1000x128xf32>
    %slice3A = vector.extract_strided_slice %get3A_9 {offsets = [0, 0, 0], sizes = [1, 1000, 128], strides = [1, 1, 1]} : vector<2x1000x128xf32> to vector<1x1000x128xf32>
    %squeeze3A_10 = vector.shape_cast %slice3A : vector<1x1000x128xf32> to vector<1000x128xf32>
    %slice3A_11 = vector.extract_strided_slice %get3A_9 {offsets = [1, 0, 0], sizes = [1, 1000, 128], strides = [1, 1, 1]} : vector<2x1000x128xf32> to vector<1x1000x128xf32>
    %squeeze3A_12 = vector.shape_cast %slice3A_11 : vector<1x1000x128xf32> to vector<1000x128xf32>
    %add3A_13 = arith.addf %squeeze3A_10, %squeeze3A_12 : vector<1000x128xf32>
    %get3A_14 = arith.constant 0 : index
    %get3A_15 = arith.constant 0 : index
    %get3A_16 = vector.load %arg2[%get3A_14, %get3A_15] : memref<1000x128xf32, #tpu.memory_space<vmem>>, vector<1000x128xf32>
    %add3A_17 = arith.addf %add3A_13, %get3A_16 : vector<1000x128xf32>
    %mul3A = vector.broadcast %broadcast_in_dim3A : vector<1000x1xf32> to vector<1000x128xf32>
    %mul3A_18 = arith.mulf %add3A_17, %mul3A : vector<1000x128xf32>
    %swap3A = arith.constant 0 : index
    %swap3A_19 = arith.constant 0 : index
    %swap3A_20 = vector.load %arg4[%swap3A, %swap3A_19] : memref<1000x128xf32, #tpu.memory_space<vmem>>, vector<1000x128xf32>
    tpu.vector_store %arg4[%swap3A, %swap3A_19], %mul3A_18 {strides = array<i32>} : memref<1000x128xf32, #tpu.memory_space<vmem>>, vector<1000x128xf32>,
    return
  }
  func.func @transform_0(%arg0: i32) -> (i32, i32, i32) {
    %c0_i32 = arith.constant 0 : i32
    %c0_i32_0 = arith.constant 0 : i32
    %c0_i32_1 = arith.constant 0 : i32
    return %c0_i32, %arg0, %c0_i32_0 : i32, i32, i32
  }
  func.func @transform_1(%arg0: i32) -> (i32, i32) {
    %c0_i32 = arith.constant 0 : i32
    %c0_i32_0 = arith.constant 0 : i32
    return %arg0, %c0_i32 : i32, i32
  }
  func.func @transform_2(%arg0: i32) -> (i32, i32, i32) {
    %c0_i32 = arith.constant 0 : i32
    %c0_i32_0 = arith.constant 0 : i32
    %c0_i32_1 = arith.constant 0 : i32
    return %arg0, %c0_i32, %c0_i32_0 : i32, i32, i32
  }
  func.func @transform_3(%arg0: i32) -> (i32, i32) {
    %c0_i32 = arith.constant 0 : i32
    %c0_i32_0 = arith.constant 0 : i32
    return %arg0, %c0_i32 : i32, i32
  }
}

</mosaic_0001>

<sc_bundles>
// kernel: kernel.10.cloned.1.call-start
scs
__scs_entry_jumppad:
0x0: {  	(pc) =	sbr.rel $0x88, $3  }
0x1: {  	(tag) =	ssettag $0x0;
	lr =	simm.s32 $0x1  }
0x2: {  	[smem:$0x3F99] =	sst lr;
	_ =	strace $0xD0000000  }
0x3: {  	_ = 	snop  }
0x4: {  	_ = 	snop  }
0x5: {  	_ = 	snop  }
0x6: {  	_ = 	snop  }
0x7: {  	_ = 	snop  }
__scs_overlays_trampoline_lowered:
0x8: {  	[smem:$0x3FA8] =	sst s0  }
0x9: {  	[smem:$0x3FA9] =	sst s1  }
0xa: {  	[smem:$0x3FAA] =	sst s2  }
0xb: {  	[smem:$0x3FAB] =	sst s3  }
0xc: {  	[smem:$0x3FAC] =	sst s4  }
0xd: {  	[smem:$0x3FAD] =	sst s5  }
0xe: {  	[smem:$0x3FAE] =	sst s6  }
0xf: {  	[smem:$0x3FAF] =	sst s7  }
0x10: {  	[smem:$0x3FB0] =	sst s8  }
0x11: {  	[smem:$0x3FB1] =	sst s9;
	s0 =	simm.s32 @!p0 $0x0  }
0x12: {  	s1 =	sld [smem:$0x3F97];
	s0 =	simm.s32 @p0 $0x1  }
0x13: {  	[smem:$0x3FB2] =	sst s0;
	s0 =	simm.s32 @!p1 $0x0  }
0x14: {  	s2 =	sld [smem:$0x3F96];
	s0 =	simm.s32 @p1 $0x1  }
0x15: {  	[smem:$0x3FB3] =	sst s0;
	s0 =	simm.s32 @!p2 $0x0  }
0x16: {  	s3 =	sld [smem:$0x3FDB];
	s0 =	simm.s32 @p2 $0x1  }
0x17: {  	s4 =	simm.s32 $0x1BF5;
	[smem:$0x3FB5] =	sst s0  }
0x18: {  	s0 =	sld [smem:$0x3F98];
	_ =	swait.ge [sflag:s4], $0x0  }
0x19: {  	s7 =	sld [smem:$0x3F99]  }
0x1a: {  	s8 =	sadd.s32 $0xFFFFE003, lr  }
0x1b: {  	s9 =	sadd.s32 $0xFFFFFEF7, lr;
	s5 =	simm.s32 $0xFFFFFFFF;
	p2 =	slt.u32 s8, $0xFFFFF086  }
0x1c: {  	p1 =	slt.u32 s9, $0xF7A;
	s5 =	simm.s32 @!p2 $0x0  }
0x1d: {  	s5 =	simm.s32 @p1 $0x1;
	p0 =	seq.s32 s7, s2  }
0x1e: {  	s7 =	smul.u32 @!p0 $0xF7A, s2;
	p2 =	seq.s32 @!p0 s5, $0x0  }
0x1f: {  	s9 =	smul.u32 $0xF7A, s1;
	s8 =	simm.s32 @!p0 $0x1BF5;
	p2 =	por !p2, p0  }
0x20: {  	[sflag:s8] =	ssyncset.s32 @!p0 $0xFFFFF086;
	s6 =	sadd.s32 @!p0 s3, s7;
	s7 =	simm.s32 @!p0 $0x108  }
0x21: {  	s3 =	sadd.s32 s3, s9;
	s6 =	sadd.s32 @!p0 $0x88, s6;
	s7 =	simm.s32 @p2 $0x1082  }
0x22: {  	[simem:s7], [sflag:s8] =	dma.local @!p0 [hbm:s6], $0xF7A  }
0x23: {  	s9 =	sor.u32 $0xD0000000, s2;
	s6 =	simm.s32 $0x108;
	_ =	swait.ge @!p0 [sflag:s8], $0x0  }
0x24: {  	s3 =	sadd.s32 $0x88, s3;
	s6 =	simm.s32 @!p1 $0x1082;
	[sflag:s4] =	ssyncset.s32 $0xFFFFF086  }
0x25: {  	[simem:s6], [sflag:s4] =	dma.local [hbm:s3], $0xF7A  }
0x26: {  	[smem:$0x3F99] =	sst s1;
	(tag) =	ssettag s2;
	_ =	strace s9  }
0x27: {  	s1 =	sld [smem:$0x3FA9]  }
0x28: {  	s2 =	sld [smem:$0x3FAA]  }
0x29: {  	s4 =	sld [smem:$0x3FAC]  }
0x2a: {  	p0 =	seq.s32 s5, $0x0;
	s5 =	sld [smem:$0x3FAD]  }
0x2b: {  	s6 =	sld [smem:$0x3FAE]  }
0x2c: {  	s7 =	sld [smem:$0x3FAF]  }
0x2d: {  	s3 =	simm.s32 $0x108;
	s8 =	sld [smem:$0x3FB0]  }
0x2e: {  	s3 =	simm.s32 @!p0 $0x1082;
	s9 =	sld [smem:$0x3FB1]  }
0x2f: {  	lr =	sadd.s32 s0, s3;
	s0 =	sld [smem:$0x3FA8]  }
0x30: {  	s3 =	sld [smem:$0x3FAB]  }
0x31: {  	[smem:$0x3FB4] =	sst s10  }
0x32: {  	s10 =	sld [smem:$0x3FB2];
	_ =	sdelay $0x3  }
0x33: {  	p0 =	seq.s32 s10, $0x1;
	s10 =	sld [smem:$0x3FB4];
	_ =	sdelay $0x3  }
0x34: {  	[smem:$0x3FB4] =	sst s10  }
0x35: {  	s10 =	sld [smem:$0x3FB3];
	_ =	sdelay $0x3  }
0x36: {  	p1 =	seq.s32 s10, $0x1;
	s10 =	sld [smem:$0x3FB4];
	_ =	sdelay $0x3  }
0x37: {  	[smem:$0x3FB4] =	sst s10  }
0x38: {  	s10 =	sld [smem:$0x3FB5]  }
0x39: {  	_ = 	snop;
	(pc) =	sbr.ind lr, $3  }
0x3a: {  	_ = 	snop  }
0x3b: {  	_ = 	snop  }
0x3c: {  	p2 =	seq.s32 s10, $0x1;
	s10 =	sld [smem:$0x3FB4]  }
0x3d: {  	_ =	shalt  }
0x3e: {  	_ =	shalt  }
0x3f: {  	_ =	shalt  }
0x40: {  	_ =	shalt  }
0x41: {  	_ =	shalt  }
0x42: {  	_ =	shalt  }
0x43: {  	_ =	shalt  }
0x44: {  	_ =	shalt  }
0x45: {  	_ =	shalt  }
0x46: {  	_ =	shalt  }
0x47: {  	_ =	shalt  }
0x48: {  	_ =	shalt  }
0x49: {  	_ =	shalt  }
0x4a: {  	_ =	shalt  }
0x4b: {  	_ =	shalt  }
0x4c: {  	_ =	shalt  }
0x4d: {  	_ =	shalt  }
0x4e: {  	_ =	shalt  }
0x4f: {  	_ =	shalt  }
0x50: {  	_ =	shalt  }
0x51: {  	_ =	shalt  }
0x52: {  	_ =	shalt  }
0x53: {  	_ =	shalt  }
0x54: {  	_ =	shalt  }
0x55: {  	_ =	shalt  }
0x56: {  	_ =	shalt  }
0x57: {  	_ =	shalt  }
0x58: {  	_ =	shalt  }
0x59: {  	_ =	shalt  }
0x5a: {  	_ =	shalt  }
0x5b: {  	_ =	shalt  }
0x5c: {  	_ =	shalt  }
0x5d: {  	_ =	shalt  }
0x5e: {  	_ =	shalt  }
0x5f: {  	_ =	shalt  }
0x60: {  	_ =	shalt  }
0x61: {  	_ =	shalt  }
0x62: {  	_ =	shalt  }
0x63: {  	_ =	shalt  }
0x64: {  	_ =	shalt  }
0x65: {  	_ =	shalt  }
0x66: {  	_ =	shalt  }
0x67: {  	_ =	shalt  }
0x68: {  	_ =	shalt  }
0x69: {  	_ =	shalt  }
0x6a: {  	_ =	shalt  }
0x6b: {  	_ =	shalt  }
0x6c: {  	_ =	shalt  }
0x6d: {  	_ =	shalt  }
0x6e: {  	_ =	shalt  }
0x6f: {  	_ =	shalt  }
0x70: {  	_ =	shalt  }
0x71: {  	_ =	shalt  }
0x72: {  	_ =	shalt  }
0x73: {  	_ =	shalt  }
0x74: {  	_ =	shalt  }
0x75: {  	_ =	shalt  }
0x76: {  	_ =	shalt  }
0x77: {  	_ =	shalt  }
0x78: {  	_ =	shalt  }
0x79: {  	_ =	shalt  }
0x7a: {  	_ =	shalt  }
0x7b: {  	_ =	shalt  }
0x7c: {  	_ =	shalt  }
0x7d: {  	_ =	shalt  }
0x7e: {  	_ =	shalt  }
0x7f: {  	_ =	shalt  }
0x80: {  	_ =	shalt  }
0x81: {  	_ =	shalt  }
0x82: {  	_ =	shalt  }
0x83: {  	_ =	shalt  }
0x84: {  	_ =	shalt  }
0x85: {  	_ =	shalt  }
0x86: {  	_ =	shalt  }
0x87: {  	_ =	shalt  }
.Lfunc_end0:
.L_simem_size_0:
called_computation_lowered:
.L_overlay_start_0:
0x88: {  	s2 =	sld [smem:$0x3FD9]  }
0x89: {  	s3 =	sld [smem:$0x3FFE];
	_ =	sdelay $0x1  }
0x8a: {  	s1 =	srdreg.scid  }
0x8b: {  	s0 =	sand.u32 $0x1, s1  }
0x8c: {  	s17 =	sshll.u32 s0, $0xA;
	s2 =	sadd.s32 s3, s2  }
0x8d: {  	s2 =	sadd.s32 s2, s17  }
0x8e: {  	[smem:$0x3FC0] =	sst s2  }
0x8f: {  	_ = 	snop  }
0x90: {  	s2 =	sld [smem:$0x3FD0];
	(tm) =	ssettm $0x1  }
0x91: {  	s18 =	sld [smem:$0x3FFB];
	_ =	sdelay $0x3  }
0x92: {  	_ =	strace s18  }
0x93: {  	s3 =	sld [smem:$0x3FFC];
	_ =	sdelay $0x3  }
0x94: {  	_ =	strace s3  }
0x95: {  	s3 =	sld [smem:$0x3FFD];
	_ =	sdelay $0x3  }
0x96: {  	_ =	strace s3  }
0x97: {  	_ =	strace $0x8FFFFFFF  }
0x98: {  	s19 =	sld [smem:$0x3FDB];
	_ =	sdelay $0x1  }
0x99: {  	s4 =	simm.s32 $_scs_section_size  }
0x9a: {  	s5 =	simm.s32 $_size__tile_overlayer_lowered;
	s6 =	simm.s32 $_tile_overlayer_lowered  }
0x9b: {  	s22 =	simm.s32 $0x1BFF;
	s21 =	sshll.u32 s6, $0x1;
	s3 =	sadd.s32 s4, s19  }
0x9c: {  	s7 =	simm.s32 $0x0;
	s20 =	sshll.u32 s5, $0x1;
	s5 =	sadd.s32 s21, s3  }
0x9d: {  	[timem:s7], [sflag:s22] =	dma.local [hbm:s5], s20  }
0x9e: {  	_ =	swait.ge [sflag:s22], s20  }
0x9f: {  	s4 =	ssub.s32 $0x0, s20;
	[sflag:s22] =	ssyncset.done $0x0  }
0xa0: {  	[sflag:s22] =	ssyncadd.s32 s4;
	_ =	sdelay $0x1  }
0xa1: {  	s23 =	simm.s32 $0x1B8B  }
0xa2: {  	_ =	swait.ge [sflag:s23], $0x1  }
0xa3: {  	[sflag:s23] =	ssyncset.done $0x0  }
0xa4: {  	s25 =	simm.s32 $0x1B8E;
	s24 =	sld [smem:$0x3FFE];
	[sflag:s23] =	ssyncadd.s32 $0xFFFFFFFF  }
0xa5: {  	s26 =	simm.s32 $execute0_lowered;
	[smem:$0x3FD2] =	sst s25  }
0xa6: {  	s5 =	sshll.u32 s26, $0x1;
	_ =	strace $0x80000046;
	[dreg:$0x1] =	wrdreg $0xFFFFFFFF  }
0xa7: {  	s28 =	simm.s32 $_size_execute0_lowered;
	s3 =	sadd.s32 s3, s5;
	[dreg:$0x0] =	wrdreg $0x0  }
0xa8: {  	s5 =	sshll.u32 s28, $0x1;
	[dreg:$0x2] =	wrdreg s3  }
0xa9: {  	[dreg:$0x3] =	wrdreg s5  }
0xaa: {  	[dreg:$0x4] =	wrdreg $0xC0  }
0xab: {  	_ =	task [dreg:s7], $0x5FFFF  }
0xac: {  	[dreg:$0x1] =	wrdreg $0xFFFFFFFF  }
0xad: {  	[dreg:$0x0] =	wrdreg $0x60  }
0xae: {  	[dreg:$0x2] =	wrdreg s24  }
0xaf: {  	[dreg:$0x3] =	wrdreg s2  }
0xb0: {  	[dreg:$0x4] =	wrdreg $0x9  }
0xb1: {  	_ =	task.clear_ibuf [dreg:s7], $0x5FFFF;
	_ =	strace $0x90000046  }
0xb2: {  	s29 =	simm.s32 $0x9;
	_ =	strace $0x80000048  }
0xb3: {  	_ =	swait.ge [sflag:s29], $0x1  }
0xb4: {  	[sflag:s29] =	ssyncadd.s32 $0xFFFFFFFF  }
0xb5: {  	_ =	strace $0x90000048  }
0xb6: {  	_ =	sfence  }
0xb7: {  	s30 =	sld [smem:$0x0];
	_ =	sdelay $0x2  }
0xb8: {  	s31 =	sshll.u32 s1, $0xD;
	s1 =	sshrl.u32 s1, $0x2  }
0xb9: {  	s3 =	sand.u32 $0x4000, s31;
	s1 =	sadd.s32 s1, s30  }
0xba: {  	s0 =	sor.u32 s3, s0;
	s1 =	sshll.u32 s1, $0x11  }
0xbb: {  	s0 =	sor.u32 s1, s0  }
0xbc: {  	s0 =	sadd.s32 $0x8F2B, s0  }
0xbd: {  	[sflag:s0] =	ssyncadd.remote.s32 $0x1  }
0xbe: {  	_ =	sfence.sel $0xFFFF  }
0xbf: {  	[dreg:$0x0] =	wrdreg $0xFFFFFFFF;
	(pc) =	sbr.abs _section_cstart, $3  }
0xc0: {  	[dreg:$0x1] =	wrdreg $0xFFFFFFFF  }
0xc1: {  	_ =	task.clear_ibuf [dreg:s7], $0x2FFFF;
	_ =	strace $0x9FFFFFFF  }
0xc2: {  	(tm) =	ssettm $0x7FFFFFFF  }
0xc3: {  	_ =	shalt  }
tec
execute0_lowered:
.L_overlay_start_1:
0x0: {  	(tag) =	ssettag $0x1  }
0x1: {  	s0 =	srdreg.scid;
	s3 =	rddreg [dreg:$0x0];
	v1 =	vimm.s32 $0xEDCBA987  }
0x2: {  	v0 =	vimm.s32 $0x65432100;
	s5 =	rddreg [dreg:$0x1];
	s4 =	sand.u32 $0x1, s0;
	v1 =	vunpack.c.l.s4.s8 v1  }
0x3: {  	v2 =	vimm.s32 $0xFFEDCBA9;
	v3 =	vimm.s32 $0x87654321;
	s1 =	rddreg [dreg:$0x2];
	s0 =	stileid.u32;
	v0 =	vunpack.c.l.s4.s8 v0;
	s2 =	sshll.u32 s4, $0x4  }
0x4: {  	v2 =	vunpack.c.l.s4.s8 v2;
	v3 =	vunpack.c.l.s4.s8 v3;
	s4 =	ssub.s32 $0x2, s4;
	s6 =	sor.u32 s0, s2;
	s2 =	simm.s32 $0x0;
	v1 =	vunpack.c.0.s8.s32 v1  }
0x5: {  	vm0 =	vcmask $0x3F3C;
	s7 =	sshrl.u32 s4, $0x1;
	v4 =	vunpack.c.0.s8.s32 v0;
	s6 =	smul.u32 $0x4E2, s6;
	[smem:$0x7FF] =	sst s2  }
0x6: {  	s8 =	simm.s32 $0x0;
	v2 =	vunpack.c.0.s8.s32 v2;
	v3 =	vunpack.c.0.s8.s32 v3;
	s7 =	ssub.s32 s4, s7;
	_ =	strace $0x80000047;
	v1 =	vand.u32 $0xF, v1  }
0x7: {  	v0 =	vimm.f32 $0.0e+00;
	s3 =	sadd.s32 s6, s3;
	s4 =	sadd.s32 s5, s6;
	s5 =	smax.u32 s7, $0x1;
	v1 =	vcombine.low v4, v1;
	v4 =	vlaneseq.u32  }
0x8: {  	v2 =	vcombine.low v3, v2;
	s6 =	simm.s32 $0x1;
	s7 =	simm.s32 $0x2780;
	s3 =	sadd.s32 $0x2E00, s3;
	v3 =	vor.u32 $0x80000000, v4;
	v4 =	vadd.s32 $0x1, v4  }
.LBB2_1:
0x9: {  	s9 =	simm.s32 $0x40;
	s10 =	simm.s32 $0x0  }
.LBB2_2:
0xa: {  	p0 =	sne.s32 s9, $0x9C40;
	[tilespmem:s10+$0x2780] =	vst v0;
	s10 =	smov.u32 s9;
	s9 =	sadd.s32 $0x40, s9  }
.Ltmp0:
0xb: {  	(pc) =	sbr.rel @p0 .LBB2_2-.Ltmp0, $2  }
0xc: {  	_ =	sdelay $0x2  }
0xd: {  	s10 =	sshra.s32 s10, $0x2  }
0xe: {  	[tilespmem:s10+$0x2780] =	vst v0;
	s9 =	simm.s32 $0x0  }
0xf: {  	[tilespmem:s9], [sflag:$0x1] =	stream.linear.gather [hbm4b:s3+s9], $0x2710, $0x38;
	[tilespmem:$0x4F00] =	vst v63  }
0x10: {  	_ =	swait.ge [sflag:s6], $0x2710  }
0x11: {  	[sflag:s6] =	ssyncset.done $0x0  }
0x12: {  	s31 =	simm.s32 $0x0;
	[sflag:s6] =	ssyncadd.s32 $0xFFFFD8F0  }
0x13: {  	v5 =	vld [tilespmem:s31+$0x0];
	_ =	sdelay $0x4  }
0x14: {  	v6 =	vxor.u32 $0x80000000, v5  }
0x15: {  	(xrf1) =	vsort.ascd.msk.u32 $0xffff, v6, v5;
	_ =	sdelay $0xd  }
0x16: {  	v5, _, _ =	vpop (xrf1)  }
0x17: {  	v5 =	vxor.u32 $0x80000000, v5  }
0x18: {  	v6 =	vperm.xlane v5, v1  }
0x19: {  	v7 =	vperm.xlane v5, v2  }
0x1a: {  	vm1 =	veq.s32 v6, v5  }
0x1b: {  	vm2 =	vne.s32 v7, v5;
	v6 =	vsel vm1, $0x80000000, v3  }
0x1c: {  	vm1 =	vmor vm2, vm0;
	(xrf0) =	vmax.scan.msk.u32 $0xffff, v6;
	_ =	sdelay $0x5  }
0x1d: {  	v6 =	vld.idx.msk [tilespmem:v5+s7+$0x0], vm1;
	v7, _, _ =	vpop (xrf0)  }
0x1e: {  	v7 =	vxor.u32 $0x80000000, v7  }
0x1f: {  	v7 =	vsub.s32 v4, v7  }
0x20: {  	v7 =	vcvt.s32.f32 v7;
	_ =	sdelay $0x1  }
0x21: {  	s10 =	simm.s32 $0x80;
	s9 =	simm.s32 $0x40;
	v6 =	vadd.f32 v7, v6  }
.LBB2_4:
0x22: {  	p0 =	sne.s32 s10, $0x9C00  }
0x23: {  	s11 =	sshra.s32 s9, $0x2;
	s9 =	smov.u32 s10;
	s10 =	sadd.s32 $0x40, s10;
	[tilespmem:v5+s7+$0x0] =	vst.idx.msk vm1, v6  }
0x24: {  	v5 =	vld [tilespmem:s11+$0x0];
	_ =	sdelay $0x4  }
0x25: {  	v6 =	vxor.u32 $0x80000000, v5  }
0x26: {  	(xrf1) =	vsort.ascd.msk.u32 $0xffff, v6, v5;
	_ =	sdelay $0xd  }
0x27: {  	v5, _, _ =	vpop (xrf1)  }
0x28: {  	v5 =	vxor.u32 $0x80000000, v5  }
0x29: {  	v6 =	vperm.xlane v5, v1;
	v7 =	vperm.xlane v5, v2;
	_ =	sdelay $0x1  }
0x2a: {  	vm2 =	veq.s32 v6, v5;
	vm1 =	vne.s32 v7, v5  }
0x2b: {  	vm1 =	vmor vm1, vm0;
	v6 =	vsel vm2, $0x80000000, v3  }
0x2c: {  	(xrf0) =	vmax.scan.msk.u32 $0xffff, v6;
	_ =	sdelay $0x4  }
0x2d: {  	v6 =	vld.idx.msk [tilespmem:v5+s7+$0x0], vm1  }
0x2e: {  	v7, _, _ =	vpop (xrf0)  }
.Ltmp1:
0x2f: {  	v7 =	vxor.u32 $0x80000000, v7;
	(pc) =	sbr.rel @p0 .LBB2_4-.Ltmp1, $3  }
0x30: {  	v7 =	vsub.s32 v4, v7  }
0x31: {  	v7 =	vcvt.s32.f32 v7;
	_ =	sdelay $0x1  }
0x32: {  	v6 =	vadd.f32 v7, v6  }
0x33: {  	_ =	sdelay $0x4  }
0x34: {  	s9 =	sshra.s32 s9, $0x2;
	[tilespmem:v5+s7+$0x0] =	vst.idx.msk vm1, v6  }
0x35: {  	v5 =	vld [tilespmem:s9+$0x0];
	_ =	sdelay $0x4  }
0x36: {  	v6 =	vxor.u32 $0x80000000, v5  }
0x37: {  	(xrf1) =	vsort.ascd.msk.u32 $0xffff, v6, v5;
	_ =	sdelay $0xd  }
0x38: {  	v5, _, _ =	vpop (xrf1)  }
0x39: {  	v5 =	vxor.u32 $0x80000000, v5  }
0x3a: {  	v6 =	vperm.xlane v5, v1  }
0x3b: {  	v7 =	vperm.xlane v5, v2  }
0x3c: {  	vm1 =	veq.s32 v6, v5  }
0x3d: {  	vm2 =	vne.s32 v7, v5;
	v6 =	vsel vm1, $0x80000000, v3  }
0x3e: {  	vm1 =	vmor vm2, vm0;
	(xrf0) =	vmax.scan.msk.u32 $0xffff, v6;
	_ =	sdelay $0x5  }
0x3f: {  	v6 =	vld.idx.msk [tilespmem:v5+s7+$0x0], vm1;
	v7, _, _ =	vpop (xrf0)  }
0x40: {  	v7 =	vxor.u32 $0x80000000, v7  }
0x41: {  	v7 =	vsub.s32 v4, v7  }
0x42: {  	v7 =	vcvt.s32.f32 v7;
	_ =	sdelay $0x1  }
0x43: {  	s8 =	sadd.s32 $0x1, s8;
	v6 =	vadd.f32 v7, v6  }
0x44: {  	p0 =	sne.s32 s8, s5  }
.Ltmp2:
0x45: {  	[tilespmem:v5+s7+$0x0] =	vst.idx.msk vm1, v6;
	(pc) =	sbr.rel @p0 .LBB2_1-.Ltmp2, $4  }
0x46: {  	[hbm4b:s4+s2] =	stream.linear.scatter [tilespmem:s7], [sflag:$0x1], $0x2710, $0x38;
	[tilespmem:$0x4F00] =	vst v63  }
0x47: {  	_ =	swait.ge [sflag:s6], $0x2710  }
0x48: {  	[sflag:s6] =	ssyncset.done $0x0  }
0x49: {  	[sflag:s6] =	ssyncadd.s32 $0xFFFFD8F0  }
0x4a: {  	_ =	sfence.sel $0x180000  }
0x4b: {  	[bflag:$0x0] =	sbarrier.arrive $0xFFFF  }
0x4c: {  	p0 =	sne.s32 s0, $0x0;
	_ =	strace $0x90000047  }
0x4d: {  	s0 =	sadd.s32 @!p0 $0x100000, s1;
	[bflag:$0x2] =	sbarrier.arrive $0xFFFF  }
0x4e: {  	[sflag:s0] =	ssyncadd.tile.s32 @!p0 $0x1;
	_ =	shalt  }
.Lfunc_end2:
_tile_overlayer_lowered:
.L_overlay_start_2:
0x4f: {  	(tag) =	ssettag $0x2  }
0x50: {  	s0 =	rddreg [dreg:$0x0];
	s2 =	stileid.u32  }
0x51: {  	s1 =	rddreg [dreg:$0x1];
	p0 =	sne.s32 s2, $0x0  }
0x52: {  	s3 =	rddreg [dreg:$0x2];
	[bflag:$0x3] =	sbarrier.arrive $0xFFFF;
	s2 =	simm.s32 @!p0 $0x1C01  }
0x53: {  	[timem:s3], [sflag:s2] =	dma.local @!p0 [hbm:s0], s1  }
0x54: {  	s0 =	simm.s32 @!p0 $0x1  }
0x55: {  	_ =	swait.ge @!p0 [sflag:s0], s1  }
0x56: {  	s1 =	ssub.s32 @!p0 $0x0, s1;
	[sflag:s0] =	ssyncset.done @!p0 $0x0  }
0x57: {  	[sflag:s0] =	ssyncadd.s32 @!p0 s1  }
0x58: {  	[bflag:$0x3] =	sbarrier.arrive $0xFFFF  }
0x59: {  	_ =	shalt  }

// kernel: kernel.13.cloned.1.call-start
scs
__scs_entry_jumppad:
0x0: {  	(pc) =	sbr.rel $0x88, $3  }
0x1: {  	(tag) =	ssettag $0x0;
	lr =	simm.s32 $0x1  }
0x2: {  	[smem:$0x3F99] =	sst lr;
	_ =	strace $0xD0000000  }
0x3: {  	_ = 	snop  }
0x4: {  	_ = 	snop  }
0x5: {  	_ = 	snop  }
0x6: {  	_ = 	snop  }
0x7: {  	_ = 	snop  }
__scs_overlays_trampoline_lowered:
0x8: {  	[smem:$0x3FA8] =	sst s0  }
0x9: {  	[smem:$0x3FA9] =	sst s1  }
0xa: {  	[smem:$0x3FAA] =	sst s2  }
0xb: {  	[smem:$0x3FAB] =	sst s3  }
0xc: {  	[smem:$0x3FAC] =	sst s4  }
0xd: {  	[smem:$0x3FAD] =	sst s5  }
0xe: {  	[smem:$0x3FAE] =	sst s6  }
0xf: {  	[smem:$0x3FAF] =	sst s7  }
0x10: {  	[smem:$0x3FB0] =	sst s8  }
0x11: {  	[smem:$0x3FB1] =	sst s9;
	s0 =	simm.s32 @!p0 $0x0  }
0x12: {  	s1 =	sld [smem:$0x3F97];
	s0 =	simm.s32 @p0 $0x1  }
0x13: {  	[smem:$0x3FB2] =	sst s0;
	s0 =	simm.s32 @!p1 $0x0  }
0x14: {  	s2 =	sld [smem:$0x3F96];
	s0 =	simm.s32 @p1 $0x1  }
0x15: {  	[smem:$0x3FB3] =	sst s0;
	s0 =	simm.s32 @!p2 $0x0  }
0x16: {  	s3 =	sld [smem:$0x3FDB];
	s0 =	simm.s32 @p2 $0x1  }
0x17: {  	s4 =	simm.s32 $0x1BF5;
	[smem:$0x3FB5] =	sst s0  }
0x18: {  	s0 =	sld [smem:$0x3F98];
	_ =	swait.ge [sflag:s4], $0x0  }
0x19: {  	s7 =	sld [smem:$0x3F99]  }
0x1a: {  	s8 =	sadd.s32 $0xFFFFE003, lr  }
0x1b: {  	s9 =	sadd.s32 $0xFFFFFEF7, lr;
	s5 =	simm.s32 $0xFFFFFFFF;
	p2 =	slt.u32 s8, $0xFFFFF086  }
0x1c: {  	p1 =	slt.u32 s9, $0xF7A;
	s5 =	simm.s32 @!p2 $0x0  }
0x1d: {  	s5 =	simm.s32 @p1 $0x1;
	p0 =	seq.s32 s7, s2  }
0x1e: {  	s7 =	smul.u32 @!p0 $0xF7A, s2;
	p2 =	seq.s32 @!p0 s5, $0x0  }
0x1f: {  	s9 =	smul.u32 $0xF7A, s1;
	s8 =	simm.s32 @!p0 $0x1BF5;
	p2 =	por !p2, p0  }
0x20: {  	[sflag:s8] =	ssyncset.s32 @!p0 $0xFFFFF086;
	s6 =	sadd.s32 @!p0 s3, s7;
	s7 =	simm.s32 @!p0 $0x108  }
0x21: {  	s3 =	sadd.s32 s3, s9;
	s6 =	sadd.s32 @!p0 $0x88, s6;
	s7 =	simm.s32 @p2 $0x1082  }
0x22: {  	[simem:s7], [sflag:s8] =	dma.local @!p0 [hbm:s6], $0xF7A  }
0x23: {  	s9 =	sor.u32 $0xD0000000, s2;
	s6 =	simm.s32 $0x108;
	_ =	swait.ge @!p0 [sflag:s8], $0x0  }
0x24: {  	s3 =	sadd.s32 $0x88, s3;
	s6 =	simm.s32 @!p1 $0x1082;
	[sflag:s4] =	ssyncset.s32 $0xFFFFF086  }
0x25: {  	[simem:s6], [sflag:s4] =	dma.local [hbm:s3], $0xF7A  }
0x26: {  	[smem:$0x3F99] =	sst s1;
	(tag) =	ssettag s2;
	_ =	strace s9  }
0x27: {  	s1 =	sld [smem:$0x3FA9]  }
0x28: {  	s2 =	sld [smem:$0x3FAA]  }
0x29: {  	s4 =	sld [smem:$0x3FAC]  }
0x2a: {  	p0 =	seq.s32 s5, $0x0;
	s5 =	sld [smem:$0x3FAD]  }
0x2b: {  	s6 =	sld [smem:$0x3FAE]  }
0x2c: {  	s7 =	sld [smem:$0x3FAF]  }
0x2d: {  	s3 =	simm.s32 $0x108;
	s8 =	sld [smem:$0x3FB0]  }
0x2e: {  	s3 =	simm.s32 @!p0 $0x1082;
	s9 =	sld [smem:$0x3FB1]  }
0x2f: {  	lr =	sadd.s32 s0, s3;
	s0 =	sld [smem:$0x3FA8]  }
0x30: {  	s3 =	sld [smem:$0x3FAB]  }
0x31: {  	[smem:$0x3FB4] =	sst s10  }
0x32: {  	s10 =	sld [smem:$0x3FB2];
	_ =	sdelay $0x3  }
0x33: {  	p0 =	seq.s32 s10, $0x1;
	s10 =	sld [smem:$0x3FB4];
	_ =	sdelay $0x3  }
0x34: {  	[smem:$0x3FB4] =	sst s10  }
0x35: {  	s10 =	sld [smem:$0x3FB3];
	_ =	sdelay $0x3  }
0x36: {  	p1 =	seq.s32 s10, $0x1;
	s10 =	sld [smem:$0x3FB4];
	_ =	sdelay $0x3  }
0x37: {  	[smem:$0x3FB4] =	sst s10  }
0x38: {  	s10 =	sld [smem:$0x3FB5]  }
0x39: {  	_ = 	snop;
	(pc) =	sbr.ind lr, $3  }
0x3a: {  	_ = 	snop  }
0x3b: {  	_ = 	snop  }
0x3c: {  	p2 =	seq.s32 s10, $0x1;
	s10 =	sld [smem:$0x3FB4]  }
0x3d: {  	_ =	shalt  }
0x3e: {  	_ =	shalt  }
0x3f: {  	_ =	shalt  }
0x40: {  	_ =	shalt  }
0x41: {  	_ =	shalt  }
0x42: {  	_ =	shalt  }
0x43: {  	_ =	shalt  }
0x44: {  	_ =	shalt  }
0x45: {  	_ =	shalt  }
0x46: {  	_ =	shalt  }
0x47: {  	_ =	shalt  }
0x48: {  	_ =	shalt  }
0x49: {  	_ =	shalt  }
0x4a: {  	_ =	shalt  }
0x4b: {  	_ =	shalt  }
0x4c: {  	_ =	shalt  }
0x4d: {  	_ =	shalt  }
0x4e: {  	_ =	shalt  }
0x4f: {  	_ =	shalt  }
0x50: {  	_ =	shalt  }
0x51: {  	_ =	shalt  }
0x52: {  	_ =	shalt  }
0x53: {  	_ =	shalt  }
0x54: {  	_ =	shalt  }
0x55: {  	_ =	shalt  }
0x56: {  	_ =	shalt  }
0x57: {  	_ =	shalt  }
0x58: {  	_ =	shalt  }
0x59: {  	_ =	shalt  }
0x5a: {  	_ =	shalt  }
0x5b: {  	_ =	shalt  }
0x5c: {  	_ =	shalt  }
0x5d: {  	_ =	shalt  }
0x5e: {  	_ =	shalt  }
0x5f: {  	_ =	shalt  }
0x60: {  	_ =	shalt  }
0x61: {  	_ =	shalt  }
0x62: {  	_ =	shalt  }
0x63: {  	_ =	shalt  }
0x64: {  	_ =	shalt  }
0x65: {  	_ =	shalt  }
0x66: {  	_ =	shalt  }
0x67: {  	_ =	shalt  }
0x68: {  	_ =	shalt  }
0x69: {  	_ =	shalt  }
0x6a: {  	_ =	shalt  }
0x6b: {  	_ =	shalt  }
0x6c: {  	_ =	shalt  }
0x6d: {  	_ =	shalt  }
0x6e: {  	_ =	shalt  }
0x6f: {  	_ =	shalt  }
0x70: {  	_ =	shalt  }
0x71: {  	_ =	shalt  }
0x72: {  	_ =	shalt  }
0x73: {  	_ =	shalt  }
0x74: {  	_ =	shalt  }
0x75: {  	_ =	shalt  }
0x76: {  	_ =	shalt  }
0x77: {  	_ =	shalt  }
0x78: {  	_ =	shalt  }
0x79: {  	_ =	shalt  }
0x7a: {  	_ =	shalt  }
0x7b: {  	_ =	shalt  }
0x7c: {  	_ =	shalt  }
0x7d: {  	_ =	shalt  }
0x7e: {  	_ =	shalt  }
0x7f: {  	_ =	shalt  }
0x80: {  	_ =	shalt  }
0x81: {  	_ =	shalt  }
0x82: {  	_ =	shalt  }
0x83: {  	_ =	shalt  }
0x84: {  	_ =	shalt  }
0x85: {  	_ =	shalt  }
0x86: {  	_ =	shalt  }
0x87: {  	_ =	shalt  }
.Lfunc_end0:
.L_simem_size_0:
called_computation.1_lowered:
.L_overlay_start_0:
0x88: {  	s2 =	sld [smem:$0x3FD9]  }
0x89: {  	s3 =	sld [smem:$0x3FFE];
	_ =	sdelay $0x1  }
0x8a: {  	s1 =	srdreg.scid  }
0x8b: {  	s0 =	sand.u32 $0x1, s1  }
0x8c: {  	s17 =	sshll.u32 s0, $0xA;
	s2 =	sadd.s32 s3, s2  }
0x8d: {  	s2 =	sadd.s32 s2, s17  }
0x8e: {  	[smem:$0x3FC0] =	sst s2  }
0x8f: {  	_ = 	snop  }
0x90: {  	s2 =	sld [smem:$0x3FD0];
	(tm) =	ssettm $0x1  }
0x91: {  	s18 =	sld [smem:$0x3FFB];
	_ =	sdelay $0x3  }
0x92: {  	_ =	strace s18  }
0x93: {  	s3 =	sld [smem:$0x3FFC];
	_ =	sdelay $0x3  }
0x94: {  	_ =	strace s3  }
0x95: {  	s3 =	sld [smem:$0x3FFD];
	_ =	sdelay $0x3  }
0x96: {  	_ =	strace s3  }
0x97: {  	_ =	strace $0x8FFFFFFF  }
0x98: {  	s19 =	sld [smem:$0x3FDB];
	_ =	sdelay $0x1  }
0x99: {  	s4 =	simm.s32 $_scs_section_size  }
0x9a: {  	s5 =	simm.s32 $_size__tile_overlayer_lowered;
	s6 =	simm.s32 $_tile_overlayer_lowered  }
0x9b: {  	s22 =	simm.s32 $0x1BFF;
	s21 =	sshll.u32 s6, $0x1;
	s3 =	sadd.s32 s4, s19  }
0x9c: {  	s7 =	simm.s32 $0x0;
	s20 =	sshll.u32 s5, $0x1;
	s5 =	sadd.s32 s21, s3  }
0x9d: {  	[timem:s7], [sflag:s22] =	dma.local [hbm:s5], s20  }
0x9e: {  	_ =	swait.ge [sflag:s22], s20  }
0x9f: {  	s4 =	ssub.s32 $0x0, s20;
	[sflag:s22] =	ssyncset.done $0x0  }
0xa0: {  	[sflag:s22] =	ssyncadd.s32 s4;
	_ =	sdelay $0x1  }
0xa1: {  	s23 =	simm.s32 $0x1B8B  }
0xa2: {  	_ =	swait.ge [sflag:s23], $0x1  }
0xa3: {  	[sflag:s23] =	ssyncset.done $0x0  }
0xa4: {  	s25 =	simm.s32 $0x1B8E;
	s24 =	sld [smem:$0x3FFE];
	[sflag:s23] =	ssyncadd.s32 $0xFFFFFFFF  }
0xa5: {  	s26 =	simm.s32 $execute0_lowered;
	[smem:$0x3FD2] =	sst s25  }
0xa6: {  	s5 =	sshll.u32 s26, $0x1;
	_ =	strace $0x80000049;
	[dreg:$0x1] =	wrdreg $0xFFFFFFFF  }
0xa7: {  	s28 =	simm.s32 $_size_execute0_lowered;
	s3 =	sadd.s32 s3, s5;
	[dreg:$0x0] =	wrdreg $0x0  }
0xa8: {  	s5 =	sshll.u32 s28, $0x1;
	[dreg:$0x2] =	wrdreg s3  }
0xa9: {  	[dreg:$0x3] =	wrdreg s5  }
0xaa: {  	[dreg:$0x4] =	wrdreg $0xC0  }
0xab: {  	_ =	task [dreg:s7], $0x5FFFF  }
0xac: {  	[dreg:$0x1] =	wrdreg $0xFFFFFFFF  }
0xad: {  	[dreg:$0x0] =	wrdreg $0x60  }
0xae: {  	[dreg:$0x2] =	wrdreg s2  }
0xaf: {  	[dreg:$0x3] =	wrdreg s24  }
0xb0: {  	[dreg:$0x4] =	wrdreg $0xA1800  }
0xb1: {  	[dreg:$0x5] =	wrdreg $0x9  }
0xb2: {  	_ =	task.clear_ibuf [dreg:s7], $0x6FFFF;
	_ =	strace $0x90000049  }
0xb3: {  	s29 =	simm.s32 $0x9;
	_ =	strace $0x8000004B  }
0xb4: {  	_ =	swait.ge [sflag:s29], $0x1  }
0xb5: {  	[sflag:s29] =	ssyncadd.s32 $0xFFFFFFFF  }
0xb6: {  	_ =	strace $0x9000004B  }
0xb7: {  	_ =	sfence  }
0xb8: {  	s30 =	sld [smem:$0x0];
	_ =	sdelay $0x2  }
0xb9: {  	s31 =	sshll.u32 s1, $0xD;
	s1 =	sshrl.u32 s1, $0x2  }
0xba: {  	s3 =	sand.u32 $0x4000, s31;
	s1 =	sadd.s32 s1, s30  }
0xbb: {  	s0 =	sor.u32 s3, s0;
	s1 =	sshll.u32 s1, $0x11  }
0xbc: {  	s0 =	sor.u32 s1, s0  }
0xbd: {  	s0 =	sadd.s32 $0x8F2B, s0  }
0xbe: {  	[sflag:s0] =	ssyncadd.remote.s32 $0x1  }
0xbf: {  	_ =	sfence.sel $0xFFFF  }
0xc0: {  	[dreg:$0x0] =	wrdreg $0xFFFFFFFF;
	(pc) =	sbr.abs _section_cstart, $3  }
0xc1: {  	[dreg:$0x1] =	wrdreg $0xFFFFFFFF  }
0xc2: {  	_ =	task.clear_ibuf [dreg:s7], $0x2FFFF;
	_ =	strace $0x9FFFFFFF  }
0xc3: {  	(tm) =	ssettm $0x7FFFFFFF  }
tec
execute0_lowered:
.L_overlay_start_1:
0x0: {  	(tag) =	ssettag $0x1  }
0x1: {  	s0 =	rddreg [dreg:$0x0]  }
0x2: {  	s1 =	srdreg.scid;
	s4 =	rddreg [dreg:$0x1]  }
0x3: {  	s6 =	stileid.u32;
	s2 =	rddreg [dreg:$0x2];
	s17 =	simm.s32 $0x10  }
0x4: {  	s21 =	simm.s32 $0x1;
	s22 =	simm.s32 $0x3;
	s8 =	smul.u32 $0x13800, s6  }
0x5: {  	s23 =	simm.s32 $0x2;
	s1 =	sand.u32 $0x1, s1;
	s11 =	smul.u32 $0x4E000, s6  }
0x6: {  	s13 =	sadd.s32 $0x43E00, s4;
	s28 =	sshll.u32 s6, $0x6;
	s15 =	sadd.s32 $0x138000, s2  }
0x7: {  	p0 =	sne.s32 s6, $0x0;
	s3 =	sshll.u32 s1, $0x4;
	s10 =	ssub.s32 $0x2, s1  }
0x8: {  	s1 =	smul.u32 $0x138800, s1;
	s15 =	sshrl.u32 @!p0 s15, $0x3;
	s5 =	sor.u32 s6, s3  }
0x9: {  	s3 =	simm.s32 $0x0;
	s9 =	sshrl.u32 s8, $0x3;
	s25 =	sshrl.u32 s10, $0x1  }
0xa: {  	s26 =	sshrl.u32 s11, $0x2;
	s7 =	smul.u32 $0x4E2, s5;
	[smem:$0x7FF] =	sst s3  }
0xb: {  	s5 =	sshll.u32 s5, $0xB;
	s24 =	sadd.s32 s9, s4;
	s9 =	ssub.s32 s10, s25  }
0xc: {  	s14 =	sadd.s32 s26, s2;
	s30 =	sadd.s32 s8, s1;
	s1 =	sshrl.u32 s1, $0x3  }
0xd: {  	s26 =	simm.s32 $0x50;
	_ =	strace $0x8000004A;
	s12 =	sadd.s32 s5, s4  }
0xe: {  	s5 =	sadd.s32 $0x1CC00, s24;
	s1 =	sadd.s32 s13, s1;
	s24 =	simm.s32 $0x0  }
0xf: {  	s7 =	sadd.s32 s7, s4;
	[dreg:$0x4] =	wrdreg s5;
	s4 =	sadd.s32 $0x43C00, s4  }
0x10: {  	s5 =	sor.u32 $0x1C04, s28;
	s31 =	sadd.s32 $0xCC10, s12;
	[dreg:$0x5] =	wrdreg s4  }
0x11: {  	s8 =	sadd.s32 $0xCC00, s12;
	s1 =	sadd.s32 $0x27000, s1;
	[dreg:$0x7] =	wrdreg s31  }
0x12: {  	s29 =	sadd.s32 $0x2E00, s7;
	s4 =	sshrl.u32 s30, $0x3;
	[dreg:$0x9] =	wrdreg s1  }
0x13: {  	s12 =	smax.u32 s9, $0x1;
	[dreg:$0x6] =	wrdreg s29;
	s4 =	sadd.s32 s13, s4  }
0x14: {  	s13 =	sshrl.u32 s14, $0x3;
	s14 =	simm.s32 $0x4;
	[dreg:$0x8] =	wrdreg s4  }
.LBB2_1:
0x15: {  	s1 =	rddreg [dreg:$0x4]  }
0x16: {  	[spmem:s13], [sflag:s5] =	dma.local [hbm:s1], $0x2700  }
0x17: {  	_ =	swait.ge [sflag:s14], $0x2700  }
0x18: {  	[sflag:s14] =	ssyncset.done $0x0  }
0x19: {  	s1 =	rddreg [dreg:$0x5];
	[sflag:s14] =	ssyncadd.s32 $0xFFFFD900  }
0x1a: {  	[spmem:s15], [sflag:s5] =	dma.local @!p0 [hbm:s1], $0x100  }
0x1b: {  	s1 =	simm.s32 @!p0 $0x4  }
0x1c: {  	_ =	swait.ge @!p0 [sflag:s1], $0x100  }
0x1d: {  	[sflag:s1] =	ssyncset.done @!p0 $0x0  }
0x1e: {  	s7 =	rddreg [dreg:$0x6];
	[sflag:s1] =	ssyncadd.s32 @!p0 $0xFFFFFF00  }
0x1f: {  	[tilespmem:s3], [sflag:$0x4] =	stream.linear.gather [hbm4b:s7+s3], $0x2710, $0x38;
	[tilespmem:$0x1DA08] =	vst v63  }
0x20: {  	_ =	swait.ge [sflag:s14], $0x2710  }
0x21: {  	[sflag:s14] =	ssyncset.done $0x0  }
0x22: {  	[sflag:s14] =	ssyncadd.s32 $0xFFFFD8F0  }
0x23: {  	s9 =	simm.s32 $0x2780;
	[bflag:$0x0] =	sbarrier.arrive $0xFFFF  }
0x24: {  	[tilespmem:s9], [sflag:$0x3] =	stream.linear.gather [hbm4b:s8+s3], $0x80, $0x38;
	[tilespmem:$0x1DA08] =	vst v63  }
0x25: {  	s10 =	simm.s32 $0x2980  }
0x26: {  	[tilespmem:s10], [sflag:$0x1] =	stream.indirect.gather [hbm4b:s0+s17], $0x80, s3, s17, $0xb8;
	[tilespmem:$0x1DA08] =	vst v63  }
0x27: {  	s11 =	simm.s32 $0x3180  }
0x28: {  	[tilespmem:s11], [sflag:$0x1] =	stream.indirect.gather [hbm4b:s0+s17], $0x80, s17, s17, $0xb8;
	[tilespmem:$0x1DA08] =	vst v63  }
0x29: {  	s4 =	simm.s32 $0x3980;
	s1 =	simm.s32 $0x20  }
0x2a: {  	[tilespmem:s4], [sflag:$0x1] =	stream.indirect.gather [hbm4b:s0+s17], $0x80, s1, s17, $0xb8;
	[tilespmem:$0x1DA08] =	vst v63  }
0x2b: {  	s16 =	simm.s32 $0x30;
	s6 =	simm.s32 $0x4180  }
0x2c: {  	[tilespmem:s6], [sflag:$0x1] =	stream.indirect.gather [hbm4b:s0+s17], $0x80, s16, s17, $0xb8;
	[tilespmem:$0x1DA08] =	vst v63  }
0x2d: {  	s18 =	simm.s32 $0x40;
	s19 =	simm.s32 $0x4980  }
0x2e: {  	[tilespmem:s19], [sflag:$0x1] =	stream.indirect.gather [hbm4b:s0+s17], $0x80, s18, s17, $0xb8;
	[tilespmem:$0x1DA08] =	vst v63  }
0x2f: {  	s25 =	simm.s32 $0x2800;
	s20 =	rddreg [dreg:$0x7]  }
0x30: {  	[tilespmem:s25], [sflag:$0x3] =	stream.linear.gather [hbm4b:s20+s3], $0x80, $0x38;
	[tilespmem:$0x1DA08] =	vst v63  }
0x31: {  	s6 =	simm.s32 $0x5180  }
0x32: {  	[tilespmem:s6], [sflag:$0x1] =	stream.indirect.gather [hbm4b:s0+s17], $0x80, s26, s17, $0xb8;
	[tilespmem:$0x1DA08] =	vst v63  }
0x33: {  	s7 =	simm.s32 $0x60;
	s9 =	simm.s32 $0x5980  }
0x34: {  	[tilespmem:s9], [sflag:$0x1] =	stream.indirect.gather [hbm4b:s0+s17], $0x80, s7, s17, $0xb8;
	[tilespmem:$0x1DA08] =	vst v63  }
0x35: {  	s10 =	simm.s32 $0x70;
	s11 =	simm.s32 $0x6180  }
0x36: {  	[tilespmem:s11], [sflag:$0x1] =	stream.indirect.gather [hbm4b:s0+s17], $0x80, s10, s17, $0xb8;
	[tilespmem:$0x1DA08] =	vst v63  }
0x37: {  	s16 =	simm.s32 $0x80;
	s18 =	simm.s32 $0x6980  }
0x38: {  	[tilespmem:s18], [sflag:$0x1] =	stream.indirect.gather [hbm4b:s0+s17], $0x80, s16, s17, $0xb8;
	[tilespmem:$0x1DA08] =	vst v63  }
0x39: {  	s19 =	simm.s32 $0x90;
	s20 =	simm.s32 $0x7180  }
0x3a: {  	[tilespmem:s20], [sflag:$0x1] =	stream.indirect.gather [hbm4b:s0+s17], $0x80, s19, s17, $0xb8;
	[tilespmem:$0x1DA08] =	vst v63  }
0x3b: {  	s28 =	simm.s32 $0x30;
	p1 =	por $0x0, $0x0;
	_ =	swait.ge [sflag:s21], $0x800  }
0x3c: {  	s29 =	simm.s32 $0x3;
	s25 =	simm.s32 $0x0;
	[sflag:s21] =	ssyncset.done $0x0  }
0x3d: {  	p2 =	por @!p1 $0x1, $0x1;
	s4 =	smul.u32 $0xAB, s25;
	[sflag:s21] =	ssyncadd.s32 $0xFFFFF800  }
0x3e: {  	s30 =	simm.s32 @!p1 $0xA0;
	p2 =	por p2, p1;
	_ =	swait.ge [sflag:s21], $0x800  }
0x3f: {  	s6 =	smul.u32 @!p1 $0xAB, s23;
	s4 =	sshrl.u32 s4, $0x9;
	[sflag:s21] =	ssyncset.done $0x0  }
0x40: {  	s25 =	simm.s32 $0x140;
	s4 =	sand.u32 $0x7F, s4;
	[sflag:s21] =	ssyncadd.s32 $0xFFFFF800  }
0x41: {  	s6 =	sshrl.u32 @!p1 s6, $0x9;
	s4 =	smul.u32 $0x3, s4;
	_ =	swait.ge [sflag:s21], $0x800  }
0x42: {  	s7 =	sand.u32 @!p1 $0x70, s1;
	s6 =	sand.u32 @!p1 $0x7F, s6;
	[sflag:s21] =	ssyncset.done $0x0  }
0x43: {  	s6 =	smul.u32 @!p1 $0x3, s6;
	s4 =	ssub.s32 $0x0, s4;
	[sflag:s21] =	ssyncadd.s32 $0xFFFFF800  }
0x44: {  	s1 =	sand.u32 @!p1 $0xF80, s1;
	s4 =	sand.u32 $0xFF, s4;
	_ =	swait.ge [sflag:s21], $0x800  }
0x45: {  	s6 =	ssub.s32 @!p1 $0x2, s6;
	s9 =	smul.u32 $0xA000, s4;
	[sflag:s21] =	ssyncset.done $0x0  }
0x46: {  	s4 =	sshll.u32 s4, $0x7;
	s6 =	sand.u32 @!p1 $0xFF, s6;
	[sflag:s21] =	ssyncadd.s32 $0xFFFFF800  }
0x47: {  	s4 =	sadd.s32 $0x2780, s4;
	s16 =	sshll.u32 @!p1 s6, $0x7;
	_ =	swait.ge [sflag:s21], $0x800  }
0x48: {  	s6 =	smul.u32 @!p1 $0xA000, s6;
	s20 =	simm.s32 @!p1 $0xD0;
	[sflag:s21] =	ssyncset.done $0x0  }
0x49: {  	s9 =	sshrl.u32 s9, $0x2;
	s19 =	sadd.s32 @!p1 $0x2780, s16;
	[sflag:s21] =	ssyncadd.s32 $0xFFFFF800  }
0x4a: {  	s16 =	sadd.s32 @!p1 s1, s8;
	s9 =	sadd.s32 $0x2980, s9;
	_ =	swait.ge [sflag:s22], $0x80  }
0x4b: {  	s10 =	sshrl.u32 @!p1 s6, $0x2;
	s6 =	simm.s32 @!p2 $0x2;
	[sflag:s22] =	ssyncset.done $0x0  }
0x4c: {  	s31 =	sadd.s32 @!p1 $0x2980, s10;
	s1 =	sadd.s32 @!p1 $0x3180, s10;
	[sflag:s22] =	ssyncadd.s32 $0xFFFFFF80  }
0x4d: {  	[spmem:s2] =	stream.indirect.scatter.add.f32 [tilespmem:s9], [sflag:$0x2], $0x80, s4, s26, $0xb8;
	[tilespmem:$0x1DA08] =	vst v63  }
0x4e: {  	s18 =	sadd.s32 @!p1 $0x4180, s10;
	s4 =	sadd.s32 @!p1 s7, s16;
	_ =	swait.ge @!p2 [sflag:s6], $0x2800  }
0x4f: {  	s16 =	sadd.s32 @!p1 $0x3980, s10;
	s7 =	simm.s32 @!p1 $0x0;
	[sflag:s6] =	ssyncset.done @!p2 $0x0  }
0x50: {  	s9 =	simm.s32 @!p1 $0xB0;
	[sflag:s6] =	ssyncadd.s32 @!p2 $0xFFFFD800;
	s6 =	simm.s32 @!p1 $0xC0  }
0x51: {  	[tilespmem:s19], [sflag:$0x3] =	stream.linear.gather @!p1 [hbm4b:s4+s7], $0x80, $0x38;
	[tilespmem:$0x1DA08] =	vst v63  }
0x52: {  	s19 =	simm.s32 @!p1 $0x10;
	s4 =	sadd.s32 @!p1 $0x4980, s10;
	s7 =	simm.s32 @!p1 $0xE0  }
.LBB2_2:
0x53: {  	[tilespmem:s31], [sflag:$0x1] =	stream.indirect.gather @!p1 [hbm4b:s0+s19], $0x80, s30, s19, $0xb8;
	[tilespmem:$0x1DA08] =	vst v63  }
0x54: {  	s30 =	smov.u32 s25;
	s25 =	sadd.s32 $0x140, s25;
	s31 =	smov.u32 s28  }
0x55: {  	[tilespmem:s1], [sflag:$0x1] =	stream.indirect.gather @!p1 [hbm4b:s0+s19], $0x80, s9, s19, $0xb8;
	[tilespmem:$0x1DA08] =	vst v63  }
0x56: {  	p2 =	sne.s32 s25, $0x9C40;
	s1 =	smov.u32 s29  }
0x57: {  	[tilespmem:s16], [sflag:$0x1] =	stream.indirect.gather @!p1 [hbm4b:s0+s19], $0x80, s6, s19, $0xb8;
	[tilespmem:$0x1DA08] =	vst v63  }
0x58: {  	_ = 	snop  }
0x59: {  	[tilespmem:s18], [sflag:$0x1] =	stream.indirect.gather @!p1 [hbm4b:s0+s19], $0x80, s20, s19, $0xb8;
	[tilespmem:$0x1DA08] =	vst v63  }
0x5a: {  	s6 =	sadd.s32 $0xFFFFFFFE, s29  }
0x5b: {  	s9 =	smul.u32 $0xAB, s6  }
0x5c: {  	[tilespmem:s4], [sflag:$0x1] =	stream.indirect.gather @!p1 [hbm4b:s0+s19], $0x80, s7, s19, $0xb8;
	[tilespmem:$0x1DA08] =	vst v63  }
0x5d: {  	s4 =	sshrl.u32 s9, $0x9;
	_ =	swait.ge [sflag:s21], $0x800  }
0x5e: {  	s28 =	sadd.s32 $0x10, s28;
	s4 =	sand.u32 $0x7F, s4;
	[sflag:s21] =	ssyncset.done $0x0  }
0x5f: {  	p1 =	sgt.u32 s6, $0x7A;
	s4 =	smul.u32 $0x3, s4;
	[sflag:s21] =	ssyncadd.s32 $0xFFFFF800  }
0x60: {  	s29 =	sadd.s32 $0x1, s29;
	s7 =	sand.u32 @!p1 $0x70, s31;
	_ =	swait.ge [sflag:s21], $0x800  }
0x61: {  	s4 =	ssub.s32 s6, s4;
	s6 =	smul.u32 @!p1 $0xAB, s1;
	[sflag:s21] =	ssyncset.done $0x0  }
0x62: {  	p3 =	seq.s32 @!p1 s30, $0x0;
	s4 =	sand.u32 $0xFF, s4;
	[sflag:s21] =	ssyncadd.s32 $0xFFFFF800  }
0x63: {  	s9 =	smul.u32 $0xA000, s4;
	s6 =	sshrl.u32 @!p1 s6, $0x9;
	_ =	swait.ge [sflag:s21], $0x800  }
0x64: {  	s4 =	sshll.u32 s4, $0x7;
	s6 =	sand.u32 @!p1 $0x7F, s6;
	[sflag:s21] =	ssyncset.done $0x0  }
0x65: {  	s9 =	sshrl.u32 s9, $0x2;
	s6 =	smul.u32 @!p1 $0x3, s6;
	[sflag:s21] =	ssyncadd.s32 $0xFFFFF800  }
0x66: {  	s4 =	sadd.s32 $0x2780, s4;
	s9 =	sadd.s32 $0x2980, s9;
	_ =	swait.ge [sflag:s21], $0x800  }
0x67: {  	s10 =	sand.u32 @!p1 $0xF80, s31;
	s1 =	ssub.s32 @!p1 s1, s6;
	[sflag:s21] =	ssyncset.done $0x0  }
0x68: {  	p3 =	por p3, p1;
	s1 =	sand.u32 @!p1 $0xFF, s1;
	[sflag:s21] =	ssyncadd.s32 $0xFFFFF800  }
0x69: {  	s6 =	sshll.u32 @!p1 s1, $0x7;
	s1 =	smul.u32 @!p1 $0xA000, s1;
	_ =	swait.ge [sflag:s21], $0x800  }
0x6a: {  	s11 =	sshra.s32 @!p1 s30, $0x2;
	s19 =	sadd.s32 @!p1 $0x2780, s6;
	[sflag:s21] =	ssyncset.done $0x0  }
0x6b: {  	s6 =	sadd.s32 @!p1 s10, s8;
	s10 =	sshrl.u32 @!p1 s1, $0x2;
	[sflag:s21] =	ssyncadd.s32 $0xFFFFF800  }
0x6c: {  	s31 =	sadd.s32 @!p1 $0x2980, s10;
	s1 =	sadd.s32 @!p1 $0x3180, s10;
	_ =	swait.ge [sflag:s22], $0x80  }
0x6d: {  	s7 =	sadd.s32 @!p1 s7, s6;
	s16 =	sadd.s32 @!p1 $0x3980, s10;
	[sflag:s22] =	ssyncset.done $0x0  }
0x6e: {  	s6 =	simm.s32 @!p3 $0x2;
	s18 =	sadd.s32 @!p1 $0x4180, s10;
	[sflag:s22] =	ssyncadd.s32 $0xFFFFFF80  }
0x6f: {  	[spmem:s2] =	stream.indirect.scatter.add.f32 [tilespmem:s9], [sflag:$0x2], $0x80, s4, s26, $0xb8;
	[tilespmem:$0x1DA08] =	vst v63  }
.Ltmp0:
0x70: {  	s4 =	simm.s32 @!p1 $0x0;
	_ =	swait.ge @!p3 [sflag:s6], $0x2800;
	(pc) =	sbr.rel @p2 .LBB2_2-.Ltmp0, $4  }
0x71: {  	s30 =	sadd.s32 @!p1 $0xA0, s11;
	s9 =	sadd.s32 @!p1 $0xB0, s11;
	[sflag:s6] =	ssyncset.done @!p3 $0x0  }
0x72: {  	s20 =	sadd.s32 @!p1 $0xD0, s11;
	[sflag:s6] =	ssyncadd.s32 @!p3 $0xFFFFD800;
	s6 =	sadd.s32 @!p1 $0xC0, s11  }
0x73: {  	[tilespmem:s19], [sflag:$0x3] =	stream.linear.gather @!p1 [hbm4b:s7+s4], $0x80, $0x38;
	[tilespmem:$0x1DA08] =	vst v63  }
0x74: {  	s19 =	simm.s32 @!p1 $0x10;
	s4 =	sadd.s32 @!p1 $0x4980, s10;
	s7 =	sadd.s32 @!p1 $0xE0, s11  }
0x75: {  	[tilespmem:s31], [sflag:$0x1] =	stream.indirect.gather @!p1 [hbm4b:s0+s19], $0x80, s30, s19, $0xb8;
	[tilespmem:$0x1DA08] =	vst v63  }
0x76: {  	_ = 	snop  }
0x77: {  	[tilespmem:s1], [sflag:$0x1] =	stream.indirect.gather @!p1 [hbm4b:s0+s19], $0x80, s9, s19, $0xb8;
	[tilespmem:$0x1DA08] =	vst v63  }
0x78: {  	_ = 	snop  }
0x79: {  	[tilespmem:s16], [sflag:$0x1] =	stream.indirect.gather @!p1 [hbm4b:s0+s19], $0x80, s6, s19, $0xb8;
	[tilespmem:$0x1DA08] =	vst v63  }
0x7a: {  	_ = 	snop  }
0x7b: {  	[tilespmem:s18], [sflag:$0x1] =	stream.indirect.gather @!p1 [hbm4b:s0+s19], $0x80, s20, s19, $0xb8;
	[tilespmem:$0x1DA08] =	vst v63  }
0x7c: {  	_ = 	snop  }
0x7d: {  	[tilespmem:s4], [sflag:$0x1] =	stream.indirect.gather @!p1 [hbm4b:s0+s19], $0x80, s7, s19, $0xb8;
	[tilespmem:$0x1DA08] =	vst v63  }
0x7e: {  	_ =	swait.ge [sflag:s23], $0x2800  }
0x7f: {  	[sflag:s23] =	ssyncset.done $0x0  }
0x80: {  	[sflag:s23] =	ssyncadd.s32 $0xFFFFD800  }
0x81: {  	_ =	swait.ge [sflag:s23], $0x2800  }
0x82: {  	[sflag:s23] =	ssyncset.done $0x0  }
0x83: {  	[sflag:s23] =	ssyncadd.s32 $0xFFFFD800  }
0x84: {  	_ =	swait.ge [sflag:s23], $0x2800  }
0x85: {  	[sflag:s23] =	ssyncset.done $0x0  }
0x86: {  	[sflag:s23] =	ssyncadd.s32 $0xFFFFD800  }
0x87: {  	[bflag:$0x0] =	sbarrier.arrive $0xFFFF  }
0x88: {  	s31 =	rddreg [dreg:$0x8]  }
0x89: {  	[hbm:s31], [sflag:s5] =	dma.local [spmem:s13], $0x2700  }
0x8a: {  	_ =	swait.ge [sflag:s14], $0x2700  }
0x8b: {  	s24 =	sadd.s32 $0x1, s24;
	[sflag:s14] =	ssyncset.done $0x0  }
0x8c: {  	p1 =	sne.s32 s24, s12;
	s1 =	rddreg [dreg:$0x9];
	[sflag:s14] =	ssyncadd.s32 $0xFFFFD900  }
0x8d: {  	[hbm:s1], [sflag:s5] =	dma.local @!p0 [spmem:s15], $0x100  }
.Ltmp1:
0x8e: {  	_ = 	snop;
	(pc) =	sbr.rel @p1 .LBB2_1-.Ltmp1, $4  }
0x8f: {  	s1 =	simm.s32 @!p0 $0x4  }
0x90: {  	_ =	swait.ge @!p0 [sflag:s1], $0x100  }
0x91: {  	[sflag:s1] =	ssyncset.done @!p0 $0x0  }
0x92: {  	[sflag:s1] =	ssyncadd.s32 @!p0 $0xFFFFFF00  }
0x93: {  	_ =	sfence.sel $0x180000  }
0x94: {  	[bflag:$0x0] =	sbarrier.arrive $0xFFFF  }
0x95: {  	_ =	strace $0x9000004A  }
0x96: {  	[bflag:$0x2] =	sbarrier.arrive $0xFFFF  }
0x97: {  	s0 =	rddreg [dreg:$0x3]  }
0x98: {  	s0 =	sadd.s32 @!p0 $0x100000, s0  }
0x99: {  	[sflag:s0] =	ssyncadd.tile.s32 @!p0 $0x1;
	_ =	shalt  }
.Lfunc_end2:
_tile_overlayer_lowered:
.L_overlay_start_2:
0x9a: {  	(tag) =	ssettag $0x2  }
0x9b: {  	s0 =	rddreg [dreg:$0x0];
	s2 =	stileid.u32  }
0x9c: {  	s1 =	rddreg [dreg:$0x1];
	p0 =	sne.s32 s2, $0x0  }
0x9d: {  	s3 =	rddreg [dreg:$0x2];
	[bflag:$0x3] =	sbarrier.arrive $0xFFFF;
	s2 =	simm.s32 @!p0 $0x1C04  }
0x9e: {  	[timem:s3], [sflag:s2] =	dma.local @!p0 [hbm:s0], s1  }
0x9f: {  	s0 =	simm.s32 @!p0 $0x4  }
0xa0: {  	_ =	swait.ge @!p0 [sflag:s0], s1  }
0xa1: {  	s1 =	ssub.s32 @!p0 $0x0, s1;
	[sflag:s0] =	ssyncset.done @!p0 $0x0  }
0xa2: {  	[sflag:s0] =	ssyncadd.s32 @!p0 s1  }
0xa3: {  	[bflag:$0x3] =	sbarrier.arrive $0xFFFF  }
0xa4: {  	_ =	shalt  }

// kernel: kernel.16.cloned.1.call-start
scs
__scs_entry_jumppad:
0x0: {  	(pc) =	sbr.rel $0x88, $3  }
0x1: {  	(tag) =	ssettag $0x0;
	lr =	simm.s32 $0x1  }
0x2: {  	[smem:$0x3F99] =	sst lr;
	_ =	strace $0xD0000000  }
0x3: {  	_ = 	snop  }
0x4: {  	_ = 	snop  }
0x5: {  	_ = 	snop  }
0x6: {  	_ = 	snop  }
0x7: {  	_ = 	snop  }
__scs_overlays_trampoline_lowered:
0x8: {  	[smem:$0x3FA8] =	sst s0  }
0x9: {  	[smem:$0x3FA9] =	sst s1  }
0xa: {  	[smem:$0x3FAA] =	sst s2  }
0xb: {  	[smem:$0x3FAB] =	sst s3  }
0xc: {  	[smem:$0x3FAC] =	sst s4  }
0xd: {  	[smem:$0x3FAD] =	sst s5  }
0xe: {  	[smem:$0x3FAE] =	sst s6  }
0xf: {  	[smem:$0x3FAF] =	sst s7  }
0x10: {  	[smem:$0x3FB0] =	sst s8  }
0x11: {  	[smem:$0x3FB1] =	sst s9;
	s0 =	simm.s32 @!p0 $0x0  }
0x12: {  	s1 =	sld [smem:$0x3F97];
	s0 =	simm.s32 @p0 $0x1  }
0x13: {  	[smem:$0x3FB2] =	sst s0;
	s0 =	simm.s32 @!p1 $0x0  }
0x14: {  	s2 =	sld [smem:$0x3F96];
	s0 =	simm.s32 @p1 $0x1  }
0x15: {  	[smem:$0x3FB3] =	sst s0;
	s0 =	simm.s32 @!p2 $0x0  }
0x16: {  	s3 =	sld [smem:$0x3FDB];
	s0 =	simm.s32 @p2 $0x1  }
0x17: {  	s4 =	simm.s32 $0x1BF5;
	[smem:$0x3FB5] =	sst s0  }
0x18: {  	s0 =	sld [smem:$0x3F98];
	_ =	swait.ge [sflag:s4], $0x0  }
0x19: {  	s7 =	sld [smem:$0x3F99]  }
0x1a: {  	s8 =	sadd.s32 $0xFFFFE003, lr  }
0x1b: {  	s9 =	sadd.s32 $0xFFFFFEF7, lr;
	s5 =	simm.s32 $0xFFFFFFFF;
	p2 =	slt.u32 s8, $0xFFFFF086  }
0x1c: {  	p1 =	slt.u32 s9, $0xF7A;
	s5 =	simm.s32 @!p2 $0x0  }
0x1d: {  	s5 =	simm.s32 @p1 $0x1;
	p0 =	seq.s32 s7, s2  }
0x1e: {  	s7 =	smul.u32 @!p0 $0xF7A, s2;
	p2 =	seq.s32 @!p0 s5, $0x0  }
0x1f: {  	s9 =	smul.u32 $0xF7A, s1;
	s8 =	simm.s32 @!p0 $0x1BF5;
	p2 =	por !p2, p0  }
0x20: {  	[sflag:s8] =	ssyncset.s32 @!p0 $0xFFFFF086;
	s6 =	sadd.s32 @!p0 s3, s7;
	s7 =	simm.s32 @!p0 $0x108  }
0x21: {  	s3 =	sadd.s32 s3, s9;
	s6 =	sadd.s32 @!p0 $0x88, s6;
	s7 =	simm.s32 @p2 $0x1082  }
0x22: {  	[simem:s7], [sflag:s8] =	dma.local @!p0 [hbm:s6], $0xF7A  }
0x23: {  	s9 =	sor.u32 $0xD0000000, s2;
	s6 =	simm.s32 $0x108;
	_ =	swait.ge @!p0 [sflag:s8], $0x0  }
0x24: {  	s3 =	sadd.s32 $0x88, s3;
	s6 =	simm.s32 @!p1 $0x1082;
	[sflag:s4] =	ssyncset.s32 $0xFFFFF086  }
0x25: {  	[simem:s6], [sflag:s4] =	dma.local [hbm:s3], $0xF7A  }
0x26: {  	[smem:$0x3F99] =	sst s1;
	(tag) =	ssettag s2;
	_ =	strace s9  }
0x27: {  	s1 =	sld [smem:$0x3FA9]  }
0x28: {  	s2 =	sld [smem:$0x3FAA]  }
0x29: {  	s4 =	sld [smem:$0x3FAC]  }
0x2a: {  	p0 =	seq.s32 s5, $0x0;
	s5 =	sld [smem:$0x3FAD]  }
0x2b: {  	s6 =	sld [smem:$0x3FAE]  }
0x2c: {  	s7 =	sld [smem:$0x3FAF]  }
0x2d: {  	s3 =	simm.s32 $0x108;
	s8 =	sld [smem:$0x3FB0]  }
0x2e: {  	s3 =	simm.s32 @!p0 $0x1082;
	s9 =	sld [smem:$0x3FB1]  }
0x2f: {  	lr =	sadd.s32 s0, s3;
	s0 =	sld [smem:$0x3FA8]  }
0x30: {  	s3 =	sld [smem:$0x3FAB]  }
0x31: {  	[smem:$0x3FB4] =	sst s10  }
0x32: {  	s10 =	sld [smem:$0x3FB2];
	_ =	sdelay $0x3  }
0x33: {  	p0 =	seq.s32 s10, $0x1;
	s10 =	sld [smem:$0x3FB4];
	_ =	sdelay $0x3  }
0x34: {  	[smem:$0x3FB4] =	sst s10  }
0x35: {  	s10 =	sld [smem:$0x3FB3];
	_ =	sdelay $0x3  }
0x36: {  	p1 =	seq.s32 s10, $0x1;
	s10 =	sld [smem:$0x3FB4];
	_ =	sdelay $0x3  }
0x37: {  	[smem:$0x3FB4] =	sst s10  }
0x38: {  	s10 =	sld [smem:$0x3FB5]  }
0x39: {  	_ = 	snop;
	(pc) =	sbr.ind lr, $3  }
0x3a: {  	_ = 	snop  }
0x3b: {  	_ = 	snop  }
0x3c: {  	p2 =	seq.s32 s10, $0x1;
	s10 =	sld [smem:$0x3FB4]  }
0x3d: {  	_ =	shalt  }
0x3e: {  	_ =	shalt  }
0x3f: {  	_ =	shalt  }
0x40: {  	_ =	shalt  }
0x41: {  	_ =	shalt  }
0x42: {  	_ =	shalt  }
0x43: {  	_ =	shalt  }
0x44: {  	_ =	shalt  }
0x45: {  	_ =	shalt  }
0x46: {  	_ =	shalt  }
0x47: {  	_ =	shalt  }
0x48: {  	_ =	shalt  }
0x49: {  	_ =	shalt  }
0x4a: {  	_ =	shalt  }
0x4b: {  	_ =	shalt  }
0x4c: {  	_ =	shalt  }
0x4d: {  	_ =	shalt  }
0x4e: {  	_ =	shalt  }
0x4f: {  	_ =	shalt  }
0x50: {  	_ =	shalt  }
0x51: {  	_ =	shalt  }
0x52: {  	_ =	shalt  }
0x53: {  	_ =	shalt  }
0x54: {  	_ =	shalt  }
0x55: {  	_ =	shalt  }
0x56: {  	_ =	shalt  }
0x57: {  	_ =	shalt  }
0x58: {  	_ =	shalt  }
0x59: {  	_ =	shalt  }
0x5a: {  	_ =	shalt  }
0x5b: {  	_ =	shalt  }
0x5c: {  	_ =	shalt  }
0x5d: {  	_ =	shalt  }
0x5e: {  	_ =	shalt  }
0x5f: {  	_ =	shalt  }
0x60: {  	_ =	shalt  }
0x61: {  	_ =	shalt  }
0x62: {  	_ =	shalt  }
0x63: {  	_ =	shalt  }
0x64: {  	_ =	shalt  }
0x65: {  	_ =	shalt  }
0x66: {  	_ =	shalt  }
0x67: {  	_ =	shalt  }
0x68: {  	_ =	shalt  }
0x69: {  	_ =	shalt  }
0x6a: {  	_ =	shalt  }
0x6b: {  	_ =	shalt  }
0x6c: {  	_ =	shalt  }
0x6d: {  	_ =	shalt  }
0x6e: {  	_ =	shalt  }
0x6f: {  	_ =	shalt  }
0x70: {  	_ =	shalt  }
0x71: {  	_ =	shalt  }
0x72: {  	_ =	shalt  }
0x73: {  	_ =	shalt  }
0x74: {  	_ =	shalt  }
0x75: {  	_ =	shalt  }
0x76: {  	_ =	shalt  }
0x77: {  	_ =	shalt  }
0x78: {  	_ =	shalt  }
0x79: {  	_ =	shalt  }
0x7a: {  	_ =	shalt  }
0x7b: {  	_ =	shalt  }
0x7c: {  	_ =	shalt  }
0x7d: {  	_ =	shalt  }
0x7e: {  	_ =	shalt  }
0x7f: {  	_ =	shalt  }
0x80: {  	_ =	shalt  }
0x81: {  	_ =	shalt  }
0x82: {  	_ =	shalt  }
0x83: {  	_ =	shalt  }
0x84: {  	_ =	shalt  }
0x85: {  	_ =	shalt  }
0x86: {  	_ =	shalt  }
0x87: {  	_ =	shalt  }
.Lfunc_end0:
.L_simem_size_0:
called_computation.2_lowered:
.L_overlay_start_0:
0x88: {  	s2 =	sld [smem:$0x3FD9]  }
0x89: {  	s3 =	sld [smem:$0x3FFE];
	_ =	sdelay $0x1  }
0x8a: {  	s1 =	srdreg.scid  }
0x8b: {  	s0 =	sand.u32 $0x1, s1  }
0x8c: {  	s17 =	sshll.u32 s0, $0xA;
	s2 =	sadd.s32 s3, s2  }
0x8d: {  	s2 =	sadd.s32 s2, s17  }
0x8e: {  	[smem:$0x3FC0] =	sst s2  }
0x8f: {  	_ = 	snop  }
0x90: {  	s2 =	sld [smem:$0x3FD0];
	(tm) =	ssettm $0x1  }
0x91: {  	s18 =	sld [smem:$0x3FFB];
	_ =	sdelay $0x3  }
0x92: {  	_ =	strace s18  }
0x93: {  	s3 =	sld [smem:$0x3FFC];
	_ =	sdelay $0x3  }
0x94: {  	_ =	strace s3  }
0x95: {  	s3 =	sld [smem:$0x3FFD];
	_ =	sdelay $0x3  }
0x96: {  	_ =	strace s3  }
0x97: {  	_ =	strace $0x8FFFFFFF  }
0x98: {  	s19 =	sld [smem:$0x3FDB];
	_ =	sdelay $0x1  }
0x99: {  	s4 =	simm.s32 $_scs_section_size  }
0x9a: {  	s5 =	simm.s32 $_size__tile_overlayer_lowered;
	s6 =	simm.s32 $_tile_overlayer_lowered  }
0x9b: {  	s22 =	simm.s32 $0x1BFF;
	s21 =	sshll.u32 s6, $0x1;
	s3 =	sadd.s32 s4, s19  }
0x9c: {  	s7 =	simm.s32 $0x0;
	s20 =	sshll.u32 s5, $0x1;
	s5 =	sadd.s32 s21, s3  }
0x9d: {  	[timem:s7], [sflag:s22] =	dma.local [hbm:s5], s20  }
0x9e: {  	_ =	swait.ge [sflag:s22], s20  }
0x9f: {  	s4 =	ssub.s32 $0x0, s20;
	[sflag:s22] =	ssyncset.done $0x0  }
0xa0: {  	[sflag:s22] =	ssyncadd.s32 s4;
	_ =	sdelay $0x1  }
0xa1: {  	s23 =	simm.s32 $0x1B8B  }
0xa2: {  	_ =	swait.ge [sflag:s23], $0x1  }
0xa3: {  	[sflag:s23] =	ssyncset.done $0x0  }
0xa4: {  	s25 =	simm.s32 $0x1B8E;
	s24 =	sld [smem:$0x3FFE];
	[sflag:s23] =	ssyncadd.s32 $0xFFFFFFFF  }
0xa5: {  	s26 =	simm.s32 $execute0_lowered;
	[smem:$0x3FD2] =	sst s25  }
0xa6: {  	s5 =	sshll.u32 s26, $0x1;
	_ =	strace $0x8000004C;
	[dreg:$0x1] =	wrdreg $0xFFFFFFFF  }
0xa7: {  	s28 =	simm.s32 $_size_execute0_lowered;
	s3 =	sadd.s32 s3, s5;
	[dreg:$0x0] =	wrdreg $0x0  }
0xa8: {  	s5 =	sshll.u32 s28, $0x1;
	[dreg:$0x2] =	wrdreg s3  }
0xa9: {  	[dreg:$0x3] =	wrdreg s5  }
0xaa: {  	[dreg:$0x4] =	wrdreg $0xC0  }
0xab: {  	_ =	task [dreg:s7], $0x5FFFF  }
0xac: {  	[dreg:$0x1] =	wrdreg $0xFFFFFFFF  }
0xad: {  	[dreg:$0x0] =	wrdreg $0x60  }
0xae: {  	[dreg:$0x2] =	wrdreg s2  }
0xaf: {  	[dreg:$0x3] =	wrdreg s24  }
0xb0: {  	[dreg:$0x4] =	wrdreg $0xA1800  }
0xb1: {  	[dreg:$0x5] =	wrdreg $0x9  }
0xb2: {  	_ =	task.clear_ibuf [dreg:s7], $0x6FFFF;
	_ =	strace $0x9000004C  }
0xb3: {  	s29 =	simm.s32 $0x9;
	_ =	strace $0x8000004E  }
0xb4: {  	_ =	swait.ge [sflag:s29], $0x1  }
0xb5: {  	[sflag:s29] =	ssyncadd.s32 $0xFFFFFFFF  }
0xb6: {  	_ =	strace $0x9000004E  }
0xb7: {  	_ =	sfence  }
0xb8: {  	s30 =	sld [smem:$0x0];
	_ =	sdelay $0x2  }
0xb9: {  	s31 =	sshll.u32 s1, $0xD;
	s1 =	sshrl.u32 s1, $0x2  }
0xba: {  	s3 =	sand.u32 $0x4000, s31;
	s1 =	sadd.s32 s1, s30  }
0xbb: {  	s0 =	sor.u32 s3, s0;
	s1 =	sshll.u32 s1, $0x11  }
0xbc: {  	s0 =	sor.u32 s1, s0  }
0xbd: {  	s0 =	sadd.s32 $0x8F2B, s0  }
0xbe: {  	[sflag:s0] =	ssyncadd.remote.s32 $0x1  }
0xbf: {  	_ =	sfence.sel $0xFFFF  }
0xc0: {  	[dreg:$0x0] =	wrdreg $0xFFFFFFFF;
	(pc) =	sbr.abs _section_cstart, $3  }
0xc1: {  	[dreg:$0x1] =	wrdreg $0xFFFFFFFF  }
0xc2: {  	_ =	task.clear_ibuf [dreg:s7], $0x2FFFF;
	_ =	strace $0x9FFFFFFF  }
0xc3: {  	(tm) =	ssettm $0x7FFFFFFF  }
tec
execute0_lowered:
.L_overlay_start_1:
0x0: {  	(tag) =	ssettag $0x1  }
0x1: {  	s0 =	rddreg [dreg:$0x0]  }
0x2: {  	s1 =	srdreg.scid;
	s4 =	rddreg [dreg:$0x1]  }
0x3: {  	s6 =	stileid.u32;
	s2 =	rddreg [dreg:$0x2];
	s17 =	simm.s32 $0x10  }
0x4: {  	s21 =	simm.s32 $0x1;
	s22 =	simm.s32 $0x3;
	s8 =	smul.u32 $0x13800, s6  }
0x5: {  	s23 =	simm.s32 $0x2;
	s1 =	sand.u32 $0x1, s1;
	s11 =	smul.u32 $0x4E000, s6  }
0x6: {  	s13 =	sadd.s32 $0x43E00, s4;
	s28 =	sshll.u32 s6, $0x6;
	s15 =	sadd.s32 $0x138000, s2  }
0x7: {  	p0 =	sne.s32 s6, $0x0;
	s3 =	sshll.u32 s1, $0x4;
	s10 =	ssub.s32 $0x2, s1  }
0x8: {  	s1 =	smul.u32 $0x138800, s1;
	s15 =	sshrl.u32 @!p0 s15, $0x3;
	s5 =	sor.u32 s6, s3  }
0x9: {  	s3 =	simm.s32 $0x0;
	s9 =	sshrl.u32 s8, $0x3;
	s25 =	sshrl.u32 s10, $0x1  }
0xa: {  	s26 =	sshrl.u32 s11, $0x2;
	s7 =	smul.u32 $0x4E2, s5;
	[smem:$0x7FF] =	sst s3  }
0xb: {  	s5 =	sshll.u32 s5, $0xB;
	s24 =	sadd.s32 s9, s4;
	s9 =	ssub.s32 s10, s25  }
0xc: {  	s14 =	sadd.s32 s26, s2;
	s30 =	sadd.s32 s8, s1;
	s1 =	sshrl.u32 s1, $0x3  }
0xd: {  	s26 =	simm.s32 $0x50;
	_ =	strace $0x8000004D;
	s12 =	sadd.s32 s5, s4  }
0xe: {  	s5 =	sadd.s32 $0x1CC00, s24;
	s1 =	sadd.s32 s13, s1;
	s24 =	simm.s32 $0x0  }
0xf: {  	s7 =	sadd.s32 s7, s4;
	[dreg:$0x4] =	wrdreg s5;
	s4 =	sadd.s32 $0x43C00, s4  }
0x10: {  	s5 =	sor.u32 $0x1C04, s28;
	s31 =	sadd.s32 $0xCC10, s12;
	[dreg:$0x5] =	wrdreg s4  }
0x11: {  	s8 =	sadd.s32 $0xCC00, s12;
	s1 =	sadd.s32 $0x27000, s1;
	[dreg:$0x7] =	wrdreg s31  }
0x12: {  	s29 =	sadd.s32 $0x2E00, s7;
	s4 =	sshrl.u32 s30, $0x3;
	[dreg:$0x9] =	wrdreg s1  }
0x13: {  	s12 =	smax.u32 s9, $0x1;
	[dreg:$0x6] =	wrdreg s29;
	s4 =	sadd.s32 s13, s4  }
0x14: {  	s13 =	sshrl.u32 s14, $0x3;
	s14 =	simm.s32 $0x4;
	[dreg:$0x8] =	wrdreg s4  }
.LBB2_1:
0x15: {  	s1 =	rddreg [dreg:$0x4]  }
0x16: {  	[spmem:s13], [sflag:s5] =	dma.local [hbm:s1], $0x2700  }
0x17: {  	_ =	swait.ge [sflag:s14], $0x2700  }
0x18: {  	[sflag:s14] =	ssyncset.done $0x0  }
0x19: {  	s1 =	rddreg [dreg:$0x5];
	[sflag:s14] =	ssyncadd.s32 $0xFFFFD900  }
0x1a: {  	[spmem:s15], [sflag:s5] =	dma.local @!p0 [hbm:s1], $0x100  }
0x1b: {  	s1 =	simm.s32 @!p0 $0x4  }
0x1c: {  	_ =	swait.ge @!p0 [sflag:s1], $0x100  }
0x1d: {  	[sflag:s1] =	ssyncset.done @!p0 $0x0  }
0x1e: {  	s7 =	rddreg [dreg:$0x6];
	[sflag:s1] =	ssyncadd.s32 @!p0 $0xFFFFFF00  }
0x1f: {  	[tilespmem:s3], [sflag:$0x4] =	stream.linear.gather [hbm4b:s7+s3], $0x2710, $0x38;
	[tilespmem:$0x1DA08] =	vst v63  }
0x20: {  	_ =	swait.ge [sflag:s14], $0x2710  }
0x21: {  	[sflag:s14] =	ssyncset.done $0x0  }
0x22: {  	[sflag:s14] =	ssyncadd.s32 $0xFFFFD8F0  }
0x23: {  	s9 =	simm.s32 $0x2780;
	[bflag:$0x0] =	sbarrier.arrive $0xFFFF  }
0x24: {  	[tilespmem:s9], [sflag:$0x3] =	stream.linear.gather [hbm4b:s8+s3], $0x80, $0x38;
	[tilespmem:$0x1DA08] =	vst v63  }
0x25: {  	s10 =	simm.s32 $0x2980  }
0x26: {  	[tilespmem:s10], [sflag:$0x1] =	stream.indirect.gather [hbm4b:s0+s17], $0x80, s3, s17, $0xb8;
	[tilespmem:$0x1DA08] =	vst v63  }
0x27: {  	s11 =	simm.s32 $0x3180  }
0x28: {  	[tilespmem:s11], [sflag:$0x1] =	stream.indirect.gather [hbm4b:s0+s17], $0x80, s17, s17, $0xb8;
	[tilespmem:$0x1DA08] =	vst v63  }
0x29: {  	s4 =	simm.s32 $0x3980;
	s1 =	simm.s32 $0x20  }
0x2a: {  	[tilespmem:s4], [sflag:$0x1] =	stream.indirect.gather [hbm4b:s0+s17], $0x80, s1, s17, $0xb8;
	[tilespmem:$0x1DA08] =	vst v63  }
0x2b: {  	s16 =	simm.s32 $0x30;
	s6 =	simm.s32 $0x4180  }
0x2c: {  	[tilespmem:s6], [sflag:$0x1] =	stream.indirect.gather [hbm4b:s0+s17], $0x80, s16, s17, $0xb8;
	[tilespmem:$0x1DA08] =	vst v63  }
0x2d: {  	s18 =	simm.s32 $0x40;
	s19 =	simm.s32 $0x4980  }
0x2e: {  	[tilespmem:s19], [sflag:$0x1] =	stream.indirect.gather [hbm4b:s0+s17], $0x80, s18, s17, $0xb8;
	[tilespmem:$0x1DA08] =	vst v63  }
0x2f: {  	s25 =	simm.s32 $0x2800;
	s20 =	rddreg [dreg:$0x7]  }
0x30: {  	[tilespmem:s25], [sflag:$0x3] =	stream.linear.gather [hbm4b:s20+s3], $0x80, $0x38;
	[tilespmem:$0x1DA08] =	vst v63  }
0x31: {  	s6 =	simm.s32 $0x5180  }
0x32: {  	[tilespmem:s6], [sflag:$0x1] =	stream.indirect.gather [hbm4b:s0+s17], $0x80, s26, s17, $0xb8;
	[tilespmem:$0x1DA08] =	vst v63  }
0x33: {  	s7 =	simm.s32 $0x60;
	s9 =	simm.s32 $0x5980  }
0x34: {  	[tilespmem:s9], [sflag:$0x1] =	stream.indirect.gather [hbm4b:s0+s17], $0x80, s7, s17, $0xb8;
	[tilespmem:$0x1DA08] =	vst v63  }
0x35: {  	s10 =	simm.s32 $0x70;
	s11 =	simm.s32 $0x6180  }
0x36: {  	[tilespmem:s11], [sflag:$0x1] =	stream.indirect.gather [hbm4b:s0+s17], $0x80, s10, s17, $0xb8;
	[tilespmem:$0x1DA08] =	vst v63  }
0x37: {  	s16 =	simm.s32 $0x80;
	s18 =	simm.s32 $0x6980  }
0x38: {  	[tilespmem:s18], [sflag:$0x1] =	stream.indirect.gather [hbm4b:s0+s17], $0x80, s16, s17, $0xb8;
	[tilespmem:$0x1DA08] =	vst v63  }
0x39: {  	s19 =	simm.s32 $0x90;
	s20 =	simm.s32 $0x7180  }
0x3a: {  	[tilespmem:s20], [sflag:$0x1] =	stream.indirect.gather [hbm4b:s0+s17], $0x80, s19, s17, $0xb8;
	[tilespmem:$0x1DA08] =	vst v63  }
0x3b: {  	s28 =	simm.s32 $0x30;
	p1 =	por $0x0, $0x0;
	_ =	swait.ge [sflag:s21], $0x800  }
0x3c: {  	s29 =	simm.s32 $0x3;
	s25 =	simm.s32 $0x0;
	[sflag:s21] =	ssyncset.done $0x0  }
0x3d: {  	p2 =	por @!p1 $0x1, $0x1;
	s4 =	smul.u32 $0xAB, s25;
	[sflag:s21] =	ssyncadd.s32 $0xFFFFF800  }
0x3e: {  	s30 =	simm.s32 @!p1 $0xA0;
	p2 =	por p2, p1;
	_ =	swait.ge [sflag:s21], $0x800  }
0x3f: {  	s6 =	smul.u32 @!p1 $0xAB, s23;
	s4 =	sshrl.u32 s4, $0x9;
	[sflag:s21] =	ssyncset.done $0x0  }
0x40: {  	s25 =	simm.s32 $0x140;
	s4 =	sand.u32 $0x7F, s4;
	[sflag:s21] =	ssyncadd.s32 $0xFFFFF800  }
0x41: {  	s6 =	sshrl.u32 @!p1 s6, $0x9;
	s4 =	smul.u32 $0x3, s4;
	_ =	swait.ge [sflag:s21], $0x800  }
0x42: {  	s7 =	sand.u32 @!p1 $0x70, s1;
	s6 =	sand.u32 @!p1 $0x7F, s6;
	[sflag:s21] =	ssyncset.done $0x0  }
0x43: {  	s6 =	smul.u32 @!p1 $0x3, s6;
	s4 =	ssub.s32 $0x0, s4;
	[sflag:s21] =	ssyncadd.s32 $0xFFFFF800  }
0x44: {  	s1 =	sand.u32 @!p1 $0xF80, s1;
	s4 =	sand.u32 $0xFF, s4;
	_ =	swait.ge [sflag:s21], $0x800  }
0x45: {  	s6 =	ssub.s32 @!p1 $0x2, s6;
	s9 =	smul.u32 $0xA000, s4;
	[sflag:s21] =	ssyncset.done $0x0  }
0x46: {  	s4 =	sshll.u32 s4, $0x7;
	s6 =	sand.u32 @!p1 $0xFF, s6;
	[sflag:s21] =	ssyncadd.s32 $0xFFFFF800  }
0x47: {  	s4 =	sadd.s32 $0x2780, s4;
	s16 =	sshll.u32 @!p1 s6, $0x7;
	_ =	swait.ge [sflag:s21], $0x800  }
0x48: {  	s6 =	smul.u32 @!p1 $0xA000, s6;
	s20 =	simm.s32 @!p1 $0xD0;
	[sflag:s21] =	ssyncset.done $0x0  }
0x49: {  	s9 =	sshrl.u32 s9, $0x2;
	s19 =	sadd.s32 @!p1 $0x2780, s16;
	[sflag:s21] =	ssyncadd.s32 $0xFFFFF800  }
0x4a: {  	s16 =	sadd.s32 @!p1 s1, s8;
	s9 =	sadd.s32 $0x2980, s9;
	_ =	swait.ge [sflag:s22], $0x80  }
0x4b: {  	s10 =	sshrl.u32 @!p1 s6, $0x2;
	s6 =	simm.s32 @!p2 $0x2;
	[sflag:s22] =	ssyncset.done $0x0  }
0x4c: {  	s31 =	sadd.s32 @!p1 $0x2980, s10;
	s1 =	sadd.s32 @!p1 $0x3180, s10;
	[sflag:s22] =	ssyncadd.s32 $0xFFFFFF80  }
0x4d: {  	[spmem:s2] =	stream.indirect.scatter.add.f32 [tilespmem:s9], [sflag:$0x2], $0x80, s4, s26, $0xb8;
	[tilespmem:$0x1DA08] =	vst v63  }
0x4e: {  	s18 =	sadd.s32 @!p1 $0x4180, s10;
	s4 =	sadd.s32 @!p1 s7, s16;
	_ =	swait.ge @!p2 [sflag:s6], $0x2800  }
0x4f: {  	s16 =	sadd.s32 @!p1 $0x3980, s10;
	s7 =	simm.s32 @!p1 $0x0;
	[sflag:s6] =	ssyncset.done @!p2 $0x0  }
0x50: {  	s9 =	simm.s32 @!p1 $0xB0;
	[sflag:s6] =	ssyncadd.s32 @!p2 $0xFFFFD800;
	s6 =	simm.s32 @!p1 $0xC0  }
0x51: {  	[tilespmem:s19], [sflag:$0x3] =	stream.linear.gather @!p1 [hbm4b:s4+s7], $0x80, $0x38;
	[tilespmem:$0x1DA08] =	vst v63  }
0x52: {  	s19 =	simm.s32 @!p1 $0x10;
	s4 =	sadd.s32 @!p1 $0x4980, s10;
	s7 =	simm.s32 @!p1 $0xE0  }
.LBB2_2:
0x53: {  	[tilespmem:s31], [sflag:$0x1] =	stream.indirect.gather @!p1 [hbm4b:s0+s19], $0x80, s30, s19, $0xb8;
	[tilespmem:$0x1DA08] =	vst v63  }
0x54: {  	s30 =	smov.u32 s25;
	s25 =	sadd.s32 $0x140, s25;
	s31 =	smov.u32 s28  }
0x55: {  	[tilespmem:s1], [sflag:$0x1] =	stream.indirect.gather @!p1 [hbm4b:s0+s19], $0x80, s9, s19, $0xb8;
	[tilespmem:$0x1DA08] =	vst v63  }
0x56: {  	p2 =	sne.s32 s25, $0x9C40;
	s1 =	smov.u32 s29  }
0x57: {  	[tilespmem:s16], [sflag:$0x1] =	stream.indirect.gather @!p1 [hbm4b:s0+s19], $0x80, s6, s19, $0xb8;
	[tilespmem:$0x1DA08] =	vst v63  }
0x58: {  	_ = 	snop  }
0x59: {  	[tilespmem:s18], [sflag:$0x1] =	stream.indirect.gather @!p1 [hbm4b:s0+s19], $0x80, s20, s19, $0xb8;
	[tilespmem:$0x1DA08] =	vst v63  }
0x5a: {  	s6 =	sadd.s32 $0xFFFFFFFE, s29  }
0x5b: {  	s9 =	smul.u32 $0xAB, s6  }
0x5c: {  	[tilespmem:s4], [sflag:$0x1] =	stream.indirect.gather @!p1 [hbm4b:s0+s19], $0x80, s7, s19, $0xb8;
	[tilespmem:$0x1DA08] =	vst v63  }
0x5d: {  	s4 =	sshrl.u32 s9, $0x9;
	_ =	swait.ge [sflag:s21], $0x800  }
0x5e: {  	s28 =	sadd.s32 $0x10, s28;
	s4 =	sand.u32 $0x7F, s4;
	[sflag:s21] =	ssyncset.done $0x0  }
0x5f: {  	p1 =	sgt.u32 s6, $0x7A;
	s4 =	smul.u32 $0x3, s4;
	[sflag:s21] =	ssyncadd.s32 $0xFFFFF800  }
0x60: {  	s29 =	sadd.s32 $0x1, s29;
	s7 =	sand.u32 @!p1 $0x70, s31;
	_ =	swait.ge [sflag:s21], $0x800  }
0x61: {  	s4 =	ssub.s32 s6, s4;
	s6 =	smul.u32 @!p1 $0xAB, s1;
	[sflag:s21] =	ssyncset.done $0x0  }
0x62: {  	p3 =	seq.s32 @!p1 s30, $0x0;
	s4 =	sand.u32 $0xFF, s4;
	[sflag:s21] =	ssyncadd.s32 $0xFFFFF800  }
0x63: {  	s9 =	smul.u32 $0xA000, s4;
	s6 =	sshrl.u32 @!p1 s6, $0x9;
	_ =	swait.ge [sflag:s21], $0x800  }
0x64: {  	s4 =	sshll.u32 s4, $0x7;
	s6 =	sand.u32 @!p1 $0x7F, s6;
	[sflag:s21] =	ssyncset.done $0x0  }
0x65: {  	s9 =	sshrl.u32 s9, $0x2;
	s6 =	smul.u32 @!p1 $0x3, s6;
	[sflag:s21] =	ssyncadd.s32 $0xFFFFF800  }
0x66: {  	s4 =	sadd.s32 $0x2780, s4;
	s9 =	sadd.s32 $0x2980, s9;
	_ =	swait.ge [sflag:s21], $0x800  }
0x67: {  	s10 =	sand.u32 @!p1 $0xF80, s31;
	s1 =	ssub.s32 @!p1 s1, s6;
	[sflag:s21] =	ssyncset.done $0x0  }
0x68: {  	p3 =	por p3, p1;
	s1 =	sand.u32 @!p1 $0xFF, s1;
	[sflag:s21] =	ssyncadd.s32 $0xFFFFF800  }
0x69: {  	s6 =	sshll.u32 @!p1 s1, $0x7;
	s1 =	smul.u32 @!p1 $0xA000, s1;
	_ =	swait.ge [sflag:s21], $0x800  }
0x6a: {  	s11 =	sshra.s32 @!p1 s30, $0x2;
	s19 =	sadd.s32 @!p1 $0x2780, s6;
	[sflag:s21] =	ssyncset.done $0x0  }
0x6b: {  	s6 =	sadd.s32 @!p1 s10, s8;
	s10 =	sshrl.u32 @!p1 s1, $0x2;
	[sflag:s21] =	ssyncadd.s32 $0xFFFFF800  }
0x6c: {  	s31 =	sadd.s32 @!p1 $0x2980, s10;
	s1 =	sadd.s32 @!p1 $0x3180, s10;
	_ =	swait.ge [sflag:s22], $0x80  }
0x6d: {  	s7 =	sadd.s32 @!p1 s7, s6;
	s16 =	sadd.s32 @!p1 $0x3980, s10;
	[sflag:s22] =	ssyncset.done $0x0  }
0x6e: {  	s6 =	simm.s32 @!p3 $0x2;
	s18 =	sadd.s32 @!p1 $0x4180, s10;
	[sflag:s22] =	ssyncadd.s32 $0xFFFFFF80  }
0x6f: {  	[spmem:s2] =	stream.indirect.scatter.add.f32 [tilespmem:s9], [sflag:$0x2], $0x80, s4, s26, $0xb8;
	[tilespmem:$0x1DA08] =	vst v63  }
.Ltmp0:
0x70: {  	s4 =	simm.s32 @!p1 $0x0;
	_ =	swait.ge @!p3 [sflag:s6], $0x2800;
	(pc) =	sbr.rel @p2 .LBB2_2-.Ltmp0, $4  }
0x71: {  	s30 =	sadd.s32 @!p1 $0xA0, s11;
	s9 =	sadd.s32 @!p1 $0xB0, s11;
	[sflag:s6] =	ssyncset.done @!p3 $0x0  }
0x72: {  	s20 =	sadd.s32 @!p1 $0xD0, s11;
	[sflag:s6] =	ssyncadd.s32 @!p3 $0xFFFFD800;
	s6 =	sadd.s32 @!p1 $0xC0, s11  }
0x73: {  	[tilespmem:s19], [sflag:$0x3] =	stream.linear.gather @!p1 [hbm4b:s7+s4], $0x80, $0x38;
	[tilespmem:$0x1DA08] =	vst v63  }
0x74: {  	s19 =	simm.s32 @!p1 $0x10;
	s4 =	sadd.s32 @!p1 $0x4980, s10;
	s7 =	sadd.s32 @!p1 $0xE0, s11  }
0x75: {  	[tilespmem:s31], [sflag:$0x1] =	stream.indirect.gather @!p1 [hbm4b:s0+s19], $0x80, s30, s19, $0xb8;
	[tilespmem:$0x1DA08] =	vst v63  }
0x76: {  	_ = 	snop  }
0x77: {  	[tilespmem:s1], [sflag:$0x1] =	stream.indirect.gather @!p1 [hbm4b:s0+s19], $0x80, s9, s19, $0xb8;
	[tilespmem:$0x1DA08] =	vst v63  }
0x78: {  	_ = 	snop  }
0x79: {  	[tilespmem:s16], [sflag:$0x1] =	stream.indirect.gather @!p1 [hbm4b:s0+s19], $0x80, s6, s19, $0xb8;
	[tilespmem:$0x1DA08] =	vst v63  }
0x7a: {  	_ = 	snop  }
0x7b: {  	[tilespmem:s18], [sflag:$0x1] =	stream.indirect.gather @!p1 [hbm4b:s0+s19], $0x80, s20, s19, $0xb8;
	[tilespmem:$0x1DA08] =	vst v63  }
0x7c: {  	_ = 	snop  }
0x7d: {  	[tilespmem:s4], [sflag:$0x1] =	stream.indirect.gather @!p1 [hbm4b:s0+s19], $0x80, s7, s19, $0xb8;
	[tilespmem:$0x1DA08] =	vst v63  }
0x7e: {  	_ =	swait.ge [sflag:s23], $0x2800  }
0x7f: {  	[sflag:s23] =	ssyncset.done $0x0  }
0x80: {  	[sflag:s23] =	ssyncadd.s32 $0xFFFFD800  }
0x81: {  	_ =	swait.ge [sflag:s23], $0x2800  }
0x82: {  	[sflag:s23] =	ssyncset.done $0x0  }
0x83: {  	[sflag:s23] =	ssyncadd.s32 $0xFFFFD800  }
0x84: {  	_ =	swait.ge [sflag:s23], $0x2800  }
0x85: {  	[sflag:s23] =	ssyncset.done $0x0  }
0x86: {  	[sflag:s23] =	ssyncadd.s32 $0xFFFFD800  }
0x87: {  	[bflag:$0x0] =	sbarrier.arrive $0xFFFF  }
0x88: {  	s31 =	rddreg [dreg:$0x8]  }
0x89: {  	[hbm:s31], [sflag:s5] =	dma.local [spmem:s13], $0x2700  }
0x8a: {  	_ =	swait.ge [sflag:s14], $0x2700  }
0x8b: {  	s24 =	sadd.s32 $0x1, s24;
	[sflag:s14] =	ssyncset.done $0x0  }
0x8c: {  	p1 =	sne.s32 s24, s12;
	s1 =	rddreg [dreg:$0x9];
	[sflag:s14] =	ssyncadd.s32 $0xFFFFD900  }
0x8d: {  	[hbm:s1], [sflag:s5] =	dma.local @!p0 [spmem:s15], $0x100  }
.Ltmp1:
0x8e: {  	_ = 	snop;
	(pc) =	sbr.rel @p1 .LBB2_1-.Ltmp1, $4  }
0x8f: {  	s1 =	simm.s32 @!p0 $0x4  }
0x90: {  	_ =	swait.ge @!p0 [sflag:s1], $0x100  }
0x91: {  	[sflag:s1] =	ssyncset.done @!p0 $0x0  }
0x92: {  	[sflag:s1] =	ssyncadd.s32 @!p0 $0xFFFFFF00  }
0x93: {  	_ =	sfence.sel $0x180000  }
0x94: {  	[bflag:$0x0] =	sbarrier.arrive $0xFFFF  }
0x95: {  	_ =	strace $0x9000004D  }
0x96: {  	[bflag:$0x2] =	sbarrier.arrive $0xFFFF  }
0x97: {  	s0 =	rddreg [dreg:$0x3]  }
0x98: {  	s0 =	sadd.s32 @!p0 $0x100000, s0  }
0x99: {  	[sflag:s0] =	ssyncadd.tile.s32 @!p0 $0x1;
	_ =	shalt  }
.Lfunc_end2:
_tile_overlayer_lowered:
.L_overlay_start_2:
0x9a: {  	(tag) =	ssettag $0x2  }
0x9b: {  	s0 =	rddreg [dreg:$0x0];
	s2 =	stileid.u32  }
0x9c: {  	s1 =	rddreg [dreg:$0x1];
	p0 =	sne.s32 s2, $0x0  }
0x9d: {  	s3 =	rddreg [dreg:$0x2];
	[bflag:$0x3] =	sbarrier.arrive $0xFFFF;
	s2 =	simm.s32 @!p0 $0x1C04  }
0x9e: {  	[timem:s3], [sflag:s2] =	dma.local @!p0 [hbm:s0], s1  }
0x9f: {  	s0 =	simm.s32 @!p0 $0x4  }
0xa0: {  	_ =	swait.ge @!p0 [sflag:s0], s1  }
0xa1: {  	s1 =	ssub.s32 @!p0 $0x0, s1;
	[sflag:s0] =	ssyncset.done @!p0 $0x0  }
0xa2: {  	[sflag:s0] =	ssyncadd.s32 @!p0 s1  }
0xa3: {  	[bflag:$0x3] =	sbarrier.arrive $0xFFFF  }
0xa4: {  	_ =	shalt  }

// kernel: kernel.19.cloned.1.call-start
scs
__scs_entry_jumppad:
0x0: {  	(pc) =	sbr.rel $0x88, $3  }
0x1: {  	(tag) =	ssettag $0x0;
	lr =	simm.s32 $0x1  }
0x2: {  	[smem:$0x3F99] =	sst lr;
	_ =	strace $0xD0000000  }
0x3: {  	_ = 	snop  }
0x4: {  	_ = 	snop  }
0x5: {  	_ = 	snop  }
0x6: {  	_ = 	snop  }
0x7: {  	_ = 	snop  }
__scs_overlays_trampoline_lowered:
0x8: {  	[smem:$0x3FA8] =	sst s0  }
0x9: {  	[smem:$0x3FA9] =	sst s1  }
0xa: {  	[smem:$0x3FAA] =	sst s2  }
0xb: {  	[smem:$0x3FAB] =	sst s3  }
0xc: {  	[smem:$0x3FAC] =	sst s4  }
0xd: {  	[smem:$0x3FAD] =	sst s5  }
0xe: {  	[smem:$0x3FAE] =	sst s6  }
0xf: {  	[smem:$0x3FAF] =	sst s7  }
0x10: {  	[smem:$0x3FB0] =	sst s8  }
0x11: {  	[smem:$0x3FB1] =	sst s9;
	s0 =	simm.s32 @!p0 $0x0  }
0x12: {  	s1 =	sld [smem:$0x3F97];
	s0 =	simm.s32 @p0 $0x1  }
0x13: {  	[smem:$0x3FB2] =	sst s0;
	s0 =	simm.s32 @!p1 $0x0  }
0x14: {  	s2 =	sld [smem:$0x3F96];
	s0 =	simm.s32 @p1 $0x1  }
0x15: {  	[smem:$0x3FB3] =	sst s0;
	s0 =	simm.s32 @!p2 $0x0  }
0x16: {  	s3 =	sld [smem:$0x3FDB];
	s0 =	simm.s32 @p2 $0x1  }
0x17: {  	s4 =	simm.s32 $0x1BF5;
	[smem:$0x3FB5] =	sst s0  }
0x18: {  	s0 =	sld [smem:$0x3F98];
	_ =	swait.ge [sflag:s4], $0x0  }
0x19: {  	s7 =	sld [smem:$0x3F99]  }
0x1a: {  	s8 =	sadd.s32 $0xFFFFE003, lr  }
0x1b: {  	s9 =	sadd.s32 $0xFFFFFEF7, lr;
	s5 =	simm.s32 $0xFFFFFFFF;
	p2 =	slt.u32 s8, $0xFFFFF086  }
0x1c: {  	p1 =	slt.u32 s9, $0xF7A;
	s5 =	simm.s32 @!p2 $0x0  }
0x1d: {  	s5 =	simm.s32 @p1 $0x1;
	p0 =	seq.s32 s7, s2  }
0x1e: {  	s7 =	smul.u32 @!p0 $0xF7A, s2;
	p2 =	seq.s32 @!p0 s5, $0x0  }
0x1f: {  	s9 =	smul.u32 $0xF7A, s1;
	s8 =	simm.s32 @!p0 $0x1BF5;
	p2 =	por !p2, p0  }
0x20: {  	[sflag:s8] =	ssyncset.s32 @!p0 $0xFFFFF086;
	s6 =	sadd.s32 @!p0 s3, s7;
	s7 =	simm.s32 @!p0 $0x108  }
0x21: {  	s3 =	sadd.s32 s3, s9;
	s6 =	sadd.s32 @!p0 $0x88, s6;
	s7 =	simm.s32 @p2 $0x1082  }
0x22: {  	[simem:s7], [sflag:s8] =	dma.local @!p0 [hbm:s6], $0xF7A  }
0x23: {  	s9 =	sor.u32 $0xD0000000, s2;
	s6 =	simm.s32 $0x108;
	_ =	swait.ge @!p0 [sflag:s8], $0x0  }
0x24: {  	s3 =	sadd.s32 $0x88, s3;
	s6 =	simm.s32 @!p1 $0x1082;
	[sflag:s4] =	ssyncset.s32 $0xFFFFF086  }
0x25: {  	[simem:s6], [sflag:s4] =	dma.local [hbm:s3], $0xF7A  }
0x26: {  	[smem:$0x3F99] =	sst s1;
	(tag) =	ssettag s2;
	_ =	strace s9  }
0x27: {  	s1 =	sld [smem:$0x3FA9]  }
0x28: {  	s2 =	sld [smem:$0x3FAA]  }
0x29: {  	s4 =	sld [smem:$0x3FAC]  }
0x2a: {  	p0 =	seq.s32 s5, $0x0;
	s5 =	sld [smem:$0x3FAD]  }
0x2b: {  	s6 =	sld [smem:$0x3FAE]  }
0x2c: {  	s7 =	sld [smem:$0x3FAF]  }
0x2d: {  	s3 =	simm.s32 $0x108;
	s8 =	sld [smem:$0x3FB0]  }
0x2e: {  	s3 =	simm.s32 @!p0 $0x1082;
	s9 =	sld [smem:$0x3FB1]  }
0x2f: {  	lr =	sadd.s32 s0, s3;
	s0 =	sld [smem:$0x3FA8]  }
0x30: {  	s3 =	sld [smem:$0x3FAB]  }
0x31: {  	[smem:$0x3FB4] =	sst s10  }
0x32: {  	s10 =	sld [smem:$0x3FB2];
	_ =	sdelay $0x3  }
0x33: {  	p0 =	seq.s32 s10, $0x1;
	s10 =	sld [smem:$0x3FB4];
	_ =	sdelay $0x3  }
0x34: {  	[smem:$0x3FB4] =	sst s10  }
0x35: {  	s10 =	sld [smem:$0x3FB3];
	_ =	sdelay $0x3  }
0x36: {  	p1 =	seq.s32 s10, $0x1;
	s10 =	sld [smem:$0x3FB4];
	_ =	sdelay $0x3  }
0x37: {  	[smem:$0x3FB4] =	sst s10  }
0x38: {  	s10 =	sld [smem:$0x3FB5]  }
0x39: {  	_ = 	snop;
	(pc) =	sbr.ind lr, $3  }
0x3a: {  	_ = 	snop  }
0x3b: {  	_ = 	snop  }
0x3c: {  	p2 =	seq.s32 s10, $0x1;
	s10 =	sld [smem:$0x3FB4]  }
0x3d: {  	_ =	shalt  }
0x3e: {  	_ =	shalt  }
0x3f: {  	_ =	shalt  }
0x40: {  	_ =	shalt  }
0x41: {  	_ =	shalt  }
0x42: {  	_ =	shalt  }
0x43: {  	_ =	shalt  }
0x44: {  	_ =	shalt  }
0x45: {  	_ =	shalt  }
0x46: {  	_ =	shalt  }
0x47: {  	_ =	shalt  }
0x48: {  	_ =	shalt  }
0x49: {  	_ =	shalt  }
0x4a: {  	_ =	shalt  }
0x4b: {  	_ =	shalt  }
0x4c: {  	_ =	shalt  }
0x4d: {  	_ =	shalt  }
0x4e: {  	_ =	shalt  }
0x4f: {  	_ =	shalt  }
0x50: {  	_ =	shalt  }
0x51: {  	_ =	shalt  }
0x52: {  	_ =	shalt  }
0x53: {  	_ =	shalt  }
0x54: {  	_ =	shalt  }
0x55: {  	_ =	shalt  }
0x56: {  	_ =	shalt  }
0x57: {  	_ =	shalt  }
0x58: {  	_ =	shalt  }
0x59: {  	_ =	shalt  }
0x5a: {  	_ =	shalt  }
0x5b: {  	_ =	shalt  }
0x5c: {  	_ =	shalt  }
0x5d: {  	_ =	shalt  }
0x5e: {  	_ =	shalt  }
0x5f: {  	_ =	shalt  }
0x60: {  	_ =	shalt  }
0x61: {  	_ =	shalt  }
0x62: {  	_ =	shalt  }
0x63: {  	_ =	shalt  }
0x64: {  	_ =	shalt  }
0x65: {  	_ =	shalt  }
0x66: {  	_ =	shalt  }
0x67: {  	_ =	shalt  }
0x68: {  	_ =	shalt  }
0x69: {  	_ =	shalt  }
0x6a: {  	_ =	shalt  }
0x6b: {  	_ =	shalt  }
0x6c: {  	_ =	shalt  }
0x6d: {  	_ =	shalt  }
0x6e: {  	_ =	shalt  }
0x6f: {  	_ =	shalt  }
0x70: {  	_ =	shalt  }
0x71: {  	_ =	shalt  }
0x72: {  	_ =	shalt  }
0x73: {  	_ =	shalt  }
0x74: {  	_ =	shalt  }
0x75: {  	_ =	shalt  }
0x76: {  	_ =	shalt  }
0x77: {  	_ =	shalt  }
0x78: {  	_ =	shalt  }
0x79: {  	_ =	shalt  }
0x7a: {  	_ =	shalt  }
0x7b: {  	_ =	shalt  }
0x7c: {  	_ =	shalt  }
0x7d: {  	_ =	shalt  }
0x7e: {  	_ =	shalt  }
0x7f: {  	_ =	shalt  }
0x80: {  	_ =	shalt  }
0x81: {  	_ =	shalt  }
0x82: {  	_ =	shalt  }
0x83: {  	_ =	shalt  }
0x84: {  	_ =	shalt  }
0x85: {  	_ =	shalt  }
0x86: {  	_ =	shalt  }
0x87: {  	_ =	shalt  }
.Lfunc_end0:
.L_simem_size_0:
called_computation.3_lowered:
.L_overlay_start_0:
0x88: {  	s2 =	sld [smem:$0x3FD9]  }
0x89: {  	s3 =	sld [smem:$0x3FFE];
	_ =	sdelay $0x1  }
0x8a: {  	s1 =	srdreg.scid  }
0x8b: {  	s0 =	sand.u32 $0x1, s1  }
0x8c: {  	s17 =	sshll.u32 s0, $0xA;
	s2 =	sadd.s32 s3, s2  }
0x8d: {  	s2 =	sadd.s32 s2, s17  }
0x8e: {  	[smem:$0x3FC0] =	sst s2  }
0x8f: {  	_ = 	snop  }
0x90: {  	s2 =	sld [smem:$0x3FD0];
	(tm) =	ssettm $0x1  }
0x91: {  	s18 =	sld [smem:$0x3FFB];
	_ =	sdelay $0x3  }
0x92: {  	_ =	strace s18  }
0x93: {  	s3 =	sld [smem:$0x3FFC];
	_ =	sdelay $0x3  }
0x94: {  	_ =	strace s3  }
0x95: {  	s3 =	sld [smem:$0x3FFD];
	_ =	sdelay $0x3  }
0x96: {  	_ =	strace s3  }
0x97: {  	_ =	strace $0x8FFFFFFF  }
0x98: {  	s19 =	sld [smem:$0x3FDB];
	_ =	sdelay $0x1  }
0x99: {  	s4 =	simm.s32 $_scs_section_size  }
0x9a: {  	s5 =	simm.s32 $_size__tile_overlayer_lowered;
	s6 =	simm.s32 $_tile_overlayer_lowered  }
0x9b: {  	s22 =	simm.s32 $0x1BFF;
	s21 =	sshll.u32 s6, $0x1;
	s3 =	sadd.s32 s4, s19  }
0x9c: {  	s7 =	simm.s32 $0x0;
	s20 =	sshll.u32 s5, $0x1;
	s5 =	sadd.s32 s21, s3  }
0x9d: {  	[timem:s7], [sflag:s22] =	dma.local [hbm:s5], s20  }
0x9e: {  	_ =	swait.ge [sflag:s22], s20  }
0x9f: {  	s4 =	ssub.s32 $0x0, s20;
	[sflag:s22] =	ssyncset.done $0x0  }
0xa0: {  	[sflag:s22] =	ssyncadd.s32 s4;
	_ =	sdelay $0x1  }
0xa1: {  	s23 =	simm.s32 $0x1B8B  }
0xa2: {  	_ =	swait.ge [sflag:s23], $0x1  }
0xa3: {  	[sflag:s23] =	ssyncset.done $0x0  }
0xa4: {  	s25 =	simm.s32 $0x1B8E;
	s24 =	sld [smem:$0x3FFE];
	[sflag:s23] =	ssyncadd.s32 $0xFFFFFFFF  }
0xa5: {  	s26 =	simm.s32 $execute0_lowered;
	[smem:$0x3FD2] =	sst s25  }
0xa6: {  	s5 =	sshll.u32 s26, $0x1;
	_ =	strace $0x8000004F;
	[dreg:$0x1] =	wrdreg $0xFFFFFFFF  }
0xa7: {  	s28 =	simm.s32 $_size_execute0_lowered;
	s3 =	sadd.s32 s3, s5;
	[dreg:$0x0] =	wrdreg $0x0  }
0xa8: {  	s5 =	sshll.u32 s28, $0x1;
	[dreg:$0x2] =	wrdreg s3  }
0xa9: {  	[dreg:$0x3] =	wrdreg s5  }
0xaa: {  	[dreg:$0x4] =	wrdreg $0xC0  }
0xab: {  	_ =	task [dreg:s7], $0x5FFFF  }
0xac: {  	[dreg:$0x1] =	wrdreg $0xFFFFFFFF  }
0xad: {  	[dreg:$0x0] =	wrdreg $0x60  }
0xae: {  	[dreg:$0x2] =	wrdreg s2  }
0xaf: {  	[dreg:$0x3] =	wrdreg s24  }
0xb0: {  	[dreg:$0x4] =	wrdreg $0xA1800  }
0xb1: {  	[dreg:$0x5] =	wrdreg $0x9  }
0xb2: {  	_ =	task.clear_ibuf [dreg:s7], $0x6FFFF;
	_ =	strace $0x9000004F  }
0xb3: {  	s29 =	simm.s32 $0x9;
	_ =	strace $0x80000051  }
0xb4: {  	_ =	swait.ge [sflag:s29], $0x1  }
0xb5: {  	[sflag:s29] =	ssyncadd.s32 $0xFFFFFFFF  }
0xb6: {  	_ =	strace $0x90000051  }
0xb7: {  	_ =	sfence  }
0xb8: {  	s30 =	sld [smem:$0x0];
	_ =	sdelay $0x2  }
0xb9: {  	s31 =	sshll.u32 s1, $0xD;
	s1 =	sshrl.u32 s1, $0x2  }
0xba: {  	s3 =	sand.u32 $0x4000, s31;
	s1 =	sadd.s32 s1, s30  }
0xbb: {  	s0 =	sor.u32 s3, s0;
	s1 =	sshll.u32 s1, $0x11  }
0xbc: {  	s0 =	sor.u32 s1, s0  }
0xbd: {  	s0 =	sadd.s32 $0x8F2B, s0  }
0xbe: {  	[sflag:s0] =	ssyncadd.remote.s32 $0x1  }
0xbf: {  	_ =	sfence.sel $0xFFFF  }
0xc0: {  	[dreg:$0x0] =	wrdreg $0xFFFFFFFF;
	(pc) =	sbr.abs _section_cstart, $3  }
0xc1: {  	[dreg:$0x1] =	wrdreg $0xFFFFFFFF  }
0xc2: {  	_ =	task.clear_ibuf [dreg:s7], $0x2FFFF;
	_ =	strace $0x9FFFFFFF  }
0xc3: {  	(tm) =	ssettm $0x7FFFFFFF  }
tec
execute0_lowered:
.L_overlay_start_1:
0x0: {  	(tag) =	ssettag $0x1  }
0x1: {  	s0 =	rddreg [dreg:$0x0]  }
0x2: {  	s1 =	srdreg.scid;
	s4 =	rddreg [dreg:$0x1]  }
0x3: {  	s6 =	stileid.u32;
	s2 =	rddreg [dreg:$0x2];
	s17 =	simm.s32 $0x10  }
0x4: {  	s21 =	simm.s32 $0x1;
	s22 =	simm.s32 $0x3;
	s8 =	smul.u32 $0x13800, s6  }
0x5: {  	s23 =	simm.s32 $0x2;
	s1 =	sand.u32 $0x1, s1;
	s11 =	smul.u32 $0x4E000, s6  }
0x6: {  	s13 =	sadd.s32 $0x43E00, s4;
	s28 =	sshll.u32 s6, $0x6;
	s15 =	sadd.s32 $0x138000, s2  }
0x7: {  	p0 =	sne.s32 s6, $0x0;
	s3 =	sshll.u32 s1, $0x4;
	s10 =	ssub.s32 $0x2, s1  }
0x8: {  	s1 =	smul.u32 $0x138800, s1;
	s15 =	sshrl.u32 @!p0 s15, $0x3;
	s5 =	sor.u32 s6, s3  }
0x9: {  	s3 =	simm.s32 $0x0;
	s9 =	sshrl.u32 s8, $0x3;
	s25 =	sshrl.u32 s10, $0x1  }
0xa: {  	s26 =	sshrl.u32 s11, $0x2;
	s7 =	smul.u32 $0x4E2, s5;
	[smem:$0x7FF] =	sst s3  }
0xb: {  	s5 =	sshll.u32 s5, $0xB;
	s24 =	sadd.s32 s9, s4;
	s9 =	ssub.s32 s10, s25  }
0xc: {  	s14 =	sadd.s32 s26, s2;
	s30 =	sadd.s32 s8, s1;
	s1 =	sshrl.u32 s1, $0x3  }
0xd: {  	s26 =	simm.s32 $0x50;
	_ =	strace $0x80000050;
	s12 =	sadd.s32 s5, s4  }
0xe: {  	s5 =	sadd.s32 $0x1CC00, s24;
	s1 =	sadd.s32 s13, s1;
	s24 =	simm.s32 $0x0  }
0xf: {  	s7 =	sadd.s32 s7, s4;
	[dreg:$0x4] =	wrdreg s5;
	s4 =	sadd.s32 $0x43C00, s4  }
0x10: {  	s5 =	sor.u32 $0x1C04, s28;
	s31 =	sadd.s32 $0xCC10, s12;
	[dreg:$0x5] =	wrdreg s4  }
0x11: {  	s8 =	sadd.s32 $0xCC00, s12;
	s1 =	sadd.s32 $0x27000, s1;
	[dreg:$0x7] =	wrdreg s31  }
0x12: {  	s29 =	sadd.s32 $0x2E00, s7;
	s4 =	sshrl.u32 s30, $0x3;
	[dreg:$0x9] =	wrdreg s1  }
0x13: {  	s12 =	smax.u32 s9, $0x1;
	[dreg:$0x6] =	wrdreg s29;
	s4 =	sadd.s32 s13, s4  }
0x14: {  	s13 =	sshrl.u32 s14, $0x3;
	s14 =	simm.s32 $0x4;
	[dreg:$0x8] =	wrdreg s4  }
.LBB2_1:
0x15: {  	s1 =	rddreg [dreg:$0x4]  }
0x16: {  	[spmem:s13], [sflag:s5] =	dma.local [hbm:s1], $0x2700  }
0x17: {  	_ =	swait.ge [sflag:s14], $0x2700  }
0x18: {  	[sflag:s14] =	ssyncset.done $0x0  }
0x19: {  	s1 =	rddreg [dreg:$0x5];
	[sflag:s14] =	ssyncadd.s32 $0xFFFFD900  }
0x1a: {  	[spmem:s15], [sflag:s5] =	dma.local @!p0 [hbm:s1], $0x100  }
0x1b: {  	s1 =	simm.s32 @!p0 $0x4  }
0x1c: {  	_ =	swait.ge @!p0 [sflag:s1], $0x100  }
0x1d: {  	[sflag:s1] =	ssyncset.done @!p0 $0x0  }
0x1e: {  	s7 =	rddreg [dreg:$0x6];
	[sflag:s1] =	ssyncadd.s32 @!p0 $0xFFFFFF00  }
0x1f: {  	[tilespmem:s3], [sflag:$0x4] =	stream.linear.gather [hbm4b:s7+s3], $0x2710, $0x38;
	[tilespmem:$0x1DA08] =	vst v63  }
0x20: {  	_ =	swait.ge [sflag:s14], $0x2710  }
0x21: {  	[sflag:s14] =	ssyncset.done $0x0  }
0x22: {  	[sflag:s14] =	ssyncadd.s32 $0xFFFFD8F0  }
0x23: {  	s9 =	simm.s32 $0x2780;
	[bflag:$0x0] =	sbarrier.arrive $0xFFFF  }
0x24: {  	[tilespmem:s9], [sflag:$0x3] =	stream.linear.gather [hbm4b:s8+s3], $0x80, $0x38;
	[tilespmem:$0x1DA08] =	vst v63  }
0x25: {  	s10 =	simm.s32 $0x2980  }
0x26: {  	[tilespmem:s10], [sflag:$0x1] =	stream.indirect.gather [hbm4b:s0+s17], $0x80, s3, s17, $0xb8;
	[tilespmem:$0x1DA08] =	vst v63  }
0x27: {  	s11 =	simm.s32 $0x3180  }
0x28: {  	[tilespmem:s11], [sflag:$0x1] =	stream.indirect.gather [hbm4b:s0+s17], $0x80, s17, s17, $0xb8;
	[tilespmem:$0x1DA08] =	vst v63  }
0x29: {  	s4 =	simm.s32 $0x3980;
	s1 =	simm.s32 $0x20  }
0x2a: {  	[tilespmem:s4], [sflag:$0x1] =	stream.indirect.gather [hbm4b:s0+s17], $0x80, s1, s17, $0xb8;
	[tilespmem:$0x1DA08] =	vst v63  }
0x2b: {  	s16 =	simm.s32 $0x30;
	s6 =	simm.s32 $0x4180  }
0x2c: {  	[tilespmem:s6], [sflag:$0x1] =	stream.indirect.gather [hbm4b:s0+s17], $0x80, s16, s17, $0xb8;
	[tilespmem:$0x1DA08] =	vst v63  }
0x2d: {  	s18 =	simm.s32 $0x40;
	s19 =	simm.s32 $0x4980  }
0x2e: {  	[tilespmem:s19], [sflag:$0x1] =	stream.indirect.gather [hbm4b:s0+s17], $0x80, s18, s17, $0xb8;
	[tilespmem:$0x1DA08] =	vst v63  }
0x2f: {  	s25 =	simm.s32 $0x2800;
	s20 =	rddreg [dreg:$0x7]  }
0x30: {  	[tilespmem:s25], [sflag:$0x3] =	stream.linear.gather [hbm4b:s20+s3], $0x80, $0x38;
	[tilespmem:$0x1DA08] =	vst v63  }
0x31: {  	s6 =	simm.s32 $0x5180  }
0x32: {  	[tilespmem:s6], [sflag:$0x1] =	stream.indirect.gather [hbm4b:s0+s17], $0x80, s26, s17, $0xb8;
	[tilespmem:$0x1DA08] =	vst v63  }
0x33: {  	s7 =	simm.s32 $0x60;
	s9 =	simm.s32 $0x5980  }
0x34: {  	[tilespmem:s9], [sflag:$0x1] =	stream.indirect.gather [hbm4b:s0+s17], $0x80, s7, s17, $0xb8;
	[tilespmem:$0x1DA08] =	vst v63  }
0x35: {  	s10 =	simm.s32 $0x70;
	s11 =	simm.s32 $0x6180  }
0x36: {  	[tilespmem:s11], [sflag:$0x1] =	stream.indirect.gather [hbm4b:s0+s17], $0x80, s10, s17, $0xb8;
	[tilespmem:$0x1DA08] =	vst v63  }
0x37: {  	s16 =	simm.s32 $0x80;
	s18 =	simm.s32 $0x6980  }
0x38: {  	[tilespmem:s18], [sflag:$0x1] =	stream.indirect.gather [hbm4b:s0+s17], $0x80, s16, s17, $0xb8;
	[tilespmem:$0x1DA08] =	vst v63  }
0x39: {  	s19 =	simm.s32 $0x90;
	s20 =	simm.s32 $0x7180  }
0x3a: {  	[tilespmem:s20], [sflag:$0x1] =	stream.indirect.gather [hbm4b:s0+s17], $0x80, s19, s17, $0xb8;
	[tilespmem:$0x1DA08] =	vst v63  }
0x3b: {  	s28 =	simm.s32 $0x30;
	p1 =	por $0x0, $0x0;
	_ =	swait.ge [sflag:s21], $0x800  }
0x3c: {  	s29 =	simm.s32 $0x3;
	s25 =	simm.s32 $0x0;
	[sflag:s21] =	ssyncset.done $0x0  }
0x3d: {  	p2 =	por @!p1 $0x1, $0x1;
	s4 =	smul.u32 $0xAB, s25;
	[sflag:s21] =	ssyncadd.s32 $0xFFFFF800  }
0x3e: {  	s30 =	simm.s32 @!p1 $0xA0;
	p2 =	por p2, p1;
	_ =	swait.ge [sflag:s21], $0x800  }
0x3f: {  	s6 =	smul.u32 @!p1 $0xAB, s23;
	s4 =	sshrl.u32 s4, $0x9;
	[sflag:s21] =	ssyncset.done $0x0  }
0x40: {  	s25 =	simm.s32 $0x140;
	s4 =	sand.u32 $0x7F, s4;
	[sflag:s21] =	ssyncadd.s32 $0xFFFFF800  }
0x41: {  	s6 =	sshrl.u32 @!p1 s6, $0x9;
	s4 =	smul.u32 $0x3, s4;
	_ =	swait.ge [sflag:s21], $0x800  }
0x42: {  	s7 =	sand.u32 @!p1 $0x70, s1;
	s6 =	sand.u32 @!p1 $0x7F, s6;
	[sflag:s21] =	ssyncset.done $0x0  }
0x43: {  	s6 =	smul.u32 @!p1 $0x3, s6;
	s4 =	ssub.s32 $0x0, s4;
	[sflag:s21] =	ssyncadd.s32 $0xFFFFF800  }
0x44: {  	s1 =	sand.u32 @!p1 $0xF80, s1;
	s4 =	sand.u32 $0xFF, s4;
	_ =	swait.ge [sflag:s21], $0x800  }
0x45: {  	s6 =	ssub.s32 @!p1 $0x2, s6;
	s9 =	smul.u32 $0xA000, s4;
	[sflag:s21] =	ssyncset.done $0x0  }
0x46: {  	s4 =	sshll.u32 s4, $0x7;
	s6 =	sand.u32 @!p1 $0xFF, s6;
	[sflag:s21] =	ssyncadd.s32 $0xFFFFF800  }
0x47: {  	s4 =	sadd.s32 $0x2780, s4;
	s16 =	sshll.u32 @!p1 s6, $0x7;
	_ =	swait.ge [sflag:s21], $0x800  }
0x48: {  	s6 =	smul.u32 @!p1 $0xA000, s6;
	s20 =	simm.s32 @!p1 $0xD0;
	[sflag:s21] =	ssyncset.done $0x0  }
0x49: {  	s9 =	sshrl.u32 s9, $0x2;
	s19 =	sadd.s32 @!p1 $0x2780, s16;
	[sflag:s21] =	ssyncadd.s32 $0xFFFFF800  }
0x4a: {  	s16 =	sadd.s32 @!p1 s1, s8;
	s9 =	sadd.s32 $0x2980, s9;
	_ =	swait.ge [sflag:s22], $0x80  }
0x4b: {  	s10 =	sshrl.u32 @!p1 s6, $0x2;
	s6 =	simm.s32 @!p2 $0x2;
	[sflag:s22] =	ssyncset.done $0x0  }
0x4c: {  	s31 =	sadd.s32 @!p1 $0x2980, s10;
	s1 =	sadd.s32 @!p1 $0x3180, s10;
	[sflag:s22] =	ssyncadd.s32 $0xFFFFFF80  }
0x4d: {  	[spmem:s2] =	stream.indirect.scatter.add.f32 [tilespmem:s9], [sflag:$0x2], $0x80, s4, s26, $0xb8;
	[tilespmem:$0x1DA08] =	vst v63  }
0x4e: {  	s18 =	sadd.s32 @!p1 $0x4180, s10;
	s4 =	sadd.s32 @!p1 s7, s16;
	_ =	swait.ge @!p2 [sflag:s6], $0x2800  }
0x4f: {  	s16 =	sadd.s32 @!p1 $0x3980, s10;
	s7 =	simm.s32 @!p1 $0x0;
	[sflag:s6] =	ssyncset.done @!p2 $0x0  }
0x50: {  	s9 =	simm.s32 @!p1 $0xB0;
	[sflag:s6] =	ssyncadd.s32 @!p2 $0xFFFFD800;
	s6 =	simm.s32 @!p1 $0xC0  }
0x51: {  	[tilespmem:s19], [sflag:$0x3] =	stream.linear.gather @!p1 [hbm4b:s4+s7], $0x80, $0x38;
	[tilespmem:$0x1DA08] =	vst v63  }
0x52: {  	s19 =	simm.s32 @!p1 $0x10;
	s4 =	sadd.s32 @!p1 $0x4980, s10;
	s7 =	simm.s32 @!p1 $0xE0  }
.LBB2_2:
0x53: {  	[tilespmem:s31], [sflag:$0x1] =	stream.indirect.gather @!p1 [hbm4b:s0+s19], $0x80, s30, s19, $0xb8;
	[tilespmem:$0x1DA08] =	vst v63  }
0x54: {  	s30 =	smov.u32 s25;
	s25 =	sadd.s32 $0x140, s25;
	s31 =	smov.u32 s28  }
0x55: {  	[tilespmem:s1], [sflag:$0x1] =	stream.indirect.gather @!p1 [hbm4b:s0+s19], $0x80, s9, s19, $0xb8;
	[tilespmem:$0x1DA08] =	vst v63  }
0x56: {  	p2 =	sne.s32 s25, $0x9C40;
	s1 =	smov.u32 s29  }
0x57: {  	[tilespmem:s16], [sflag:$0x1] =	stream.indirect.gather @!p1 [hbm4b:s0+s19], $0x80, s6, s19, $0xb8;
	[tilespmem:$0x1DA08] =	vst v63  }
0x58: {  	_ = 	snop  }
0x59: {  	[tilespmem:s18], [sflag:$0x1] =	stream.indirect.gather @!p1 [hbm4b:s0+s19], $0x80, s20, s19, $0xb8;
	[tilespmem:$0x1DA08] =	vst v63  }
0x5a: {  	s6 =	sadd.s32 $0xFFFFFFFE, s29  }
0x5b: {  	s9 =	smul.u32 $0xAB, s6  }
0x5c: {  	[tilespmem:s4], [sflag:$0x1] =	stream.indirect.gather @!p1 [hbm4b:s0+s19], $0x80, s7, s19, $0xb8;
	[tilespmem:$0x1DA08] =	vst v63  }
0x5d: {  	s4 =	sshrl.u32 s9, $0x9;
	_ =	swait.ge [sflag:s21], $0x800  }
0x5e: {  	s28 =	sadd.s32 $0x10, s28;
	s4 =	sand.u32 $0x7F, s4;
	[sflag:s21] =	ssyncset.done $0x0  }
0x5f: {  	p1 =	sgt.u32 s6, $0x7A;
	s4 =	smul.u32 $0x3, s4;
	[sflag:s21] =	ssyncadd.s32 $0xFFFFF800  }
0x60: {  	s29 =	sadd.s32 $0x1, s29;
	s7 =	sand.u32 @!p1 $0x70, s31;
	_ =	swait.ge [sflag:s21], $0x800  }
0x61: {  	s4 =	ssub.s32 s6, s4;
	s6 =	smul.u32 @!p1 $0xAB, s1;
	[sflag:s21] =	ssyncset.done $0x0  }
0x62: {  	p3 =	seq.s32 @!p1 s30, $0x0;
	s4 =	sand.u32 $0xFF, s4;
	[sflag:s21] =	ssyncadd.s32 $0xFFFFF800  }
0x63: {  	s9 =	smul.u32 $0xA000, s4;
	s6 =	sshrl.u32 @!p1 s6, $0x9;
	_ =	swait.ge [sflag:s21], $0x800  }
0x64: {  	s4 =	sshll.u32 s4, $0x7;
	s6 =	sand.u32 @!p1 $0x7F, s6;
	[sflag:s21] =	ssyncset.done $0x0  }
0x65: {  	s9 =	sshrl.u32 s9, $0x2;
	s6 =	smul.u32 @!p1 $0x3, s6;
	[sflag:s21] =	ssyncadd.s32 $0xFFFFF800  }
0x66: {  	s4 =	sadd.s32 $0x2780, s4;
	s9 =	sadd.s32 $0x2980, s9;
	_ =	swait.ge [sflag:s21], $0x800  }
0x67: {  	s10 =	sand.u32 @!p1 $0xF80, s31;
	s1 =	ssub.s32 @!p1 s1, s6;
	[sflag:s21] =	ssyncset.done $0x0  }
0x68: {  	p3 =	por p3, p1;
	s1 =	sand.u32 @!p1 $0xFF, s1;
	[sflag:s21] =	ssyncadd.s32 $0xFFFFF800  }
0x69: {  	s6 =	sshll.u32 @!p1 s1, $0x7;
	s1 =	smul.u32 @!p1 $0xA000, s1;
	_ =	swait.ge [sflag:s21], $0x800  }
0x6a: {  	s11 =	sshra.s32 @!p1 s30, $0x2;
	s19 =	sadd.s32 @!p1 $0x2780, s6;
	[sflag:s21] =	ssyncset.done $0x0  }
0x6b: {  	s6 =	sadd.s32 @!p1 s10, s8;
	s10 =	sshrl.u32 @!p1 s1, $0x2;
	[sflag:s21] =	ssyncadd.s32 $0xFFFFF800  }
0x6c: {  	s31 =	sadd.s32 @!p1 $0x2980, s10;
	s1 =	sadd.s32 @!p1 $0x3180, s10;
	_ =	swait.ge [sflag:s22], $0x80  }
0x6d: {  	s7 =	sadd.s32 @!p1 s7, s6;
	s16 =	sadd.s32 @!p1 $0x3980, s10;
	[sflag:s22] =	ssyncset.done $0x0  }
0x6e: {  	s6 =	simm.s32 @!p3 $0x2;
	s18 =	sadd.s32 @!p1 $0x4180, s10;
	[sflag:s22] =	ssyncadd.s32 $0xFFFFFF80  }
0x6f: {  	[spmem:s2] =	stream.indirect.scatter.add.f32 [tilespmem:s9], [sflag:$0x2], $0x80, s4, s26, $0xb8;
	[tilespmem:$0x1DA08] =	vst v63  }
.Ltmp0:
0x70: {  	s4 =	simm.s32 @!p1 $0x0;
	_ =	swait.ge @!p3 [sflag:s6], $0x2800;
	(pc) =	sbr.rel @p2 .LBB2_2-.Ltmp0, $4  }
0x71: {  	s30 =	sadd.s32 @!p1 $0xA0, s11;
	s9 =	sadd.s32 @!p1 $0xB0, s11;
	[sflag:s6] =	ssyncset.done @!p3 $0x0  }
0x72: {  	s20 =	sadd.s32 @!p1 $0xD0, s11;
	[sflag:s6] =	ssyncadd.s32 @!p3 $0xFFFFD800;
	s6 =	sadd.s32 @!p1 $0xC0, s11  }
0x73: {  	[tilespmem:s19], [sflag:$0x3] =	stream.linear.gather @!p1 [hbm4b:s7+s4], $0x80, $0x38;
	[tilespmem:$0x1DA08] =	vst v63  }
0x74: {  	s19 =	simm.s32 @!p1 $0x10;
	s4 =	sadd.s32 @!p1 $0x4980, s10;
	s7 =	sadd.s32 @!p1 $0xE0, s11  }
0x75: {  	[tilespmem:s31], [sflag:$0x1] =	stream.indirect.gather @!p1 [hbm4b:s0+s19], $0x80, s30, s19, $0xb8;
	[tilespmem:$0x1DA08] =	vst v63  }
0x76: {  	_ = 	snop  }
0x77: {  	[tilespmem:s1], [sflag:$0x1] =	stream.indirect.gather @!p1 [hbm4b:s0+s19], $0x80, s9, s19, $0xb8;
	[tilespmem:$0x1DA08] =	vst v63  }
0x78: {  	_ = 	snop  }
0x79: {  	[tilespmem:s16], [sflag:$0x1] =	stream.indirect.gather @!p1 [hbm4b:s0+s19], $0x80, s6, s19, $0xb8;
	[tilespmem:$0x1DA08] =	vst v63  }
0x7a: {  	_ = 	snop  }
0x7b: {  	[tilespmem:s18], [sflag:$0x1] =	stream.indirect.gather @!p1 [hbm4b:s0+s19], $0x80, s20, s19, $0xb8;
	[tilespmem:$0x1DA08] =	vst v63  }
0x7c: {  	_ = 	snop  }
0x7d: {  	[tilespmem:s4], [sflag:$0x1] =	stream.indirect.gather @!p1 [hbm4b:s0+s19], $0x80, s7, s19, $0xb8;
	[tilespmem:$0x1DA08] =	vst v63  }
0x7e: {  	_ =	swait.ge [sflag:s23], $0x2800  }
0x7f: {  	[sflag:s23] =	ssyncset.done $0x0  }
0x80: {  	[sflag:s23] =	ssyncadd.s32 $0xFFFFD800  }
0x81: {  	_ =	swait.ge [sflag:s23], $0x2800  }
0x82: {  	[sflag:s23] =	ssyncset.done $0x0  }
0x83: {  	[sflag:s23] =	ssyncadd.s32 $0xFFFFD800  }
0x84: {  	_ =	swait.ge [sflag:s23], $0x2800  }
0x85: {  	[sflag:s23] =	ssyncset.done $0x0  }
0x86: {  	[sflag:s23] =	ssyncadd.s32 $0xFFFFD800  }
0x87: {  	[bflag:$0x0] =	sbarrier.arrive $0xFFFF  }
0x88: {  	s31 =	rddreg [dreg:$0x8]  }
0x89: {  	[hbm:s31], [sflag:s5] =	dma.local [spmem:s13], $0x2700  }
0x8a: {  	_ =	swait.ge [sflag:s14], $0x2700  }
0x8b: {  	s24 =	sadd.s32 $0x1, s24;
	[sflag:s14] =	ssyncset.done $0x0  }
0x8c: {  	p1 =	sne.s32 s24, s12;
	s1 =	rddreg [dreg:$0x9];
	[sflag:s14] =	ssyncadd.s32 $0xFFFFD900  }
0x8d: {  	[hbm:s1], [sflag:s5] =	dma.local @!p0 [spmem:s15], $0x100  }
.Ltmp1:
0x8e: {  	_ = 	snop;
	(pc) =	sbr.rel @p1 .LBB2_1-.Ltmp1, $4  }
0x8f: {  	s1 =	simm.s32 @!p0 $0x4  }
0x90: {  	_ =	swait.ge @!p0 [sflag:s1], $0x100  }
0x91: {  	[sflag:s1] =	ssyncset.done @!p0 $0x0  }
0x92: {  	[sflag:s1] =	ssyncadd.s32 @!p0 $0xFFFFFF00  }
0x93: {  	_ =	sfence.sel $0x180000  }
0x94: {  	[bflag:$0x0] =	sbarrier.arrive $0xFFFF  }
0x95: {  	_ =	strace $0x90000050  }
0x96: {  	[bflag:$0x2] =	sbarrier.arrive $0xFFFF  }
0x97: {  	s0 =	rddreg [dreg:$0x3]  }
0x98: {  	s0 =	sadd.s32 @!p0 $0x100000, s0  }
0x99: {  	[sflag:s0] =	ssyncadd.tile.s32 @!p0 $0x1;
	_ =	shalt  }
.Lfunc_end2:
_tile_overlayer_lowered:
.L_overlay_start_2:
0x9a: {  	(tag) =	ssettag $0x2  }
0x9b: {  	s0 =	rddreg [dreg:$0x0];
	s2 =	stileid.u32  }
0x9c: {  	s1 =	rddreg [dreg:$0x1];
	p0 =	sne.s32 s2, $0x0  }
0x9d: {  	s3 =	rddreg [dreg:$0x2];
	[bflag:$0x3] =	sbarrier.arrive $0xFFFF;
	s2 =	simm.s32 @!p0 $0x1C04  }
0x9e: {  	[timem:s3], [sflag:s2] =	dma.local @!p0 [hbm:s0], s1  }
0x9f: {  	s0 =	simm.s32 @!p0 $0x4  }
0xa0: {  	_ =	swait.ge @!p0 [sflag:s0], s1  }
0xa1: {  	s1 =	ssub.s32 @!p0 $0x0, s1;
	[sflag:s0] =	ssyncset.done @!p0 $0x0  }
0xa2: {  	[sflag:s0] =	ssyncadd.s32 @!p0 s1  }
0xa3: {  	[bflag:$0x3] =	sbarrier.arrive $0xFFFF  }
0xa4: {  	_ =	shalt  }

</sc_bundles>
